<compile_context>
chip_gen: v7x
topology: tpu7x:2x2x1
jax: 0.10.2.dev20260603
libtpu: 0.0.44.dev20260713+nightly
codegen_flags: <defaults>
</compile_context>

<pallas_src>
import jax
import jax.numpy as jnp
from jax import lax
from jax.experimental import pallas as pl
from jax.experimental.pallas import tpu as pltpu
from jax.experimental.pallas import tpu_sc as plsc

M = 1_000_000
D = 64
B = 16384
NT = 16
PER = B // NT
CH = 128
NCH = PER // CH
KD = D // 16
WL = 16
NW = 32
PERW = B // NW
NCW = PERW // CH


def _body1(idx_hbm, val_hbm, s_hbm, w_hbm,
           idx_vs, r_vs, wsrc, rv16, bufs, acc):
    cid = lax.axis_index("c")
    sid = lax.axis_index("s")

    @pl.when(cid == 0)
    def _():
        tid = sid
        base = tid * PER

        for c in range(NCH):
            pltpu.sync_copy(idx_hbm.at[pl.ds(base + c * CH, CH)], idx_vs[c])

        zbuf = bufs[0]

        def _zero_row(i, carry):
            for k in range(KD):
                zbuf[i, pl.ds(k * 16, 16)] = jnp.zeros((16,), jnp.float32)
            return carry
        lax.fori_loop(0, CH, _zero_row, 0)
        for c in range(NCH):
            pltpu.sync_copy(zbuf, acc.at[pl.ds(base + c * CH, CH)])

        for c in range(NCH):
            def _fill_row(i, carry):
                wsrc[i, :] = jnp.full((WL,), base + c * CH + i, jnp.int32)
                return carry
            lax.fori_loop(0, CH, _fill_row, 0)
            pltpu.sync_copy(wsrc, w_hbm.at[idx_vs[c]])

        plsc.subcore_barrier()

        lane = lax.iota(jnp.int32, 16)
        col0 = jnp.zeros((16,), jnp.int32)
        for c in range(NCH):
            pltpu.sync_copy(w_hbm.at[idx_vs[c]], rv16)
            for k in range(CH // 16):
                r_vs[c][pl.ds(k * 16, 16)] = plsc.load_gather(
                    rv16, [k * 16 + lane, col0])

        vbuf = bufs[1]
        for c in range(NCH):
            pltpu.sync_copy(val_hbm.at[pl.ds(base + c * CH, CH)], vbuf)
            pltpu.sync_copy(vbuf, acc.at[r_vs[c]], add=True)

        plsc.subcore_barrier()

        for c in range(NCH):
            pltpu.sync_copy(acc.at[r_vs[c]], bufs[c % 2])
            pltpu.sync_copy(bufs[c % 2], s_hbm.at[pl.ds(base + c * CH, CH)])


def _body2(mem_hbm, idx_hbm, s_hbm, out_hbm,
           idx_vs, mbufs, sbufs, sems):
    cid = lax.axis_index("c")
    sid = lax.axis_index("s")
    wid = sid * 2 + cid
    base = wid * PERW

    for c in range(NCW):
        pltpu.sync_copy(idx_hbm.at[pl.ds(base + c * CH, CH)], idx_vs[c])

    mems = [pltpu.async_copy(mem_hbm.at[idx_vs[0]], mbufs[0], sems[0])]
    ss = [pltpu.async_copy(s_hbm.at[pl.ds(base, CH)], sbufs[0], sems[2])]
    for c in range(NCW):
        mems[c].wait()
        ss[c].wait()
        if c + 1 < NCW:
            nb = (c + 1) % 2
            mems.append(pltpu.async_copy(
                mem_hbm.at[idx_vs[c + 1]], mbufs[nb], sems[nb]))
            ss.append(pltpu.async_copy(
                s_hbm.at[pl.ds(base + (c + 1) * CH, CH)], sbufs[nb],
                sems[2 + nb]))
        buf_a = mbufs[c % 2]
        buf_b = sbufs[c % 2]

        def _row(i, carry):
            for k in range(KD):
                x = buf_a[i, pl.ds(k * 16, 16)] + buf_b[i, pl.ds(k * 16, 16)]
                e = jnp.exp(x + x)
                buf_a[i, pl.ds(k * 16, 16)] = 1.0 - 2.0 / (e + 1.0)
            return carry
        lax.fori_loop(0, CH, _row, 0)

        pltpu.sync_copy(buf_a, out_hbm.at[pl.ds(base + c * CH, CH)])


def _mesh():
    return plsc.VectorSubcoreMesh(
        core_axis_name="c", subcore_axis_name="s",
        num_cores=2, num_subcores=16)


def _call1():
    return pl.kernel(
        _body1,
        out_type=(
            jax.ShapeDtypeStruct((B, D), jnp.float32),
            jax.ShapeDtypeStruct((M, WL), jnp.int32),
        ),
        mesh=_mesh(),
        scratch_types=(
            [pltpu.VMEM((CH,), jnp.int32) for _ in range(NCH)],
            [pltpu.VMEM((CH,), jnp.int32) for _ in range(NCH)],
            pltpu.VMEM((CH, WL), jnp.int32),
            pltpu.VMEM((CH, WL), jnp.int32),
            [pltpu.VMEM((CH, D), jnp.float32) for _ in range(2)],
            pltpu.VMEM_SHARED((B, D), jnp.float32),
        ),
        compiler_params=pltpu.CompilerParams(
            use_tc_tiling_on_sc=False, needs_layout_passes=False),
    )


def _call2():
    return pl.kernel(
        _body2,
        out_type=jax.ShapeDtypeStruct((B, D), jnp.float32),
        mesh=_mesh(),
        scratch_types=(
            [pltpu.VMEM((CH,), jnp.int32) for _ in range(NCW)],
            [pltpu.VMEM((CH, D), jnp.float32) for _ in range(2)],
            [pltpu.VMEM((CH, D), jnp.float32) for _ in range(2)],
            [pltpu.SemaphoreType.DMA for _ in range(4)],
        ),
        compiler_params=pltpu.CompilerParams(
            use_tc_tiling_on_sc=False, needs_layout_passes=False),
    )


@jax.jit
def _run(mem, idx, val):
    s, _ = _call1()(idx, val)
    return _call2()(mem, idx, s)


def kernel(mem, idx, val):
    return _run(mem, idx.astype(jnp.int32), val)

# --- scband reference (transcript-rebuilt; emitter-appended) ---
"""Pipeline reference for scband-eisanimodel-44332652429619 (READ-ONLY COPY).

The authoritative reference and input builder live on the scoring server;
editing this copy changes nothing except your own understanding.
"""

import jax, jax.numpy as jnp
import numpy as np

M = 1000000
D = 64
B = 16384

def setup_inputs(seed: int = 0) -> dict:
    key = jax.random.key(seed)
    k1, k2, k3 = jax.random.split(key, 3)
    mem = jax.random.normal(k1, (M, D), dtype=jnp.float32)
    idx = jax.random.randint(k2, (B,), 0, M)
    val = jax.random.normal(k3, (B, D), dtype=jnp.float32)
    return {"mem": mem, "idx": idx, "val": val}

def reference(mem, idx, val):
    # EISANI-style dynamic hidden-connection memory update:
    # scatter-accumulate new synapse/activation values into the large
    # neuron-segment memory, then gather back the touched rows
    # (binary-activation thresholding is modelled by the sign nonlinearity
    # applied to the read-back, matching the spec's binary neuron readout).
    updated = mem.at[idx].add(val)
    read = jnp.take(updated, idx, axis=0)
    out = jnp.tanh(read)
    return out

if __name__ == "__main__":
    import jax
    _d = setup_inputs()
    print(jax.jit(kernel)(*tuple(_d.values())))

</pallas_src>

<mosaic_0001>
#map = affine_map<(d0, d1) -> (0)>
#map1 = affine_map<(d0, d1) -> (0, 0)>
module attributes {stable_mosaic.version = 14 : i64} {
  func.func @_body1(%arg0: i32, %arg1: i32, %arg2: memref<16384xi32, #tpu.memory_space<hbm>>, %arg3: memref<16384x64xf32, #tpu.memory_space<hbm>>, %arg4: memref<16384x64xf32, #tpu.memory_space<hbm>>, %arg5: memref<1000000x16xi32, #tpu.memory_space<hbm>>, %arg6: memref<128xi32, #tpu.memory_space<vmem>>, %arg7: memref<128xi32, #tpu.memory_space<vmem>>, %arg8: memref<128xi32, #tpu.memory_space<vmem>>, %arg9: memref<128xi32, #tpu.memory_space<vmem>>, %arg10: memref<128xi32, #tpu.memory_space<vmem>>, %arg11: memref<128xi32, #tpu.memory_space<vmem>>, %arg12: memref<128xi32, #tpu.memory_space<vmem>>, %arg13: memref<128xi32, #tpu.memory_space<vmem>>, %arg14: memref<128xi32, #tpu.memory_space<vmem>>, %arg15: memref<128xi32, #tpu.memory_space<vmem>>, %arg16: memref<128xi32, #tpu.memory_space<vmem>>, %arg17: memref<128xi32, #tpu.memory_space<vmem>>, %arg18: memref<128xi32, #tpu.memory_space<vmem>>, %arg19: memref<128xi32, #tpu.memory_space<vmem>>, %arg20: memref<128xi32, #tpu.memory_space<vmem>>, %arg21: memref<128xi32, #tpu.memory_space<vmem>>, %arg22: memref<128x16xi32, #tpu.memory_space<vmem>>, %arg23: memref<128x16xi32, #tpu.memory_space<vmem>>, %arg24: memref<128x64xf32, #tpu.memory_space<vmem>>, %arg25: memref<128x64xf32, #tpu.memory_space<vmem>>, %arg26: memref<16384x64xf32, #tpu.memory_space<vmem_shared>>) attributes {dimension_semantics = [#tpu.dimension_semantics<core_parallel>, #tpu.dimension_semantics<subcore_parallel>], iteration_bounds = array<i64: 2, 16>, scalar_prefetch = 0 : i64, scratch_operands = 21 : i64, tpu.core_type = #tpu.core_type<sc_vector_subcore>, window_params = [{transform_indices = #map}, {transform_indices = #map1}, {transform_indices = #map1}, {transform_indices = #map1}]} {
    %eq3A = arith.constant 0 : i32
    %eq3A_0 = arith.cmpi eq, %arg0, %eq3A : i32
    %convert_element_type3A = arith.extui %eq3A_0 : i1 to i32
    %cond3A = arith.constant 0 : i32
    %cond3A_1 = arith.cmpi ne, %convert_element_type3A, %cond3A : i32
    scf.if %cond3A_1 {
      %mul3A = arith.constant 1024 : i32
      %mul3A_2 = arith.muli %arg1, %mul3A : i32
      %add3A = arith.constant 0 : i32
      %add3A_3 = arith.addi %mul3A_2, %add3A : i32
      "tpu.region"() ({
        %run_scoped3A = tpu.sem_alloc : memref<!tpu.dma_semaphore, #tpu.memory_space<semaphore_mem>>
        %dma_start3A = tpu.memref_slice %arg2[%add3A_3] : memref<16384xi32, #tpu.memory_space<hbm>> -> memref<128xi32, #tpu.memory_space<hbm>>
        %dma_start3A_503 = tpu.memref_slice %arg2[%add3A_3] : memref<16384xi32, #tpu.memory_space<hbm>> -> memref<128xi32, #tpu.memory_space<hbm>>
        tpu.enqueue_dma source(%dma_start3A_503 : memref<128xi32, #tpu.memory_space<hbm>>) target(%arg6 : memref<128xi32, #tpu.memory_space<vmem>>) target_semaphore(%run_scoped3A : memref<!tpu.dma_semaphore, #tpu.memory_space<semaphore_mem>>)
        %dma_wait3A = tpu.memref_slice %arg2[%add3A_3] : memref<16384xi32, #tpu.memory_space<hbm>> -> memref<128xi32, #tpu.memory_space<hbm>>
        %dma_wait3A_504 = tpu.memref_slice %arg2[%add3A_3] : memref<16384xi32, #tpu.memory_space<hbm>> -> memref<128xi32, #tpu.memory_space<hbm>>
        tpu.wait_dma2 semaphore(%run_scoped3A : memref<!tpu.dma_semaphore, #tpu.memory_space<semaphore_mem>>) src(%dma_wait3A_504 : memref<128xi32, #tpu.memory_space<hbm>>) dst(%arg6 : memref<128xi32, #tpu.memory_space<vmem>>)
        tpu.yield
      }) : () -> ()
      %add3A_4 = arith.constant 128 : i32
      %add3A_5 = arith.addi %mul3A_2, %add3A_4 : i32
      "tpu.region"() ({
        %run_scoped3A = tpu.sem_alloc : memref<!tpu.dma_semaphore, #tpu.memory_space<semaphore_mem>>
        %dma_start3A = tpu.memref_slice %arg2[%add3A_5] : memref<16384xi32, #tpu.memory_space<hbm>> -> memref<128xi32, #tpu.memory_space<hbm>>
        %dma_start3A_503 = tpu.memref_slice %arg2[%add3A_5] : memref<16384xi32, #tpu.memory_space<hbm>> -> memref<128xi32, #tpu.memory_space<hbm>>
        tpu.enqueue_dma source(%dma_start3A_503 : memref<128xi32, #tpu.memory_space<hbm>>) target(%arg7 : memref<128xi32, #tpu.memory_space<vmem>>) target_semaphore(%run_scoped3A : memref<!tpu.dma_semaphore, #tpu.memory_space<semaphore_mem>>)
        %dma_wait3A = tpu.memref_slice %arg2[%add3A_5] : memref<16384xi32, #tpu.memory_space<hbm>> -> memref<128xi32, #tpu.memory_space<hbm>>
        %dma_wait3A_504 = tpu.memref_slice %arg2[%add3A_5] : memref<16384xi32, #tpu.memory_space<hbm>> -> memref<128xi32, #tpu.memory_space<hbm>>
        tpu.wait_dma2 semaphore(%run_scoped3A : memref<!tpu.dma_semaphore, #tpu.memory_space<semaphore_mem>>) src(%dma_wait3A_504 : memref<128xi32, #tpu.memory_space<hbm>>) dst(%arg7 : memref<128xi32, #tpu.memory_space<vmem>>)
        tpu.yield
      }) : () -> ()
      %add3A_6 = arith.constant 256 : i32
      %add3A_7 = arith.addi %mul3A_2, %add3A_6 : i32
      "tpu.region"() ({
        %run_scoped3A = tpu.sem_alloc : memref<!tpu.dma_semaphore, #tpu.memory_space<semaphore_mem>>
        %dma_start3A = tpu.memref_slice %arg2[%add3A_7] : memref<16384xi32, #tpu.memory_space<hbm>> -> memref<128xi32, #tpu.memory_space<hbm>>
        %dma_start3A_503 = tpu.memref_slice %arg2[%add3A_7] : memref<16384xi32, #tpu.memory_space<hbm>> -> memref<128xi32, #tpu.memory_space<hbm>>
        tpu.enqueue_dma source(%dma_start3A_503 : memref<128xi32, #tpu.memory_space<hbm>>) target(%arg8 : memref<128xi32, #tpu.memory_space<vmem>>) target_semaphore(%run_scoped3A : memref<!tpu.dma_semaphore, #tpu.memory_space<semaphore_mem>>)
        %dma_wait3A = tpu.memref_slice %arg2[%add3A_7] : memref<16384xi32, #tpu.memory_space<hbm>> -> memref<128xi32, #tpu.memory_space<hbm>>
        %dma_wait3A_504 = tpu.memref_slice %arg2[%add3A_7] : memref<16384xi32, #tpu.memory_space<hbm>> -> memref<128xi32, #tpu.memory_space<hbm>>
        tpu.wait_dma2 semaphore(%run_scoped3A : memref<!tpu.dma_semaphore, #tpu.memory_space<semaphore_mem>>) src(%dma_wait3A_504 : memref<128xi32, #tpu.memory_space<hbm>>) dst(%arg8 : memref<128xi32, #tpu.memory_space<vmem>>)
        tpu.yield
      }) : () -> ()
      %add3A_8 = arith.constant 384 : i32
      %add3A_9 = arith.addi %mul3A_2, %add3A_8 : i32
      "tpu.region"() ({
        %run_scoped3A = tpu.sem_alloc : memref<!tpu.dma_semaphore, #tpu.memory_space<semaphore_mem>>
        %dma_start3A = tpu.memref_slice %arg2[%add3A_9] : memref<16384xi32, #tpu.memory_space<hbm>> -> memref<128xi32, #tpu.memory_space<hbm>>
        %dma_start3A_503 = tpu.memref_slice %arg2[%add3A_9] : memref<16384xi32, #tpu.memory_space<hbm>> -> memref<128xi32, #tpu.memory_space<hbm>>
        tpu.enqueue_dma source(%dma_start3A_503 : memref<128xi32, #tpu.memory_space<hbm>>) target(%arg9 : memref<128xi32, #tpu.memory_space<vmem>>) target_semaphore(%run_scoped3A : memref<!tpu.dma_semaphore, #tpu.memory_space<semaphore_mem>>)
        %dma_wait3A = tpu.memref_slice %arg2[%add3A_9] : memref<16384xi32, #tpu.memory_space<hbm>> -> memref<128xi32, #tpu.memory_space<hbm>>
        %dma_wait3A_504 = tpu.memref_slice %arg2[%add3A_9] : memref<16384xi32, #tpu.memory_space<hbm>> -> memref<128xi32, #tpu.memory_space<hbm>>
        tpu.wait_dma2 semaphore(%run_scoped3A : memref<!tpu.dma_semaphore, #tpu.memory_space<semaphore_mem>>) src(%dma_wait3A_504 : memref<128xi32, #tpu.memory_space<hbm>>) dst(%arg9 : memref<128xi32, #tpu.memory_space<vmem>>)
        tpu.yield
      }) : () -> ()
      %add3A_10 = arith.constant 512 : i32
      %add3A_11 = arith.addi %mul3A_2, %add3A_10 : i32
      "tpu.region"() ({
        %run_scoped3A = tpu.sem_alloc : memref<!tpu.dma_semaphore, #tpu.memory_space<semaphore_mem>>
        %dma_start3A = tpu.memref_slice %arg2[%add3A_11] : memref<16384xi32, #tpu.memory_space<hbm>> -> memref<128xi32, #tpu.memory_space<hbm>>
        %dma_start3A_503 = tpu.memref_slice %arg2[%add3A_11] : memref<16384xi32, #tpu.memory_space<hbm>> -> memref<128xi32, #tpu.memory_space<hbm>>
        tpu.enqueue_dma source(%dma_start3A_503 : memref<128xi32, #tpu.memory_space<hbm>>) target(%arg10 : memref<128xi32, #tpu.memory_space<vmem>>) target_semaphore(%run_scoped3A : memref<!tpu.dma_semaphore, #tpu.memory_space<semaphore_mem>>)
        %dma_wait3A = tpu.memref_slice %arg2[%add3A_11] : memref<16384xi32, #tpu.memory_space<hbm>> -> memref<128xi32, #tpu.memory_space<hbm>>
        %dma_wait3A_504 = tpu.memref_slice %arg2[%add3A_11] : memref<16384xi32, #tpu.memory_space<hbm>> -> memref<128xi32, #tpu.memory_space<hbm>>
        tpu.wait_dma2 semaphore(%run_scoped3A : memref<!tpu.dma_semaphore, #tpu.memory_space<semaphore_mem>>) src(%dma_wait3A_504 : memref<128xi32, #tpu.memory_space<hbm>>) dst(%arg10 : memref<128xi32, #tpu.memory_space<vmem>>)
        tpu.yield
      }) : () -> ()
      %add3A_12 = arith.constant 640 : i32
      %add3A_13 = arith.addi %mul3A_2, %add3A_12 : i32
      "tpu.region"() ({
        %run_scoped3A = tpu.sem_alloc : memref<!tpu.dma_semaphore, #tpu.memory_space<semaphore_mem>>
        %dma_start3A = tpu.memref_slice %arg2[%add3A_13] : memref<16384xi32, #tpu.memory_space<hbm>> -> memref<128xi32, #tpu.memory_space<hbm>>
        %dma_start3A_503 = tpu.memref_slice %arg2[%add3A_13] : memref<16384xi32, #tpu.memory_space<hbm>> -> memref<128xi32, #tpu.memory_space<hbm>>
        tpu.enqueue_dma source(%dma_start3A_503 : memref<128xi32, #tpu.memory_space<hbm>>) target(%arg11 : memref<128xi32, #tpu.memory_space<vmem>>) target_semaphore(%run_scoped3A : memref<!tpu.dma_semaphore, #tpu.memory_space<semaphore_mem>>)
        %dma_wait3A = tpu.memref_slice %arg2[%add3A_13] : memref<16384xi32, #tpu.memory_space<hbm>> -> memref<128xi32, #tpu.memory_space<hbm>>
        %dma_wait3A_504 = tpu.memref_slice %arg2[%add3A_13] : memref<16384xi32, #tpu.memory_space<hbm>> -> memref<128xi32, #tpu.memory_space<hbm>>
        tpu.wait_dma2 semaphore(%run_scoped3A : memref<!tpu.dma_semaphore, #tpu.memory_space<semaphore_mem>>) src(%dma_wait3A_504 : memref<128xi32, #tpu.memory_space<hbm>>) dst(%arg11 : memref<128xi32, #tpu.memory_space<vmem>>)
        tpu.yield
      }) : () -> ()
      %add3A_14 = arith.constant 768 : i32
      %add3A_15 = arith.addi %mul3A_2, %add3A_14 : i32
      "tpu.region"() ({
        %run_scoped3A = tpu.sem_alloc : memref<!tpu.dma_semaphore, #tpu.memory_space<semaphore_mem>>
        %dma_start3A = tpu.memref_slice %arg2[%add3A_15] : memref<16384xi32, #tpu.memory_space<hbm>> -> memref<128xi32, #tpu.memory_space<hbm>>
        %dma_start3A_503 = tpu.memref_slice %arg2[%add3A_15] : memref<16384xi32, #tpu.memory_space<hbm>> -> memref<128xi32, #tpu.memory_space<hbm>>
        tpu.enqueue_dma source(%dma_start3A_503 : memref<128xi32, #tpu.memory_space<hbm>>) target(%arg12 : memref<128xi32, #tpu.memory_space<vmem>>) target_semaphore(%run_scoped3A : memref<!tpu.dma_semaphore, #tpu.memory_space<semaphore_mem>>)
        %dma_wait3A = tpu.memref_slice %arg2[%add3A_15] : memref<16384xi32, #tpu.memory_space<hbm>> -> memref<128xi32, #tpu.memory_space<hbm>>
        %dma_wait3A_504 = tpu.memref_slice %arg2[%add3A_15] : memref<16384xi32, #tpu.memory_space<hbm>> -> memref<128xi32, #tpu.memory_space<hbm>>
        tpu.wait_dma2 semaphore(%run_scoped3A : memref<!tpu.dma_semaphore, #tpu.memory_space<semaphore_mem>>) src(%dma_wait3A_504 : memref<128xi32, #tpu.memory_space<hbm>>) dst(%arg12 : memref<128xi32, #tpu.memory_space<vmem>>)
        tpu.yield
      }) : () -> ()
      %add3A_16 = arith.constant 896 : i32
      %add3A_17 = arith.addi %mul3A_2, %add3A_16 : i32
      "tpu.region"() ({
        %run_scoped3A = tpu.sem_alloc : memref<!tpu.dma_semaphore, #tpu.memory_space<semaphore_mem>>
        %dma_start3A = tpu.memref_slice %arg2[%add3A_17] : memref<16384xi32, #tpu.memory_space<hbm>> -> memref<128xi32, #tpu.memory_space<hbm>>
        %dma_start3A_503 = tpu.memref_slice %arg2[%add3A_17] : memref<16384xi32, #tpu.memory_space<hbm>> -> memref<128xi32, #tpu.memory_space<hbm>>
        tpu.enqueue_dma source(%dma_start3A_503 : memref<128xi32, #tpu.memory_space<hbm>>) target(%arg13 : memref<128xi32, #tpu.memory_space<vmem>>) target_semaphore(%run_scoped3A : memref<!tpu.dma_semaphore, #tpu.memory_space<semaphore_mem>>)
        %dma_wait3A = tpu.memref_slice %arg2[%add3A_17] : memref<16384xi32, #tpu.memory_space<hbm>> -> memref<128xi32, #tpu.memory_space<hbm>>
        %dma_wait3A_504 = tpu.memref_slice %arg2[%add3A_17] : memref<16384xi32, #tpu.memory_space<hbm>> -> memref<128xi32, #tpu.memory_space<hbm>>
        tpu.wait_dma2 semaphore(%run_scoped3A : memref<!tpu.dma_semaphore, #tpu.memory_space<semaphore_mem>>) src(%dma_wait3A_504 : memref<128xi32, #tpu.memory_space<hbm>>) dst(%arg13 : memref<128xi32, #tpu.memory_space<vmem>>)
        tpu.yield
      }) : () -> ()
      %scan3A = arith.constant 0 : i32
      %scan3A_18 = arith.constant 0 : i32
      %scan3A_19 = arith.constant 128 : i32
      %scan3A_20 = arith.addi %scan3A_18, %scan3A_19 : i32
      %scan3A_21 = arith.constant 1 : i32
      scf.for %scan3A_503 = %scan3A_18 to %scan3A_20 step %scan3A_21  : i32 {
        %broadcast_in_dim3A_504 = arith.constant 0.000000e+00 : f32
        %broadcast_in_dim3A_505 = vector.broadcast %broadcast_in_dim3A_504 : f32 to vector<16xf32>
        %swap3A_506 = arith.index_cast %scan3A_503 : i32 to index
        %swap3A_507 = arith.constant 0 : index
        %swap3A_508 = tpu.vector_load %arg24[%swap3A_506, %swap3A_507] {strides = array<i32>} : memref<128x64xf32, #tpu.memory_space<vmem>>, vector<16xf32>,
        tpu.vector_store %arg24[%swap3A_506, %swap3A_507], %broadcast_in_dim3A_505 {strides = array<i32>} : memref<128x64xf32, #tpu.memory_space<vmem>>, vector<16xf32>,
        %broadcast_in_dim3A_509 = arith.constant 0.000000e+00 : f32
        %broadcast_in_dim3A_510 = vector.broadcast %broadcast_in_dim3A_509 : f32 to vector<16xf32>
        %swap3A_511 = arith.index_cast %scan3A_503 : i32 to index
        %swap3A_512 = arith.constant 16 : index
        %swap3A_513 = tpu.vector_load %arg24[%swap3A_511, %swap3A_512] {strides = array<i32>} : memref<128x64xf32, #tpu.memory_space<vmem>>, vector<16xf32>,
        tpu.vector_store %arg24[%swap3A_511, %swap3A_512], %broadcast_in_dim3A_510 {strides = array<i32>} : memref<128x64xf32, #tpu.memory_space<vmem>>, vector<16xf32>,
        %broadcast_in_dim3A_514 = arith.constant 0.000000e+00 : f32
        %broadcast_in_dim3A_515 = vector.broadcast %broadcast_in_dim3A_514 : f32 to vector<16xf32>
        %swap3A_516 = arith.index_cast %scan3A_503 : i32 to index
        %swap3A_517 = arith.constant 32 : index
        %swap3A_518 = tpu.vector_load %arg24[%swap3A_516, %swap3A_517] {strides = array<i32>} : memref<128x64xf32, #tpu.memory_space<vmem>>, vector<16xf32>,
        tpu.vector_store %arg24[%swap3A_516, %swap3A_517], %broadcast_in_dim3A_515 {strides = array<i32>} : memref<128x64xf32, #tpu.memory_space<vmem>>, vector<16xf32>,
        %broadcast_in_dim3A_519 = arith.constant 0.000000e+00 : f32
        %broadcast_in_dim3A_520 = vector.broadcast %broadcast_in_dim3A_519 : f32 to vector<16xf32>
        %swap3A_521 = arith.index_cast %scan3A_503 : i32 to index
        %swap3A_522 = arith.constant 48 : index
        %swap3A_523 = tpu.vector_load %arg24[%swap3A_521, %swap3A_522] {strides = array<i32>} : memref<128x64xf32, #tpu.memory_space<vmem>>, vector<16xf32>,
        tpu.vector_store %arg24[%swap3A_521, %swap3A_522], %broadcast_in_dim3A_520 {strides = array<i32>} : memref<128x64xf32, #tpu.memory_space<vmem>>, vector<16xf32>,
      }
      %scan3A_22 = arith.constant 128 : i32
      %add3A_23 = arith.constant 0 : i32
      %add3A_24 = arith.addi %mul3A_2, %add3A_23 : i32
      "tpu.region"() ({
        %run_scoped3A = tpu.sem_alloc : memref<!tpu.dma_semaphore, #tpu.memory_space<semaphore_mem>>
        %dma_start3A = arith.constant 0 : i32
        %dma_start3A_503 = tpu.memref_slice %arg26[%add3A_24, %dma_start3A] : memref<16384x64xf32, #tpu.memory_space<vmem_shared>> -> memref<128x64xf32, #tpu.memory_space<vmem_shared>>
        %dma_start3A_504 = arith.constant 0 : i32
        %dma_start3A_505 = tpu.memref_slice %arg26[%add3A_24, %dma_start3A_504] : memref<16384x64xf32, #tpu.memory_space<vmem_shared>> -> memref<128x64xf32, #tpu.memory_space<vmem_shared>>
        tpu.enqueue_dma source(%arg24 : memref<128x64xf32, #tpu.memory_space<vmem>>) target(%dma_start3A_505 : memref<128x64xf32, #tpu.memory_space<vmem_shared>>) target_semaphore(%run_scoped3A : memref<!tpu.dma_semaphore, #tpu.memory_space<semaphore_mem>>)
        %dma_wait3A = arith.constant 0 : i32
        %dma_wait3A_506 = tpu.memref_slice %arg26[%add3A_24, %dma_wait3A] : memref<16384x64xf32, #tpu.memory_space<vmem_shared>> -> memref<128x64xf32, #tpu.memory_space<vmem_shared>>
        %dma_wait3A_507 = arith.constant 0 : i32
        %dma_wait3A_508 = tpu.memref_slice %arg26[%add3A_24, %dma_wait3A_507] : memref<16384x64xf32, #tpu.memory_space<vmem_shared>> -> memref<128x64xf32, #tpu.memory_space<vmem_shared>>
        tpu.wait_dma2 semaphore(%run_scoped3A : memref<!tpu.dma_semaphore, #tpu.memory_space<semaphore_mem>>) src(%arg24 : memref<128x64xf32, #tpu.memory_space<vmem>>) dst(%dma_wait3A_508 : memref<128x64xf32, #tpu.memory_space<vmem_shared>>)
        tpu.yield
      }) : () -> ()
      %add3A_25 = arith.constant 128 : i32
      %add3A_26 = arith.addi %mul3A_2, %add3A_25 : i32
      "tpu.region"() ({
        %run_scoped3A = tpu.sem_alloc : memref<!tpu.dma_semaphore, #tpu.memory_space<semaphore_mem>>
        %dma_start3A = arith.constant 0 : i32
        %dma_start3A_503 = tpu.memref_slice %arg26[%add3A_26, %dma_start3A] : memref<16384x64xf32, #tpu.memory_space<vmem_shared>> -> memref<128x64xf32, #tpu.memory_space<vmem_shared>>
        %dma_start3A_504 = arith.constant 0 : i32
        %dma_start3A_505 = tpu.memref_slice %arg26[%add3A_26, %dma_start3A_504] : memref<16384x64xf32, #tpu.memory_space<vmem_shared>> -> memref<128x64xf32, #tpu.memory_space<vmem_shared>>
        tpu.enqueue_dma source(%arg24 : memref<128x64xf32, #tpu.memory_space<vmem>>) target(%dma_start3A_505 : memref<128x64xf32, #tpu.memory_space<vmem_shared>>) target_semaphore(%run_scoped3A : memref<!tpu.dma_semaphore, #tpu.memory_space<semaphore_mem>>)
        %dma_wait3A = arith.constant 0 : i32
        %dma_wait3A_506 = tpu.memref_slice %arg26[%add3A_26, %dma_wait3A] : memref<16384x64xf32, #tpu.memory_space<vmem_shared>> -> memref<128x64xf32, #tpu.memory_space<vmem_shared>>
        %dma_wait3A_507 = arith.constant 0 : i32
        %dma_wait3A_508 = tpu.memref_slice %arg26[%add3A_26, %dma_wait3A_507] : memref<16384x64xf32, #tpu.memory_space<vmem_shared>> -> memref<128x64xf32, #tpu.memory_space<vmem_shared>>
        tpu.wait_dma2 semaphore(%run_scoped3A : memref<!tpu.dma_semaphore, #tpu.memory_space<semaphore_mem>>) src(%arg24 : memref<128x64xf32, #tpu.memory_space<vmem>>) dst(%dma_wait3A_508 : memref<128x64xf32, #tpu.memory_space<vmem_shared>>)
        tpu.yield
      }) : () -> ()
      %add3A_27 = arith.constant 256 : i32
      %add3A_28 = arith.addi %mul3A_2, %add3A_27 : i32
      "tpu.region"() ({
        %run_scoped3A = tpu.sem_alloc : memref<!tpu.dma_semaphore, #tpu.memory_space<semaphore_mem>>
        %dma_start3A = arith.constant 0 : i32
        %dma_start3A_503 = tpu.memref_slice %arg26[%add3A_28, %dma_start3A] : memref<16384x64xf32, #tpu.memory_space<vmem_shared>> -> memref<128x64xf32, #tpu.memory_space<vmem_shared>>
        %dma_start3A_504 = arith.constant 0 : i32
        %dma_start3A_505 = tpu.memref_slice %arg26[%add3A_28, %dma_start3A_504] : memref<16384x64xf32, #tpu.memory_space<vmem_shared>> -> memref<128x64xf32, #tpu.memory_space<vmem_shared>>
        tpu.enqueue_dma source(%arg24 : memref<128x64xf32, #tpu.memory_space<vmem>>) target(%dma_start3A_505 : memref<128x64xf32, #tpu.memory_space<vmem_shared>>) target_semaphore(%run_scoped3A : memref<!tpu.dma_semaphore, #tpu.memory_space<semaphore_mem>>)
        %dma_wait3A = arith.constant 0 : i32
        %dma_wait3A_506 = tpu.memref_slice %arg26[%add3A_28, %dma_wait3A] : memref<16384x64xf32, #tpu.memory_space<vmem_shared>> -> memref<128x64xf32, #tpu.memory_space<vmem_shared>>
        %dma_wait3A_507 = arith.constant 0 : i32
        %dma_wait3A_508 = tpu.memref_slice %arg26[%add3A_28, %dma_wait3A_507] : memref<16384x64xf32, #tpu.memory_space<vmem_shared>> -> memref<128x64xf32, #tpu.memory_space<vmem_shared>>
        tpu.wait_dma2 semaphore(%run_scoped3A : memref<!tpu.dma_semaphore, #tpu.memory_space<semaphore_mem>>) src(%arg24 : memref<128x64xf32, #tpu.memory_space<vmem>>) dst(%dma_wait3A_508 : memref<128x64xf32, #tpu.memory_space<vmem_shared>>)
        tpu.yield
      }) : () -> ()
      %add3A_29 = arith.constant 384 : i32
      %add3A_30 = arith.addi %mul3A_2, %add3A_29 : i32
      "tpu.region"() ({
        %run_scoped3A = tpu.sem_alloc : memref<!tpu.dma_semaphore, #tpu.memory_space<semaphore_mem>>
        %dma_start3A = arith.constant 0 : i32
        %dma_start3A_503 = tpu.memref_slice %arg26[%add3A_30, %dma_start3A] : memref<16384x64xf32, #tpu.memory_space<vmem_shared>> -> memref<128x64xf32, #tpu.memory_space<vmem_shared>>
        %dma_start3A_504 = arith.constant 0 : i32
        %dma_start3A_505 = tpu.memref_slice %arg26[%add3A_30, %dma_start3A_504] : memref<16384x64xf32, #tpu.memory_space<vmem_shared>> -> memref<128x64xf32, #tpu.memory_space<vmem_shared>>
        tpu.enqueue_dma source(%arg24 : memref<128x64xf32, #tpu.memory_space<vmem>>) target(%dma_start3A_505 : memref<128x64xf32, #tpu.memory_space<vmem_shared>>) target_semaphore(%run_scoped3A : memref<!tpu.dma_semaphore, #tpu.memory_space<semaphore_mem>>)
        %dma_wait3A = arith.constant 0 : i32
        %dma_wait3A_506 = tpu.memref_slice %arg26[%add3A_30, %dma_wait3A] : memref<16384x64xf32, #tpu.memory_space<vmem_shared>> -> memref<128x64xf32, #tpu.memory_space<vmem_shared>>
        %dma_wait3A_507 = arith.constant 0 : i32
        %dma_wait3A_508 = tpu.memref_slice %arg26[%add3A_30, %dma_wait3A_507] : memref<16384x64xf32, #tpu.memory_space<vmem_shared>> -> memref<128x64xf32, #tpu.memory_space<vmem_shared>>
        tpu.wait_dma2 semaphore(%run_scoped3A : memref<!tpu.dma_semaphore, #tpu.memory_space<semaphore_mem>>) src(%arg24 : memref<128x64xf32, #tpu.memory_space<vmem>>) dst(%dma_wait3A_508 : memref<128x64xf32, #tpu.memory_space<vmem_shared>>)
        tpu.yield
      }) : () -> ()
      %add3A_31 = arith.constant 512 : i32
      %add3A_32 = arith.addi %mul3A_2, %add3A_31 : i32
      "tpu.region"() ({
        %run_scoped3A = tpu.sem_alloc : memref<!tpu.dma_semaphore, #tpu.memory_space<semaphore_mem>>
        %dma_start3A = arith.constant 0 : i32
        %dma_start3A_503 = tpu.memref_slice %arg26[%add3A_32, %dma_start3A] : memref<16384x64xf32, #tpu.memory_space<vmem_shared>> -> memref<128x64xf32, #tpu.memory_space<vmem_shared>>
        %dma_start3A_504 = arith.constant 0 : i32
        %dma_start3A_505 = tpu.memref_slice %arg26[%add3A_32, %dma_start3A_504] : memref<16384x64xf32, #tpu.memory_space<vmem_shared>> -> memref<128x64xf32, #tpu.memory_space<vmem_shared>>
        tpu.enqueue_dma source(%arg24 : memref<128x64xf32, #tpu.memory_space<vmem>>) target(%dma_start3A_505 : memref<128x64xf32, #tpu.memory_space<vmem_shared>>) target_semaphore(%run_scoped3A : memref<!tpu.dma_semaphore, #tpu.memory_space<semaphore_mem>>)
        %dma_wait3A = arith.constant 0 : i32
        %dma_wait3A_506 = tpu.memref_slice %arg26[%add3A_32, %dma_wait3A] : memref<16384x64xf32, #tpu.memory_space<vmem_shared>> -> memref<128x64xf32, #tpu.memory_space<vmem_shared>>
        %dma_wait3A_507 = arith.constant 0 : i32
        %dma_wait3A_508 = tpu.memref_slice %arg26[%add3A_32, %dma_wait3A_507] : memref<16384x64xf32, #tpu.memory_space<vmem_shared>> -> memref<128x64xf32, #tpu.memory_space<vmem_shared>>
        tpu.wait_dma2 semaphore(%run_scoped3A : memref<!tpu.dma_semaphore, #tpu.memory_space<semaphore_mem>>) src(%arg24 : memref<128x64xf32, #tpu.memory_space<vmem>>) dst(%dma_wait3A_508 : memref<128x64xf32, #tpu.memory_space<vmem_shared>>)
        tpu.yield
      }) : () -> ()
      %add3A_33 = arith.constant 640 : i32
      %add3A_34 = arith.addi %mul3A_2, %add3A_33 : i32
      "tpu.region"() ({
        %run_scoped3A = tpu.sem_alloc : memref<!tpu.dma_semaphore, #tpu.memory_space<semaphore_mem>>
        %dma_start3A = arith.constant 0 : i32
        %dma_start3A_503 = tpu.memref_slice %arg26[%add3A_34, %dma_start3A] : memref<16384x64xf32, #tpu.memory_space<vmem_shared>> -> memref<128x64xf32, #tpu.memory_space<vmem_shared>>
        %dma_start3A_504 = arith.constant 0 : i32
        %dma_start3A_505 = tpu.memref_slice %arg26[%add3A_34, %dma_start3A_504] : memref<16384x64xf32, #tpu.memory_space<vmem_shared>> -> memref<128x64xf32, #tpu.memory_space<vmem_shared>>
        tpu.enqueue_dma source(%arg24 : memref<128x64xf32, #tpu.memory_space<vmem>>) target(%dma_start3A_505 : memref<128x64xf32, #tpu.memory_space<vmem_shared>>) target_semaphore(%run_scoped3A : memref<!tpu.dma_semaphore, #tpu.memory_space<semaphore_mem>>)
        %dma_wait3A = arith.constant 0 : i32
        %dma_wait3A_506 = tpu.memref_slice %arg26[%add3A_34, %dma_wait3A] : memref<16384x64xf32, #tpu.memory_space<vmem_shared>> -> memref<128x64xf32, #tpu.memory_space<vmem_shared>>
        %dma_wait3A_507 = arith.constant 0 : i32
        %dma_wait3A_508 = tpu.memref_slice %arg26[%add3A_34, %dma_wait3A_507] : memref<16384x64xf32, #tpu.memory_space<vmem_shared>> -> memref<128x64xf32, #tpu.memory_space<vmem_shared>>
        tpu.wait_dma2 semaphore(%run_scoped3A : memref<!tpu.dma_semaphore, #tpu.memory_space<semaphore_mem>>) src(%arg24 : memref<128x64xf32, #tpu.memory_space<vmem>>) dst(%dma_wait3A_508 : memref<128x64xf32, #tpu.memory_space<vmem_shared>>)
        tpu.yield
      }) : () -> ()
      %add3A_35 = arith.constant 768 : i32
      %add3A_36 = arith.addi %mul3A_2, %add3A_35 : i32
      "tpu.region"() ({
        %run_scoped3A = tpu.sem_alloc : memref<!tpu.dma_semaphore, #tpu.memory_space<semaphore_mem>>
        %dma_start3A = arith.constant 0 : i32
        %dma_start3A_503 = tpu.memref_slice %arg26[%add3A_36, %dma_start3A] : memref<16384x64xf32, #tpu.memory_space<vmem_shared>> -> memref<128x64xf32, #tpu.memory_space<vmem_shared>>
        %dma_start3A_504 = arith.constant 0 : i32
        %dma_start3A_505 = tpu.memref_slice %arg26[%add3A_36, %dma_start3A_504] : memref<16384x64xf32, #tpu.memory_space<vmem_shared>> -> memref<128x64xf32, #tpu.memory_space<vmem_shared>>
        tpu.enqueue_dma source(%arg24 : memref<128x64xf32, #tpu.memory_space<vmem>>) target(%dma_start3A_505 : memref<128x64xf32, #tpu.memory_space<vmem_shared>>) target_semaphore(%run_scoped3A : memref<!tpu.dma_semaphore, #tpu.memory_space<semaphore_mem>>)
        %dma_wait3A = arith.constant 0 : i32
        %dma_wait3A_506 = tpu.memref_slice %arg26[%add3A_36, %dma_wait3A] : memref<16384x64xf32, #tpu.memory_space<vmem_shared>> -> memref<128x64xf32, #tpu.memory_space<vmem_shared>>
        %dma_wait3A_507 = arith.constant 0 : i32
        %dma_wait3A_508 = tpu.memref_slice %arg26[%add3A_36, %dma_wait3A_507] : memref<16384x64xf32, #tpu.memory_space<vmem_shared>> -> memref<128x64xf32, #tpu.memory_space<vmem_shared>>
        tpu.wait_dma2 semaphore(%run_scoped3A : memref<!tpu.dma_semaphore, #tpu.memory_space<semaphore_mem>>) src(%arg24 : memref<128x64xf32, #tpu.memory_space<vmem>>) dst(%dma_wait3A_508 : memref<128x64xf32, #tpu.memory_space<vmem_shared>>)
        tpu.yield
      }) : () -> ()
      %add3A_37 = arith.constant 896 : i32
      %add3A_38 = arith.addi %mul3A_2, %add3A_37 : i32
      "tpu.region"() ({
        %run_scoped3A = tpu.sem_alloc : memref<!tpu.dma_semaphore, #tpu.memory_space<semaphore_mem>>
        %dma_start3A = arith.constant 0 : i32
        %dma_start3A_503 = tpu.memref_slice %arg26[%add3A_38, %dma_start3A] : memref<16384x64xf32, #tpu.memory_space<vmem_shared>> -> memref<128x64xf32, #tpu.memory_space<vmem_shared>>
        %dma_start3A_504 = arith.constant 0 : i32
        %dma_start3A_505 = tpu.memref_slice %arg26[%add3A_38, %dma_start3A_504] : memref<16384x64xf32, #tpu.memory_space<vmem_shared>> -> memref<128x64xf32, #tpu.memory_space<vmem_shared>>
        tpu.enqueue_dma source(%arg24 : memref<128x64xf32, #tpu.memory_space<vmem>>) target(%dma_start3A_505 : memref<128x64xf32, #tpu.memory_space<vmem_shared>>) target_semaphore(%run_scoped3A : memref<!tpu.dma_semaphore, #tpu.memory_space<semaphore_mem>>)
        %dma_wait3A = arith.constant 0 : i32
        %dma_wait3A_506 = tpu.memref_slice %arg26[%add3A_38, %dma_wait3A] : memref<16384x64xf32, #tpu.memory_space<vmem_shared>> -> memref<128x64xf32, #tpu.memory_space<vmem_shared>>
        %dma_wait3A_507 = arith.constant 0 : i32
        %dma_wait3A_508 = tpu.memref_slice %arg26[%add3A_38, %dma_wait3A_507] : memref<16384x64xf32, #tpu.memory_space<vmem_shared>> -> memref<128x64xf32, #tpu.memory_space<vmem_shared>>
        tpu.wait_dma2 semaphore(%run_scoped3A : memref<!tpu.dma_semaphore, #tpu.memory_space<semaphore_mem>>) src(%arg24 : memref<128x64xf32, #tpu.memory_space<vmem>>) dst(%dma_wait3A_508 : memref<128x64xf32, #tpu.memory_space<vmem_shared>>)
        tpu.yield
      }) : () -> ()
      %scan3A_39 = arith.constant 0 : i32
      %scan3A_40 = arith.constant 0 : i32
      %scan3A_41 = arith.constant 128 : i32
      %scan3A_42 = arith.addi %scan3A_40, %scan3A_41 : i32
      %scan3A_43 = arith.constant 1 : i32
      scf.for %scan3A_503 = %scan3A_40 to %scan3A_42 step %scan3A_43  : i32 {
        %add3A_504 = arith.constant 0 : i32
        %add3A_505 = arith.addi %mul3A_2, %add3A_504 : i32
        %add3A_506 = arith.addi %add3A_505, %scan3A_503 : i32
        %broadcast_in_dim3A_507 = vector.broadcast %add3A_506 : i32 to vector<16xi32>
        %swap3A_508 = arith.index_cast %scan3A_503 : i32 to index
        %swap3A_509 = arith.constant 0 : index
        %swap3A_510 = tpu.vector_load %arg22[%swap3A_508, %swap3A_509] {strides = array<i32>} : memref<128x16xi32, #tpu.memory_space<vmem>>, vector<16xi32>,
        tpu.vector_store %arg22[%swap3A_508, %swap3A_509], %broadcast_in_dim3A_507 {strides = array<i32>} : memref<128x16xi32, #tpu.memory_space<vmem>>, vector<16xi32>,
      }
      %scan3A_44 = arith.constant 128 : i32
      "tpu.region"() ({
        %run_scoped3A = tpu.sem_alloc : memref<!tpu.dma_semaphore, #tpu.memory_space<semaphore_mem>>
        %dma_start3A = arith.constant 0 : i32
        %dma_start3A_503 = arith.constant 0 : i32
        %dma_start3A_504 = tpu.memref_slice %arg5[%dma_start3A, %dma_start3A_503] : memref<1000000x16xi32, #tpu.memory_space<hbm>> -> memref<1000000x16xi32, #tpu.memory_space<hbm>>
        tpu.enqueue_indirect_dma source(%arg22 : memref<128x16xi32, #tpu.memory_space<vmem>>) target(%dma_start3A_504 : memref<1000000x16xi32, #tpu.memory_space<hbm>>) offsets(%arg6 : memref<128xi32, #tpu.memory_space<vmem>>) semaphore(%run_scoped3A : memref<!tpu.dma_semaphore, #tpu.memory_space<semaphore_mem>>)
        %dma_wait3A = arith.constant 0 : i32
        %dma_wait3A_505 = arith.constant 0 : i32
        %dma_wait3A_506 = tpu.memref_slice %arg5[%dma_wait3A, %dma_wait3A_505] : memref<1000000x16xi32, #tpu.memory_space<hbm>> -> memref<1000000x16xi32, #tpu.memory_space<hbm>>
        tpu.wait_indirect_dma semaphore(%run_scoped3A : memref<!tpu.dma_semaphore, #tpu.memory_space<semaphore_mem>>) src(%arg22 : memref<128x16xi32, #tpu.memory_space<vmem>>) dst(%dma_wait3A_506 : memref<1000000x16xi32, #tpu.memory_space<hbm>>)
        tpu.yield
      }) : () -> ()
      %scan3A_45 = arith.constant 0 : i32
      %scan3A_46 = arith.constant 0 : i32
      %scan3A_47 = arith.constant 128 : i32
      %scan3A_48 = arith.addi %scan3A_46, %scan3A_47 : i32
      %scan3A_49 = arith.constant 1 : i32
      scf.for %scan3A_503 = %scan3A_46 to %scan3A_48 step %scan3A_49  : i32 {
        %add3A_504 = arith.constant 128 : i32
        %add3A_505 = arith.addi %mul3A_2, %add3A_504 : i32
        %add3A_506 = arith.addi %add3A_505, %scan3A_503 : i32
        %broadcast_in_dim3A_507 = vector.broadcast %add3A_506 : i32 to vector<16xi32>
        %swap3A_508 = arith.index_cast %scan3A_503 : i32 to index
        %swap3A_509 = arith.constant 0 : index
        %swap3A_510 = tpu.vector_load %arg22[%swap3A_508, %swap3A_509] {strides = array<i32>} : memref<128x16xi32, #tpu.memory_space<vmem>>, vector<16xi32>,
        tpu.vector_store %arg22[%swap3A_508, %swap3A_509], %broadcast_in_dim3A_507 {strides = array<i32>} : memref<128x16xi32, #tpu.memory_space<vmem>>, vector<16xi32>,
      }
      %scan3A_50 = arith.constant 128 : i32
      "tpu.region"() ({
        %run_scoped3A = tpu.sem_alloc : memref<!tpu.dma_semaphore, #tpu.memory_space<semaphore_mem>>
        %dma_start3A = arith.constant 0 : i32
        %dma_start3A_503 = arith.constant 0 : i32
        %dma_start3A_504 = tpu.memref_slice %arg5[%dma_start3A, %dma_start3A_503] : memref<1000000x16xi32, #tpu.memory_space<hbm>> -> memref<1000000x16xi32, #tpu.memory_space<hbm>>
        tpu.enqueue_indirect_dma source(%arg22 : memref<128x16xi32, #tpu.memory_space<vmem>>) target(%dma_start3A_504 : memref<1000000x16xi32, #tpu.memory_space<hbm>>) offsets(%arg7 : memref<128xi32, #tpu.memory_space<vmem>>) semaphore(%run_scoped3A : memref<!tpu.dma_semaphore, #tpu.memory_space<semaphore_mem>>)
        %dma_wait3A = arith.constant 0 : i32
        %dma_wait3A_505 = arith.constant 0 : i32
        %dma_wait3A_506 = tpu.memref_slice %arg5[%dma_wait3A, %dma_wait3A_505] : memref<1000000x16xi32, #tpu.memory_space<hbm>> -> memref<1000000x16xi32, #tpu.memory_space<hbm>>
        tpu.wait_indirect_dma semaphore(%run_scoped3A : memref<!tpu.dma_semaphore, #tpu.memory_space<semaphore_mem>>) src(%arg22 : memref<128x16xi32, #tpu.memory_space<vmem>>) dst(%dma_wait3A_506 : memref<1000000x16xi32, #tpu.memory_space<hbm>>)
        tpu.yield
      }) : () -> ()
      %scan3A_51 = arith.constant 0 : i32
      %scan3A_52 = arith.constant 0 : i32
      %scan3A_53 = arith.constant 128 : i32
      %scan3A_54 = arith.addi %scan3A_52, %scan3A_53 : i32
      %scan3A_55 = arith.constant 1 : i32
      scf.for %scan3A_503 = %scan3A_52 to %scan3A_54 step %scan3A_55  : i32 {
        %add3A_504 = arith.constant 256 : i32
        %add3A_505 = arith.addi %mul3A_2, %add3A_504 : i32
        %add3A_506 = arith.addi %add3A_505, %scan3A_503 : i32
        %broadcast_in_dim3A_507 = vector.broadcast %add3A_506 : i32 to vector<16xi32>
        %swap3A_508 = arith.index_cast %scan3A_503 : i32 to index
        %swap3A_509 = arith.constant 0 : index
        %swap3A_510 = tpu.vector_load %arg22[%swap3A_508, %swap3A_509] {strides = array<i32>} : memref<128x16xi32, #tpu.memory_space<vmem>>, vector<16xi32>,
        tpu.vector_store %arg22[%swap3A_508, %swap3A_509], %broadcast_in_dim3A_507 {strides = array<i32>} : memref<128x16xi32, #tpu.memory_space<vmem>>, vector<16xi32>,
      }
      %scan3A_56 = arith.constant 128 : i32
      "tpu.region"() ({
        %run_scoped3A = tpu.sem_alloc : memref<!tpu.dma_semaphore, #tpu.memory_space<semaphore_mem>>
        %dma_start3A = arith.constant 0 : i32
        %dma_start3A_503 = arith.constant 0 : i32
        %dma_start3A_504 = tpu.memref_slice %arg5[%dma_start3A, %dma_start3A_503] : memref<1000000x16xi32, #tpu.memory_space<hbm>> -> memref<1000000x16xi32, #tpu.memory_space<hbm>>
        tpu.enqueue_indirect_dma source(%arg22 : memref<128x16xi32, #tpu.memory_space<vmem>>) target(%dma_start3A_504 : memref<1000000x16xi32, #tpu.memory_space<hbm>>) offsets(%arg8 : memref<128xi32, #tpu.memory_space<vmem>>) semaphore(%run_scoped3A : memref<!tpu.dma_semaphore, #tpu.memory_space<semaphore_mem>>)
        %dma_wait3A = arith.constant 0 : i32
        %dma_wait3A_505 = arith.constant 0 : i32
        %dma_wait3A_506 = tpu.memref_slice %arg5[%dma_wait3A, %dma_wait3A_505] : memref<1000000x16xi32, #tpu.memory_space<hbm>> -> memref<1000000x16xi32, #tpu.memory_space<hbm>>
        tpu.wait_indirect_dma semaphore(%run_scoped3A : memref<!tpu.dma_semaphore, #tpu.memory_space<semaphore_mem>>) src(%arg22 : memref<128x16xi32, #tpu.memory_space<vmem>>) dst(%dma_wait3A_506 : memref<1000000x16xi32, #tpu.memory_space<hbm>>)
        tpu.yield
      }) : () -> ()
      %scan3A_57 = arith.constant 0 : i32
      %scan3A_58 = arith.constant 0 : i32
      %scan3A_59 = arith.constant 128 : i32
      %scan3A_60 = arith.addi %scan3A_58, %scan3A_59 : i32
      %scan3A_61 = arith.constant 1 : i32
      scf.for %scan3A_503 = %scan3A_58 to %scan3A_60 step %scan3A_61  : i32 {
        %add3A_504 = arith.constant 384 : i32
        %add3A_505 = arith.addi %mul3A_2, %add3A_504 : i32
        %add3A_506 = arith.addi %add3A_505, %scan3A_503 : i32
        %broadcast_in_dim3A_507 = vector.broadcast %add3A_506 : i32 to vector<16xi32>
        %swap3A_508 = arith.index_cast %scan3A_503 : i32 to index
        %swap3A_509 = arith.constant 0 : index
        %swap3A_510 = tpu.vector_load %arg22[%swap3A_508, %swap3A_509] {strides = array<i32>} : memref<128x16xi32, #tpu.memory_space<vmem>>, vector<16xi32>,
        tpu.vector_store %arg22[%swap3A_508, %swap3A_509], %broadcast_in_dim3A_507 {strides = array<i32>} : memref<128x16xi32, #tpu.memory_space<vmem>>, vector<16xi32>,
      }
      %scan3A_62 = arith.constant 128 : i32
      "tpu.region"() ({
        %run_scoped3A = tpu.sem_alloc : memref<!tpu.dma_semaphore, #tpu.memory_space<semaphore_mem>>
        %dma_start3A = arith.constant 0 : i32
        %dma_start3A_503 = arith.constant 0 : i32
        %dma_start3A_504 = tpu.memref_slice %arg5[%dma_start3A, %dma_start3A_503] : memref<1000000x16xi32, #tpu.memory_space<hbm>> -> memref<1000000x16xi32, #tpu.memory_space<hbm>>
        tpu.enqueue_indirect_dma source(%arg22 : memref<128x16xi32, #tpu.memory_space<vmem>>) target(%dma_start3A_504 : memref<1000000x16xi32, #tpu.memory_space<hbm>>) offsets(%arg9 : memref<128xi32, #tpu.memory_space<vmem>>) semaphore(%run_scoped3A : memref<!tpu.dma_semaphore, #tpu.memory_space<semaphore_mem>>)
        %dma_wait3A = arith.constant 0 : i32
        %dma_wait3A_505 = arith.constant 0 : i32
        %dma_wait3A_506 = tpu.memref_slice %arg5[%dma_wait3A, %dma_wait3A_505] : memref<1000000x16xi32, #tpu.memory_space<hbm>> -> memref<1000000x16xi32, #tpu.memory_space<hbm>>
        tpu.wait_indirect_dma semaphore(%run_scoped3A : memref<!tpu.dma_semaphore, #tpu.memory_space<semaphore_mem>>) src(%arg22 : memref<128x16xi32, #tpu.memory_space<vmem>>) dst(%dma_wait3A_506 : memref<1000000x16xi32, #tpu.memory_space<hbm>>)
        tpu.yield
      }) : () -> ()
      %scan3A_63 = arith.constant 0 : i32
      %scan3A_64 = arith.constant 0 : i32
      %scan3A_65 = arith.constant 128 : i32
      %scan3A_66 = arith.addi %scan3A_64, %scan3A_65 : i32
      %scan3A_67 = arith.constant 1 : i32
      scf.for %scan3A_503 = %scan3A_64 to %scan3A_66 step %scan3A_67  : i32 {
        %add3A_504 = arith.constant 512 : i32
        %add3A_505 = arith.addi %mul3A_2, %add3A_504 : i32
        %add3A_506 = arith.addi %add3A_505, %scan3A_503 : i32
        %broadcast_in_dim3A_507 = vector.broadcast %add3A_506 : i32 to vector<16xi32>
        %swap3A_508 = arith.index_cast %scan3A_503 : i32 to index
        %swap3A_509 = arith.constant 0 : index
        %swap3A_510 = tpu.vector_load %arg22[%swap3A_508, %swap3A_509] {strides = array<i32>} : memref<128x16xi32, #tpu.memory_space<vmem>>, vector<16xi32>,
        tpu.vector_store %arg22[%swap3A_508, %swap3A_509], %broadcast_in_dim3A_507 {strides = array<i32>} : memref<128x16xi32, #tpu.memory_space<vmem>>, vector<16xi32>,
      }
      %scan3A_68 = arith.constant 128 : i32
      "tpu.region"() ({
        %run_scoped3A = tpu.sem_alloc : memref<!tpu.dma_semaphore, #tpu.memory_space<semaphore_mem>>
        %dma_start3A = arith.constant 0 : i32
        %dma_start3A_503 = arith.constant 0 : i32
        %dma_start3A_504 = tpu.memref_slice %arg5[%dma_start3A, %dma_start3A_503] : memref<1000000x16xi32, #tpu.memory_space<hbm>> -> memref<1000000x16xi32, #tpu.memory_space<hbm>>
        tpu.enqueue_indirect_dma source(%arg22 : memref<128x16xi32, #tpu.memory_space<vmem>>) target(%dma_start3A_504 : memref<1000000x16xi32, #tpu.memory_space<hbm>>) offsets(%arg10 : memref<128xi32, #tpu.memory_space<vmem>>) semaphore(%run_scoped3A : memref<!tpu.dma_semaphore, #tpu.memory_space<semaphore_mem>>)
        %dma_wait3A = arith.constant 0 : i32
        %dma_wait3A_505 = arith.constant 0 : i32
        %dma_wait3A_506 = tpu.memref_slice %arg5[%dma_wait3A, %dma_wait3A_505] : memref<1000000x16xi32, #tpu.memory_space<hbm>> -> memref<1000000x16xi32, #tpu.memory_space<hbm>>
        tpu.wait_indirect_dma semaphore(%run_scoped3A : memref<!tpu.dma_semaphore, #tpu.memory_space<semaphore_mem>>) src(%arg22 : memref<128x16xi32, #tpu.memory_space<vmem>>) dst(%dma_wait3A_506 : memref<1000000x16xi32, #tpu.memory_space<hbm>>)
        tpu.yield
      }) : () -> ()
      %scan3A_69 = arith.constant 0 : i32
      %scan3A_70 = arith.constant 0 : i32
      %scan3A_71 = arith.constant 128 : i32
      %scan3A_72 = arith.addi %scan3A_70, %scan3A_71 : i32
      %scan3A_73 = arith.constant 1 : i32
      scf.for %scan3A_503 = %scan3A_70 to %scan3A_72 step %scan3A_73  : i32 {
        %add3A_504 = arith.constant 640 : i32
        %add3A_505 = arith.addi %mul3A_2, %add3A_504 : i32
        %add3A_506 = arith.addi %add3A_505, %scan3A_503 : i32
        %broadcast_in_dim3A_507 = vector.broadcast %add3A_506 : i32 to vector<16xi32>
        %swap3A_508 = arith.index_cast %scan3A_503 : i32 to index
        %swap3A_509 = arith.constant 0 : index
        %swap3A_510 = tpu.vector_load %arg22[%swap3A_508, %swap3A_509] {strides = array<i32>} : memref<128x16xi32, #tpu.memory_space<vmem>>, vector<16xi32>,
        tpu.vector_store %arg22[%swap3A_508, %swap3A_509], %broadcast_in_dim3A_507 {strides = array<i32>} : memref<128x16xi32, #tpu.memory_space<vmem>>, vector<16xi32>,
      }
      %scan3A_74 = arith.constant 128 : i32
      "tpu.region"() ({
        %run_scoped3A = tpu.sem_alloc : memref<!tpu.dma_semaphore, #tpu.memory_space<semaphore_mem>>
        %dma_start3A = arith.constant 0 : i32
        %dma_start3A_503 = arith.constant 0 : i32
        %dma_start3A_504 = tpu.memref_slice %arg5[%dma_start3A, %dma_start3A_503] : memref<1000000x16xi32, #tpu.memory_space<hbm>> -> memref<1000000x16xi32, #tpu.memory_space<hbm>>
        tpu.enqueue_indirect_dma source(%arg22 : memref<128x16xi32, #tpu.memory_space<vmem>>) target(%dma_start3A_504 : memref<1000000x16xi32, #tpu.memory_space<hbm>>) offsets(%arg11 : memref<128xi32, #tpu.memory_space<vmem>>) semaphore(%run_scoped3A : memref<!tpu.dma_semaphore, #tpu.memory_space<semaphore_mem>>)
        %dma_wait3A = arith.constant 0 : i32
        %dma_wait3A_505 = arith.constant 0 : i32
        %dma_wait3A_506 = tpu.memref_slice %arg5[%dma_wait3A, %dma_wait3A_505] : memref<1000000x16xi32, #tpu.memory_space<hbm>> -> memref<1000000x16xi32, #tpu.memory_space<hbm>>
        tpu.wait_indirect_dma semaphore(%run_scoped3A : memref<!tpu.dma_semaphore, #tpu.memory_space<semaphore_mem>>) src(%arg22 : memref<128x16xi32, #tpu.memory_space<vmem>>) dst(%dma_wait3A_506 : memref<1000000x16xi32, #tpu.memory_space<hbm>>)
        tpu.yield
      }) : () -> ()
      %scan3A_75 = arith.constant 0 : i32
      %scan3A_76 = arith.constant 0 : i32
      %scan3A_77 = arith.constant 128 : i32
      %scan3A_78 = arith.addi %scan3A_76, %scan3A_77 : i32
      %scan3A_79 = arith.constant 1 : i32
      scf.for %scan3A_503 = %scan3A_76 to %scan3A_78 step %scan3A_79  : i32 {
        %add3A_504 = arith.constant 768 : i32
        %add3A_505 = arith.addi %mul3A_2, %add3A_504 : i32
        %add3A_506 = arith.addi %add3A_505, %scan3A_503 : i32
        %broadcast_in_dim3A_507 = vector.broadcast %add3A_506 : i32 to vector<16xi32>
        %swap3A_508 = arith.index_cast %scan3A_503 : i32 to index
        %swap3A_509 = arith.constant 0 : index
        %swap3A_510 = tpu.vector_load %arg22[%swap3A_508, %swap3A_509] {strides = array<i32>} : memref<128x16xi32, #tpu.memory_space<vmem>>, vector<16xi32>,
        tpu.vector_store %arg22[%swap3A_508, %swap3A_509], %broadcast_in_dim3A_507 {strides = array<i32>} : memref<128x16xi32, #tpu.memory_space<vmem>>, vector<16xi32>,
      }
      %scan3A_80 = arith.constant 128 : i32
      "tpu.region"() ({
        %run_scoped3A = tpu.sem_alloc : memref<!tpu.dma_semaphore, #tpu.memory_space<semaphore_mem>>
        %dma_start3A = arith.constant 0 : i32
        %dma_start3A_503 = arith.constant 0 : i32
        %dma_start3A_504 = tpu.memref_slice %arg5[%dma_start3A, %dma_start3A_503] : memref<1000000x16xi32, #tpu.memory_space<hbm>> -> memref<1000000x16xi32, #tpu.memory_space<hbm>>
        tpu.enqueue_indirect_dma source(%arg22 : memref<128x16xi32, #tpu.memory_space<vmem>>) target(%dma_start3A_504 : memref<1000000x16xi32, #tpu.memory_space<hbm>>) offsets(%arg12 : memref<128xi32, #tpu.memory_space<vmem>>) semaphore(%run_scoped3A : memref<!tpu.dma_semaphore, #tpu.memory_space<semaphore_mem>>)
        %dma_wait3A = arith.constant 0 : i32
        %dma_wait3A_505 = arith.constant 0 : i32
        %dma_wait3A_506 = tpu.memref_slice %arg5[%dma_wait3A, %dma_wait3A_505] : memref<1000000x16xi32, #tpu.memory_space<hbm>> -> memref<1000000x16xi32, #tpu.memory_space<hbm>>
        tpu.wait_indirect_dma semaphore(%run_scoped3A : memref<!tpu.dma_semaphore, #tpu.memory_space<semaphore_mem>>) src(%arg22 : memref<128x16xi32, #tpu.memory_space<vmem>>) dst(%dma_wait3A_506 : memref<1000000x16xi32, #tpu.memory_space<hbm>>)
        tpu.yield
      }) : () -> ()
      %scan3A_81 = arith.constant 0 : i32
      %scan3A_82 = arith.constant 0 : i32
      %scan3A_83 = arith.constant 128 : i32
      %scan3A_84 = arith.addi %scan3A_82, %scan3A_83 : i32
      %scan3A_85 = arith.constant 1 : i32
      scf.for %scan3A_503 = %scan3A_82 to %scan3A_84 step %scan3A_85  : i32 {
        %add3A_504 = arith.constant 896 : i32
        %add3A_505 = arith.addi %mul3A_2, %add3A_504 : i32
        %add3A_506 = arith.addi %add3A_505, %scan3A_503 : i32
        %broadcast_in_dim3A_507 = vector.broadcast %add3A_506 : i32 to vector<16xi32>
        %swap3A_508 = arith.index_cast %scan3A_503 : i32 to index
        %swap3A_509 = arith.constant 0 : index
        %swap3A_510 = tpu.vector_load %arg22[%swap3A_508, %swap3A_509] {strides = array<i32>} : memref<128x16xi32, #tpu.memory_space<vmem>>, vector<16xi32>,
        tpu.vector_store %arg22[%swap3A_508, %swap3A_509], %broadcast_in_dim3A_507 {strides = array<i32>} : memref<128x16xi32, #tpu.memory_space<vmem>>, vector<16xi32>,
      }
      %scan3A_86 = arith.constant 128 : i32
      "tpu.region"() ({
        %run_scoped3A = tpu.sem_alloc : memref<!tpu.dma_semaphore, #tpu.memory_space<semaphore_mem>>
        %dma_start3A = arith.constant 0 : i32
        %dma_start3A_503 = arith.constant 0 : i32
        %dma_start3A_504 = tpu.memref_slice %arg5[%dma_start3A, %dma_start3A_503] : memref<1000000x16xi32, #tpu.memory_space<hbm>> -> memref<1000000x16xi32, #tpu.memory_space<hbm>>
        tpu.enqueue_indirect_dma source(%arg22 : memref<128x16xi32, #tpu.memory_space<vmem>>) target(%dma_start3A_504 : memref<1000000x16xi32, #tpu.memory_space<hbm>>) offsets(%arg13 : memref<128xi32, #tpu.memory_space<vmem>>) semaphore(%run_scoped3A : memref<!tpu.dma_semaphore, #tpu.memory_space<semaphore_mem>>)
        %dma_wait3A = arith.constant 0 : i32
        %dma_wait3A_505 = arith.constant 0 : i32
        %dma_wait3A_506 = tpu.memref_slice %arg5[%dma_wait3A, %dma_wait3A_505] : memref<1000000x16xi32, #tpu.memory_space<hbm>> -> memref<1000000x16xi32, #tpu.memory_space<hbm>>
        tpu.wait_indirect_dma semaphore(%run_scoped3A : memref<!tpu.dma_semaphore, #tpu.memory_space<semaphore_mem>>) src(%arg22 : memref<128x16xi32, #tpu.memory_space<vmem>>) dst(%dma_wait3A_506 : memref<1000000x16xi32, #tpu.memory_space<hbm>>)
        tpu.yield
      }) : () -> ()
      %barrier3A = arith.constant 0 : index
      tpu.barrier barrier_id(%barrier3A)
      %iota3A = tpu.iota {dimensions = array<i32: 0>} : vector<16xi32>
      %broadcast_in_dim3A = arith.constant 0 : i32
      %broadcast_in_dim3A_87 = vector.broadcast %broadcast_in_dim3A : i32 to vector<16xi32>
      "tpu.region"() ({
        %run_scoped3A = tpu.sem_alloc : memref<!tpu.dma_semaphore, #tpu.memory_space<semaphore_mem>>
        %dma_start3A = arith.constant 0 : i32
        %dma_start3A_503 = arith.constant 0 : i32
        %dma_start3A_504 = tpu.memref_slice %arg5[%dma_start3A, %dma_start3A_503] : memref<1000000x16xi32, #tpu.memory_space<hbm>> -> memref<1000000x16xi32, #tpu.memory_space<hbm>>
        tpu.enqueue_indirect_dma source(%dma_start3A_504 : memref<1000000x16xi32, #tpu.memory_space<hbm>>) target(%arg23 : memref<128x16xi32, #tpu.memory_space<vmem>>) offsets(%arg6 : memref<128xi32, #tpu.memory_space<vmem>>) semaphore(%run_scoped3A : memref<!tpu.dma_semaphore, #tpu.memory_space<semaphore_mem>>)
        %dma_wait3A = arith.constant 0 : i32
        %dma_wait3A_505 = arith.constant 0 : i32
        %dma_wait3A_506 = tpu.memref_slice %arg5[%dma_wait3A, %dma_wait3A_505] : memref<1000000x16xi32, #tpu.memory_space<hbm>> -> memref<1000000x16xi32, #tpu.memory_space<hbm>>
        tpu.wait_indirect_dma semaphore(%run_scoped3A : memref<!tpu.dma_semaphore, #tpu.memory_space<semaphore_mem>>) src(%dma_wait3A_506 : memref<1000000x16xi32, #tpu.memory_space<hbm>>) dst(%arg23 : memref<128x16xi32, #tpu.memory_space<vmem>>)
        tpu.yield
      }) : () -> ()
      %add3A_88 = arith.constant 0 : i32
      %add3A_89 = vector.broadcast %add3A_88 : i32 to vector<16xi32>
      %add3A_90 = arith.addi %add3A_89, %iota3A : vector<16xi32>
      %gather3A = tpu.vector_load_idx %arg23[%add3A_90, %broadcast_in_dim3A_87] : memref<128x16xi32, #tpu.memory_space<vmem>>[vector<16xi32>, vector<16xi32>], vector<16xi32>,
      %swap3A = arith.constant 0 : index
      %swap3A_91 = tpu.vector_load %arg14[%swap3A] {strides = array<i32>} : memref<128xi32, #tpu.memory_space<vmem>>, vector<16xi32>,
      tpu.vector_store %arg14[%swap3A], %gather3A {strides = array<i32>} : memref<128xi32, #tpu.memory_space<vmem>>, vector<16xi32>,
      %add3A_92 = arith.constant 16 : i32
      %add3A_93 = vector.broadcast %add3A_92 : i32 to vector<16xi32>
      %add3A_94 = arith.addi %add3A_93, %iota3A : vector<16xi32>
      %gather3A_95 = tpu.vector_load_idx %arg23[%add3A_94, %broadcast_in_dim3A_87] : memref<128x16xi32, #tpu.memory_space<vmem>>[vector<16xi32>, vector<16xi32>], vector<16xi32>,
      %swap3A_96 = arith.constant 16 : index
      %swap3A_97 = tpu.vector_load %arg14[%swap3A_96] {strides = array<i32>} : memref<128xi32, #tpu.memory_space<vmem>>, vector<16xi32>,
      tpu.vector_store %arg14[%swap3A_96], %gather3A_95 {strides = array<i32>} : memref<128xi32, #tpu.memory_space<vmem>>, vector<16xi32>,
      %add3A_98 = arith.constant 32 : i32
      %add3A_99 = vector.broadcast %add3A_98 : i32 to vector<16xi32>
      %add3A_100 = arith.addi %add3A_99, %iota3A : vector<16xi32>
      %gather3A_101 = tpu.vector_load_idx %arg23[%add3A_100, %broadcast_in_dim3A_87] : memref<128x16xi32, #tpu.memory_space<vmem>>[vector<16xi32>, vector<16xi32>], vector<16xi32>,
      %swap3A_102 = arith.constant 32 : index
      %swap3A_103 = tpu.vector_load %arg14[%swap3A_102] {strides = array<i32>} : memref<128xi32, #tpu.memory_space<vmem>>, vector<16xi32>,
      tpu.vector_store %arg14[%swap3A_102], %gather3A_101 {strides = array<i32>} : memref<128xi32, #tpu.memory_space<vmem>>, vector<16xi32>,
      %add3A_104 = arith.constant 48 : i32
      %add3A_105 = vector.broadcast %add3A_104 : i32 to vector<16xi32>
      %add3A_106 = arith.addi %add3A_105, %iota3A : vector<16xi32>
      %gather3A_107 = tpu.vector_load_idx %arg23[%add3A_106, %broadcast_in_dim3A_87] : memref<128x16xi32, #tpu.memory_space<vmem>>[vector<16xi32>, vector<16xi32>], vector<16xi32>,
      %swap3A_108 = arith.constant 48 : index
      %swap3A_109 = tpu.vector_load %arg14[%swap3A_108] {strides = array<i32>} : memref<128xi32, #tpu.memory_space<vmem>>, vector<16xi32>,
      tpu.vector_store %arg14[%swap3A_108], %gather3A_107 {strides = array<i32>} : memref<128xi32, #tpu.memory_space<vmem>>, vector<16xi32>,
      %add3A_110 = arith.constant 64 : i32
      %add3A_111 = vector.broadcast %add3A_110 : i32 to vector<16xi32>
      %add3A_112 = arith.addi %add3A_111, %iota3A : vector<16xi32>
      %gather3A_113 = tpu.vector_load_idx %arg23[%add3A_112, %broadcast_in_dim3A_87] : memref<128x16xi32, #tpu.memory_space<vmem>>[vector<16xi32>, vector<16xi32>], vector<16xi32>,
      %swap3A_114 = arith.constant 64 : index
      %swap3A_115 = tpu.vector_load %arg14[%swap3A_114] {strides = array<i32>} : memref<128xi32, #tpu.memory_space<vmem>>, vector<16xi32>,
      tpu.vector_store %arg14[%swap3A_114], %gather3A_113 {strides = array<i32>} : memref<128xi32, #tpu.memory_space<vmem>>, vector<16xi32>,
      %add3A_116 = arith.constant 80 : i32
      %add3A_117 = vector.broadcast %add3A_116 : i32 to vector<16xi32>
      %add3A_118 = arith.addi %add3A_117, %iota3A : vector<16xi32>
      %gather3A_119 = tpu.vector_load_idx %arg23[%add3A_118, %broadcast_in_dim3A_87] : memref<128x16xi32, #tpu.memory_space<vmem>>[vector<16xi32>, vector<16xi32>], vector<16xi32>,
      %swap3A_120 = arith.constant 80 : index
      %swap3A_121 = tpu.vector_load %arg14[%swap3A_120] {strides = array<i32>} : memref<128xi32, #tpu.memory_space<vmem>>, vector<16xi32>,
      tpu.vector_store %arg14[%swap3A_120], %gather3A_119 {strides = array<i32>} : memref<128xi32, #tpu.memory_space<vmem>>, vector<16xi32>,
      %add3A_122 = arith.constant 96 : i32
      %add3A_123 = vector.broadcast %add3A_122 : i32 to vector<16xi32>
      %add3A_124 = arith.addi %add3A_123, %iota3A : vector<16xi32>
      %gather3A_125 = tpu.vector_load_idx %arg23[%add3A_124, %broadcast_in_dim3A_87] : memref<128x16xi32, #tpu.memory_space<vmem>>[vector<16xi32>, vector<16xi32>], vector<16xi32>,
      %swap3A_126 = arith.constant 96 : index
      %swap3A_127 = tpu.vector_load %arg14[%swap3A_126] {strides = array<i32>} : memref<128xi32, #tpu.memory_space<vmem>>, vector<16xi32>,
      tpu.vector_store %arg14[%swap3A_126], %gather3A_125 {strides = array<i32>} : memref<128xi32, #tpu.memory_space<vmem>>, vector<16xi32>,
      %add3A_128 = arith.constant 112 : i32
      %add3A_129 = vector.broadcast %add3A_128 : i32 to vector<16xi32>
      %add3A_130 = arith.addi %add3A_129, %iota3A : vector<16xi32>
      %gather3A_131 = tpu.vector_load_idx %arg23[%add3A_130, %broadcast_in_dim3A_87] : memref<128x16xi32, #tpu.memory_space<vmem>>[vector<16xi32>, vector<16xi32>], vector<16xi32>,
      %swap3A_132 = arith.constant 112 : index
      %swap3A_133 = tpu.vector_load %arg14[%swap3A_132] {strides = array<i32>} : memref<128xi32, #tpu.memory_space<vmem>>, vector<16xi32>,
      tpu.vector_store %arg14[%swap3A_132], %gather3A_131 {strides = array<i32>} : memref<128xi32, #tpu.memory_space<vmem>>, vector<16xi32>,
      "tpu.region"() ({
        %run_scoped3A = tpu.sem_alloc : memref<!tpu.dma_semaphore, #tpu.memory_space<semaphore_mem>>
        %dma_start3A = arith.constant 0 : i32
        %dma_start3A_503 = arith.constant 0 : i32
        %dma_start3A_504 = tpu.memref_slice %arg5[%dma_start3A, %dma_start3A_503] : memref<1000000x16xi32, #tpu.memory_space<hbm>> -> memref<1000000x16xi32, #tpu.memory_space<hbm>>
        tpu.enqueue_indirect_dma source(%dma_start3A_504 : memref<1000000x16xi32, #tpu.memory_space<hbm>>) target(%arg23 : memref<128x16xi32, #tpu.memory_space<vmem>>) offsets(%arg7 : memref<128xi32, #tpu.memory_space<vmem>>) semaphore(%run_scoped3A : memref<!tpu.dma_semaphore, #tpu.memory_space<semaphore_mem>>)
        %dma_wait3A = arith.constant 0 : i32
        %dma_wait3A_505 = arith.constant 0 : i32
        %dma_wait3A_506 = tpu.memref_slice %arg5[%dma_wait3A, %dma_wait3A_505] : memref<1000000x16xi32, #tpu.memory_space<hbm>> -> memref<1000000x16xi32, #tpu.memory_space<hbm>>
        tpu.wait_indirect_dma semaphore(%run_scoped3A : memref<!tpu.dma_semaphore, #tpu.memory_space<semaphore_mem>>) src(%dma_wait3A_506 : memref<1000000x16xi32, #tpu.memory_space<hbm>>) dst(%arg23 : memref<128x16xi32, #tpu.memory_space<vmem>>)
        tpu.yield
      }) : () -> ()
      %add3A_134 = arith.constant 0 : i32
      %add3A_135 = vector.broadcast %add3A_134 : i32 to vector<16xi32>
      %add3A_136 = arith.addi %add3A_135, %iota3A : vector<16xi32>
      %gather3A_137 = tpu.vector_load_idx %arg23[%add3A_136, %broadcast_in_dim3A_87] : memref<128x16xi32, #tpu.memory_space<vmem>>[vector<16xi32>, vector<16xi32>], vector<16xi32>,
      %swap3A_138 = arith.constant 0 : index
      %swap3A_139 = tpu.vector_load %arg15[%swap3A_138] {strides = array<i32>} : memref<128xi32, #tpu.memory_space<vmem>>, vector<16xi32>,
      tpu.vector_store %arg15[%swap3A_138], %gather3A_137 {strides = array<i32>} : memref<128xi32, #tpu.memory_space<vmem>>, vector<16xi32>,
      %add3A_140 = arith.constant 16 : i32
      %add3A_141 = vector.broadcast %add3A_140 : i32 to vector<16xi32>
      %add3A_142 = arith.addi %add3A_141, %iota3A : vector<16xi32>
      %gather3A_143 = tpu.vector_load_idx %arg23[%add3A_142, %broadcast_in_dim3A_87] : memref<128x16xi32, #tpu.memory_space<vmem>>[vector<16xi32>, vector<16xi32>], vector<16xi32>,
      %swap3A_144 = arith.constant 16 : index
      %swap3A_145 = tpu.vector_load %arg15[%swap3A_144] {strides = array<i32>} : memref<128xi32, #tpu.memory_space<vmem>>, vector<16xi32>,
      tpu.vector_store %arg15[%swap3A_144], %gather3A_143 {strides = array<i32>} : memref<128xi32, #tpu.memory_space<vmem>>, vector<16xi32>,
      %add3A_146 = arith.constant 32 : i32
      %add3A_147 = vector.broadcast %add3A_146 : i32 to vector<16xi32>
      %add3A_148 = arith.addi %add3A_147, %iota3A : vector<16xi32>
      %gather3A_149 = tpu.vector_load_idx %arg23[%add3A_148, %broadcast_in_dim3A_87] : memref<128x16xi32, #tpu.memory_space<vmem>>[vector<16xi32>, vector<16xi32>], vector<16xi32>,
      %swap3A_150 = arith.constant 32 : index
      %swap3A_151 = tpu.vector_load %arg15[%swap3A_150] {strides = array<i32>} : memref<128xi32, #tpu.memory_space<vmem>>, vector<16xi32>,
      tpu.vector_store %arg15[%swap3A_150], %gather3A_149 {strides = array<i32>} : memref<128xi32, #tpu.memory_space<vmem>>, vector<16xi32>,
      %add3A_152 = arith.constant 48 : i32
      %add3A_153 = vector.broadcast %add3A_152 : i32 to vector<16xi32>
      %add3A_154 = arith.addi %add3A_153, %iota3A : vector<16xi32>
      %gather3A_155 = tpu.vector_load_idx %arg23[%add3A_154, %broadcast_in_dim3A_87] : memref<128x16xi32, #tpu.memory_space<vmem>>[vector<16xi32>, vector<16xi32>], vector<16xi32>,
      %swap3A_156 = arith.constant 48 : index
      %swap3A_157 = tpu.vector_load %arg15[%swap3A_156] {strides = array<i32>} : memref<128xi32, #tpu.memory_space<vmem>>, vector<16xi32>,
      tpu.vector_store %arg15[%swap3A_156], %gather3A_155 {strides = array<i32>} : memref<128xi32, #tpu.memory_space<vmem>>, vector<16xi32>,
      %add3A_158 = arith.constant 64 : i32
      %add3A_159 = vector.broadcast %add3A_158 : i32 to vector<16xi32>
      %add3A_160 = arith.addi %add3A_159, %iota3A : vector<16xi32>
      %gather3A_161 = tpu.vector_load_idx %arg23[%add3A_160, %broadcast_in_dim3A_87] : memref<128x16xi32, #tpu.memory_space<vmem>>[vector<16xi32>, vector<16xi32>], vector<16xi32>,
      %swap3A_162 = arith.constant 64 : index
      %swap3A_163 = tpu.vector_load %arg15[%swap3A_162] {strides = array<i32>} : memref<128xi32, #tpu.memory_space<vmem>>, vector<16xi32>,
      tpu.vector_store %arg15[%swap3A_162], %gather3A_161 {strides = array<i32>} : memref<128xi32, #tpu.memory_space<vmem>>, vector<16xi32>,
      %add3A_164 = arith.constant 80 : i32
      %add3A_165 = vector.broadcast %add3A_164 : i32 to vector<16xi32>
      %add3A_166 = arith.addi %add3A_165, %iota3A : vector<16xi32>
      %gather3A_167 = tpu.vector_load_idx %arg23[%add3A_166, %broadcast_in_dim3A_87] : memref<128x16xi32, #tpu.memory_space<vmem>>[vector<16xi32>, vector<16xi32>], vector<16xi32>,
      %swap3A_168 = arith.constant 80 : index
      %swap3A_169 = tpu.vector_load %arg15[%swap3A_168] {strides = array<i32>} : memref<128xi32, #tpu.memory_space<vmem>>, vector<16xi32>,
      tpu.vector_store %arg15[%swap3A_168], %gather3A_167 {strides = array<i32>} : memref<128xi32, #tpu.memory_space<vmem>>, vector<16xi32>,
      %add3A_170 = arith.constant 96 : i32
      %add3A_171 = vector.broadcast %add3A_170 : i32 to vector<16xi32>
      %add3A_172 = arith.addi %add3A_171, %iota3A : vector<16xi32>
      %gather3A_173 = tpu.vector_load_idx %arg23[%add3A_172, %broadcast_in_dim3A_87] : memref<128x16xi32, #tpu.memory_space<vmem>>[vector<16xi32>, vector<16xi32>], vector<16xi32>,
      %swap3A_174 = arith.constant 96 : index
      %swap3A_175 = tpu.vector_load %arg15[%swap3A_174] {strides = array<i32>} : memref<128xi32, #tpu.memory_space<vmem>>, vector<16xi32>,
      tpu.vector_store %arg15[%swap3A_174], %gather3A_173 {strides = array<i32>} : memref<128xi32, #tpu.memory_space<vmem>>, vector<16xi32>,
      %add3A_176 = arith.constant 112 : i32
      %add3A_177 = vector.broadcast %add3A_176 : i32 to vector<16xi32>
      %add3A_178 = arith.addi %add3A_177, %iota3A : vector<16xi32>
      %gather3A_179 = tpu.vector_load_idx %arg23[%add3A_178, %broadcast_in_dim3A_87] : memref<128x16xi32, #tpu.memory_space<vmem>>[vector<16xi32>, vector<16xi32>], vector<16xi32>,
      %swap3A_180 = arith.constant 112 : index
      %swap3A_181 = tpu.vector_load %arg15[%swap3A_180] {strides = array<i32>} : memref<128xi32, #tpu.memory_space<vmem>>, vector<16xi32>,
      tpu.vector_store %arg15[%swap3A_180], %gather3A_179 {strides = array<i32>} : memref<128xi32, #tpu.memory_space<vmem>>, vector<16xi32>,
      "tpu.region"() ({
        %run_scoped3A = tpu.sem_alloc : memref<!tpu.dma_semaphore, #tpu.memory_space<semaphore_mem>>
        %dma_start3A = arith.constant 0 : i32
        %dma_start3A_503 = arith.constant 0 : i32
        %dma_start3A_504 = tpu.memref_slice %arg5[%dma_start3A, %dma_start3A_503] : memref<1000000x16xi32, #tpu.memory_space<hbm>> -> memref<1000000x16xi32, #tpu.memory_space<hbm>>
        tpu.enqueue_indirect_dma source(%dma_start3A_504 : memref<1000000x16xi32, #tpu.memory_space<hbm>>) target(%arg23 : memref<128x16xi32, #tpu.memory_space<vmem>>) offsets(%arg8 : memref<128xi32, #tpu.memory_space<vmem>>) semaphore(%run_scoped3A : memref<!tpu.dma_semaphore, #tpu.memory_space<semaphore_mem>>)
        %dma_wait3A = arith.constant 0 : i32
        %dma_wait3A_505 = arith.constant 0 : i32
        %dma_wait3A_506 = tpu.memref_slice %arg5[%dma_wait3A, %dma_wait3A_505] : memref<1000000x16xi32, #tpu.memory_space<hbm>> -> memref<1000000x16xi32, #tpu.memory_space<hbm>>
        tpu.wait_indirect_dma semaphore(%run_scoped3A : memref<!tpu.dma_semaphore, #tpu.memory_space<semaphore_mem>>) src(%dma_wait3A_506 : memref<1000000x16xi32, #tpu.memory_space<hbm>>) dst(%arg23 : memref<128x16xi32, #tpu.memory_space<vmem>>)
        tpu.yield
      }) : () -> ()
      %add3A_182 = arith.constant 0 : i32
      %add3A_183 = vector.broadcast %add3A_182 : i32 to vector<16xi32>
      %add3A_184 = arith.addi %add3A_183, %iota3A : vector<16xi32>
      %gather3A_185 = tpu.vector_load_idx %arg23[%add3A_184, %broadcast_in_dim3A_87] : memref<128x16xi32, #tpu.memory_space<vmem>>[vector<16xi32>, vector<16xi32>], vector<16xi32>,
      %swap3A_186 = arith.constant 0 : index
      %swap3A_187 = tpu.vector_load %arg16[%swap3A_186] {strides = array<i32>} : memref<128xi32, #tpu.memory_space<vmem>>, vector<16xi32>,
      tpu.vector_store %arg16[%swap3A_186], %gather3A_185 {strides = array<i32>} : memref<128xi32, #tpu.memory_space<vmem>>, vector<16xi32>,
      %add3A_188 = arith.constant 16 : i32
      %add3A_189 = vector.broadcast %add3A_188 : i32 to vector<16xi32>
      %add3A_190 = arith.addi %add3A_189, %iota3A : vector<16xi32>
      %gather3A_191 = tpu.vector_load_idx %arg23[%add3A_190, %broadcast_in_dim3A_87] : memref<128x16xi32, #tpu.memory_space<vmem>>[vector<16xi32>, vector<16xi32>], vector<16xi32>,
      %swap3A_192 = arith.constant 16 : index
      %swap3A_193 = tpu.vector_load %arg16[%swap3A_192] {strides = array<i32>} : memref<128xi32, #tpu.memory_space<vmem>>, vector<16xi32>,
      tpu.vector_store %arg16[%swap3A_192], %gather3A_191 {strides = array<i32>} : memref<128xi32, #tpu.memory_space<vmem>>, vector<16xi32>,
      %add3A_194 = arith.constant 32 : i32
      %add3A_195 = vector.broadcast %add3A_194 : i32 to vector<16xi32>
      %add3A_196 = arith.addi %add3A_195, %iota3A : vector<16xi32>
      %gather3A_197 = tpu.vector_load_idx %arg23[%add3A_196, %broadcast_in_dim3A_87] : memref<128x16xi32, #tpu.memory_space<vmem>>[vector<16xi32>, vector<16xi32>], vector<16xi32>,
      %swap3A_198 = arith.constant 32 : index
      %swap3A_199 = tpu.vector_load %arg16[%swap3A_198] {strides = array<i32>} : memref<128xi32, #tpu.memory_space<vmem>>, vector<16xi32>,
      tpu.vector_store %arg16[%swap3A_198], %gather3A_197 {strides = array<i32>} : memref<128xi32, #tpu.memory_space<vmem>>, vector<16xi32>,
      %add3A_200 = arith.constant 48 : i32
      %add3A_201 = vector.broadcast %add3A_200 : i32 to vector<16xi32>
      %add3A_202 = arith.addi %add3A_201, %iota3A : vector<16xi32>
      %gather3A_203 = tpu.vector_load_idx %arg23[%add3A_202, %broadcast_in_dim3A_87] : memref<128x16xi32, #tpu.memory_space<vmem>>[vector<16xi32>, vector<16xi32>], vector<16xi32>,
      %swap3A_204 = arith.constant 48 : index
      %swap3A_205 = tpu.vector_load %arg16[%swap3A_204] {strides = array<i32>} : memref<128xi32, #tpu.memory_space<vmem>>, vector<16xi32>,
      tpu.vector_store %arg16[%swap3A_204], %gather3A_203 {strides = array<i32>} : memref<128xi32, #tpu.memory_space<vmem>>, vector<16xi32>,
      %add3A_206 = arith.constant 64 : i32
      %add3A_207 = vector.broadcast %add3A_206 : i32 to vector<16xi32>
      %add3A_208 = arith.addi %add3A_207, %iota3A : vector<16xi32>
      %gather3A_209 = tpu.vector_load_idx %arg23[%add3A_208, %broadcast_in_dim3A_87] : memref<128x16xi32, #tpu.memory_space<vmem>>[vector<16xi32>, vector<16xi32>], vector<16xi32>,
      %swap3A_210 = arith.constant 64 : index
      %swap3A_211 = tpu.vector_load %arg16[%swap3A_210] {strides = array<i32>} : memref<128xi32, #tpu.memory_space<vmem>>, vector<16xi32>,
      tpu.vector_store %arg16[%swap3A_210], %gather3A_209 {strides = array<i32>} : memref<128xi32, #tpu.memory_space<vmem>>, vector<16xi32>,
      %add3A_212 = arith.constant 80 : i32
      %add3A_213 = vector.broadcast %add3A_212 : i32 to vector<16xi32>
      %add3A_214 = arith.addi %add3A_213, %iota3A : vector<16xi32>
      %gather3A_215 = tpu.vector_load_idx %arg23[%add3A_214, %broadcast_in_dim3A_87] : memref<128x16xi32, #tpu.memory_space<vmem>>[vector<16xi32>, vector<16xi32>], vector<16xi32>,
      %swap3A_216 = arith.constant 80 : index
      %swap3A_217 = tpu.vector_load %arg16[%swap3A_216] {strides = array<i32>} : memref<128xi32, #tpu.memory_space<vmem>>, vector<16xi32>,
      tpu.vector_store %arg16[%swap3A_216], %gather3A_215 {strides = array<i32>} : memref<128xi32, #tpu.memory_space<vmem>>, vector<16xi32>,
      %add3A_218 = arith.constant 96 : i32
      %add3A_219 = vector.broadcast %add3A_218 : i32 to vector<16xi32>
      %add3A_220 = arith.addi %add3A_219, %iota3A : vector<16xi32>
      %gather3A_221 = tpu.vector_load_idx %arg23[%add3A_220, %broadcast_in_dim3A_87] : memref<128x16xi32, #tpu.memory_space<vmem>>[vector<16xi32>, vector<16xi32>], vector<16xi32>,
      %swap3A_222 = arith.constant 96 : index
      %swap3A_223 = tpu.vector_load %arg16[%swap3A_222] {strides = array<i32>} : memref<128xi32, #tpu.memory_space<vmem>>, vector<16xi32>,
      tpu.vector_store %arg16[%swap3A_222], %gather3A_221 {strides = array<i32>} : memref<128xi32, #tpu.memory_space<vmem>>, vector<16xi32>,
      %add3A_224 = arith.constant 112 : i32
      %add3A_225 = vector.broadcast %add3A_224 : i32 to vector<16xi32>
      %add3A_226 = arith.addi %add3A_225, %iota3A : vector<16xi32>
      %gather3A_227 = tpu.vector_load_idx %arg23[%add3A_226, %broadcast_in_dim3A_87] : memref<128x16xi32, #tpu.memory_space<vmem>>[vector<16xi32>, vector<16xi32>], vector<16xi32>,
      %swap3A_228 = arith.constant 112 : index
      %swap3A_229 = tpu.vector_load %arg16[%swap3A_228] {strides = array<i32>} : memref<128xi32, #tpu.memory_space<vmem>>, vector<16xi32>,
      tpu.vector_store %arg16[%swap3A_228], %gather3A_227 {strides = array<i32>} : memref<128xi32, #tpu.memory_space<vmem>>, vector<16xi32>,
      "tpu.region"() ({
        %run_scoped3A = tpu.sem_alloc : memref<!tpu.dma_semaphore, #tpu.memory_space<semaphore_mem>>
        %dma_start3A = arith.constant 0 : i32
        %dma_start3A_503 = arith.constant 0 : i32
        %dma_start3A_504 = tpu.memref_slice %arg5[%dma_start3A, %dma_start3A_503] : memref<1000000x16xi32, #tpu.memory_space<hbm>> -> memref<1000000x16xi32, #tpu.memory_space<hbm>>
        tpu.enqueue_indirect_dma source(%dma_start3A_504 : memref<1000000x16xi32, #tpu.memory_space<hbm>>) target(%arg23 : memref<128x16xi32, #tpu.memory_space<vmem>>) offsets(%arg9 : memref<128xi32, #tpu.memory_space<vmem>>) semaphore(%run_scoped3A : memref<!tpu.dma_semaphore, #tpu.memory_space<semaphore_mem>>)
        %dma_wait3A = arith.constant 0 : i32
        %dma_wait3A_505 = arith.constant 0 : i32
        %dma_wait3A_506 = tpu.memref_slice %arg5[%dma_wait3A, %dma_wait3A_505] : memref<1000000x16xi32, #tpu.memory_space<hbm>> -> memref<1000000x16xi32, #tpu.memory_space<hbm>>
        tpu.wait_indirect_dma semaphore(%run_scoped3A : memref<!tpu.dma_semaphore, #tpu.memory_space<semaphore_mem>>) src(%dma_wait3A_506 : memref<1000000x16xi32, #tpu.memory_space<hbm>>) dst(%arg23 : memref<128x16xi32, #tpu.memory_space<vmem>>)
        tpu.yield
      }) : () -> ()
      %add3A_230 = arith.constant 0 : i32
      %add3A_231 = vector.broadcast %add3A_230 : i32 to vector<16xi32>
      %add3A_232 = arith.addi %add3A_231, %iota3A : vector<16xi32>
      %gather3A_233 = tpu.vector_load_idx %arg23[%add3A_232, %broadcast_in_dim3A_87] : memref<128x16xi32, #tpu.memory_space<vmem>>[vector<16xi32>, vector<16xi32>], vector<16xi32>,
      %swap3A_234 = arith.constant 0 : index
      %swap3A_235 = tpu.vector_load %arg17[%swap3A_234] {strides = array<i32>} : memref<128xi32, #tpu.memory_space<vmem>>, vector<16xi32>,
      tpu.vector_store %arg17[%swap3A_234], %gather3A_233 {strides = array<i32>} : memref<128xi32, #tpu.memory_space<vmem>>, vector<16xi32>,
      %add3A_236 = arith.constant 16 : i32
      %add3A_237 = vector.broadcast %add3A_236 : i32 to vector<16xi32>
      %add3A_238 = arith.addi %add3A_237, %iota3A : vector<16xi32>
      %gather3A_239 = tpu.vector_load_idx %arg23[%add3A_238, %broadcast_in_dim3A_87] : memref<128x16xi32, #tpu.memory_space<vmem>>[vector<16xi32>, vector<16xi32>], vector<16xi32>,
      %swap3A_240 = arith.constant 16 : index
      %swap3A_241 = tpu.vector_load %arg17[%swap3A_240] {strides = array<i32>} : memref<128xi32, #tpu.memory_space<vmem>>, vector<16xi32>,
      tpu.vector_store %arg17[%swap3A_240], %gather3A_239 {strides = array<i32>} : memref<128xi32, #tpu.memory_space<vmem>>, vector<16xi32>,
      %add3A_242 = arith.constant 32 : i32
      %add3A_243 = vector.broadcast %add3A_242 : i32 to vector<16xi32>
      %add3A_244 = arith.addi %add3A_243, %iota3A : vector<16xi32>
      %gather3A_245 = tpu.vector_load_idx %arg23[%add3A_244, %broadcast_in_dim3A_87] : memref<128x16xi32, #tpu.memory_space<vmem>>[vector<16xi32>, vector<16xi32>], vector<16xi32>,
      %swap3A_246 = arith.constant 32 : index
      %swap3A_247 = tpu.vector_load %arg17[%swap3A_246] {strides = array<i32>} : memref<128xi32, #tpu.memory_space<vmem>>, vector<16xi32>,
      tpu.vector_store %arg17[%swap3A_246], %gather3A_245 {strides = array<i32>} : memref<128xi32, #tpu.memory_space<vmem>>, vector<16xi32>,
      %add3A_248 = arith.constant 48 : i32
      %add3A_249 = vector.broadcast %add3A_248 : i32 to vector<16xi32>
      %add3A_250 = arith.addi %add3A_249, %iota3A : vector<16xi32>
      %gather3A_251 = tpu.vector_load_idx %arg23[%add3A_250, %broadcast_in_dim3A_87] : memref<128x16xi32, #tpu.memory_space<vmem>>[vector<16xi32>, vector<16xi32>], vector<16xi32>,
      %swap3A_252 = arith.constant 48 : index
      %swap3A_253 = tpu.vector_load %arg17[%swap3A_252] {strides = array<i32>} : memref<128xi32, #tpu.memory_space<vmem>>, vector<16xi32>,
      tpu.vector_store %arg17[%swap3A_252], %gather3A_251 {strides = array<i32>} : memref<128xi32, #tpu.memory_space<vmem>>, vector<16xi32>,
      %add3A_254 = arith.constant 64 : i32
      %add3A_255 = vector.broadcast %add3A_254 : i32 to vector<16xi32>
      %add3A_256 = arith.addi %add3A_255, %iota3A : vector<16xi32>
      %gather3A_257 = tpu.vector_load_idx %arg23[%add3A_256, %broadcast_in_dim3A_87] : memref<128x16xi32, #tpu.memory_space<vmem>>[vector<16xi32>, vector<16xi32>], vector<16xi32>,
      %swap3A_258 = arith.constant 64 : index
      %swap3A_259 = tpu.vector_load %arg17[%swap3A_258] {strides = array<i32>} : memref<128xi32, #tpu.memory_space<vmem>>, vector<16xi32>,
      tpu.vector_store %arg17[%swap3A_258], %gather3A_257 {strides = array<i32>} : memref<128xi32, #tpu.memory_space<vmem>>, vector<16xi32>,
      %add3A_260 = arith.constant 80 : i32
      %add3A_261 = vector.broadcast %add3A_260 : i32 to vector<16xi32>
      %add3A_262 = arith.addi %add3A_261, %iota3A : vector<16xi32>
      %gather3A_263 = tpu.vector_load_idx %arg23[%add3A_262, %broadcast_in_dim3A_87] : memref<128x16xi32, #tpu.memory_space<vmem>>[vector<16xi32>, vector<16xi32>], vector<16xi32>,
      %swap3A_264 = arith.constant 80 : index
      %swap3A_265 = tpu.vector_load %arg17[%swap3A_264] {strides = array<i32>} : memref<128xi32, #tpu.memory_space<vmem>>, vector<16xi32>,
      tpu.vector_store %arg17[%swap3A_264], %gather3A_263 {strides = array<i32>} : memref<128xi32, #tpu.memory_space<vmem>>, vector<16xi32>,
      %add3A_266 = arith.constant 96 : i32
      %add3A_267 = vector.broadcast %add3A_266 : i32 to vector<16xi32>
      %add3A_268 = arith.addi %add3A_267, %iota3A : vector<16xi32>
      %gather3A_269 = tpu.vector_load_idx %arg23[%add3A_268, %broadcast_in_dim3A_87] : memref<128x16xi32, #tpu.memory_space<vmem>>[vector<16xi32>, vector<16xi32>], vector<16xi32>,
      %swap3A_270 = arith.constant 96 : index
      %swap3A_271 = tpu.vector_load %arg17[%swap3A_270] {strides = array<i32>} : memref<128xi32, #tpu.memory_space<vmem>>, vector<16xi32>,
      tpu.vector_store %arg17[%swap3A_270], %gather3A_269 {strides = array<i32>} : memref<128xi32, #tpu.memory_space<vmem>>, vector<16xi32>,
      %add3A_272 = arith.constant 112 : i32
      %add3A_273 = vector.broadcast %add3A_272 : i32 to vector<16xi32>
      %add3A_274 = arith.addi %add3A_273, %iota3A : vector<16xi32>
      %gather3A_275 = tpu.vector_load_idx %arg23[%add3A_274, %broadcast_in_dim3A_87] : memref<128x16xi32, #tpu.memory_space<vmem>>[vector<16xi32>, vector<16xi32>], vector<16xi32>,
      %swap3A_276 = arith.constant 112 : index
      %swap3A_277 = tpu.vector_load %arg17[%swap3A_276] {strides = array<i32>} : memref<128xi32, #tpu.memory_space<vmem>>, vector<16xi32>,
      tpu.vector_store %arg17[%swap3A_276], %gather3A_275 {strides = array<i32>} : memref<128xi32, #tpu.memory_space<vmem>>, vector<16xi32>,
      "tpu.region"() ({
        %run_scoped3A = tpu.sem_alloc : memref<!tpu.dma_semaphore, #tpu.memory_space<semaphore_mem>>
        %dma_start3A = arith.constant 0 : i32
        %dma_start3A_503 = arith.constant 0 : i32
        %dma_start3A_504 = tpu.memref_slice %arg5[%dma_start3A, %dma_start3A_503] : memref<1000000x16xi32, #tpu.memory_space<hbm>> -> memref<1000000x16xi32, #tpu.memory_space<hbm>>
        tpu.enqueue_indirect_dma source(%dma_start3A_504 : memref<1000000x16xi32, #tpu.memory_space<hbm>>) target(%arg23 : memref<128x16xi32, #tpu.memory_space<vmem>>) offsets(%arg10 : memref<128xi32, #tpu.memory_space<vmem>>) semaphore(%run_scoped3A : memref<!tpu.dma_semaphore, #tpu.memory_space<semaphore_mem>>)
        %dma_wait3A = arith.constant 0 : i32
        %dma_wait3A_505 = arith.constant 0 : i32
        %dma_wait3A_506 = tpu.memref_slice %arg5[%dma_wait3A, %dma_wait3A_505] : memref<1000000x16xi32, #tpu.memory_space<hbm>> -> memref<1000000x16xi32, #tpu.memory_space<hbm>>
        tpu.wait_indirect_dma semaphore(%run_scoped3A : memref<!tpu.dma_semaphore, #tpu.memory_space<semaphore_mem>>) src(%dma_wait3A_506 : memref<1000000x16xi32, #tpu.memory_space<hbm>>) dst(%arg23 : memref<128x16xi32, #tpu.memory_space<vmem>>)
        tpu.yield
      }) : () -> ()
      %add3A_278 = arith.constant 0 : i32
      %add3A_279 = vector.broadcast %add3A_278 : i32 to vector<16xi32>
      %add3A_280 = arith.addi %add3A_279, %iota3A : vector<16xi32>
      %gather3A_281 = tpu.vector_load_idx %arg23[%add3A_280, %broadcast_in_dim3A_87] : memref<128x16xi32, #tpu.memory_space<vmem>>[vector<16xi32>, vector<16xi32>], vector<16xi32>,
      %swap3A_282 = arith.constant 0 : index
      %swap3A_283 = tpu.vector_load %arg18[%swap3A_282] {strides = array<i32>} : memref<128xi32, #tpu.memory_space<vmem>>, vector<16xi32>,
      tpu.vector_store %arg18[%swap3A_282], %gather3A_281 {strides = array<i32>} : memref<128xi32, #tpu.memory_space<vmem>>, vector<16xi32>,
      %add3A_284 = arith.constant 16 : i32
      %add3A_285 = vector.broadcast %add3A_284 : i32 to vector<16xi32>
      %add3A_286 = arith.addi %add3A_285, %iota3A : vector<16xi32>
      %gather3A_287 = tpu.vector_load_idx %arg23[%add3A_286, %broadcast_in_dim3A_87] : memref<128x16xi32, #tpu.memory_space<vmem>>[vector<16xi32>, vector<16xi32>], vector<16xi32>,
      %swap3A_288 = arith.constant 16 : index
      %swap3A_289 = tpu.vector_load %arg18[%swap3A_288] {strides = array<i32>} : memref<128xi32, #tpu.memory_space<vmem>>, vector<16xi32>,
      tpu.vector_store %arg18[%swap3A_288], %gather3A_287 {strides = array<i32>} : memref<128xi32, #tpu.memory_space<vmem>>, vector<16xi32>,
      %add3A_290 = arith.constant 32 : i32
      %add3A_291 = vector.broadcast %add3A_290 : i32 to vector<16xi32>
      %add3A_292 = arith.addi %add3A_291, %iota3A : vector<16xi32>
      %gather3A_293 = tpu.vector_load_idx %arg23[%add3A_292, %broadcast_in_dim3A_87] : memref<128x16xi32, #tpu.memory_space<vmem>>[vector<16xi32>, vector<16xi32>], vector<16xi32>,
      %swap3A_294 = arith.constant 32 : index
      %swap3A_295 = tpu.vector_load %arg18[%swap3A_294] {strides = array<i32>} : memref<128xi32, #tpu.memory_space<vmem>>, vector<16xi32>,
      tpu.vector_store %arg18[%swap3A_294], %gather3A_293 {strides = array<i32>} : memref<128xi32, #tpu.memory_space<vmem>>, vector<16xi32>,
      %add3A_296 = arith.constant 48 : i32
      %add3A_297 = vector.broadcast %add3A_296 : i32 to vector<16xi32>
      %add3A_298 = arith.addi %add3A_297, %iota3A : vector<16xi32>
      %gather3A_299 = tpu.vector_load_idx %arg23[%add3A_298, %broadcast_in_dim3A_87] : memref<128x16xi32, #tpu.memory_space<vmem>>[vector<16xi32>, vector<16xi32>], vector<16xi32>,
      %swap3A_300 = arith.constant 48 : index
      %swap3A_301 = tpu.vector_load %arg18[%swap3A_300] {strides = array<i32>} : memref<128xi32, #tpu.memory_space<vmem>>, vector<16xi32>,
      tpu.vector_store %arg18[%swap3A_300], %gather3A_299 {strides = array<i32>} : memref<128xi32, #tpu.memory_space<vmem>>, vector<16xi32>,
      %add3A_302 = arith.constant 64 : i32
      %add3A_303 = vector.broadcast %add3A_302 : i32 to vector<16xi32>
      %add3A_304 = arith.addi %add3A_303, %iota3A : vector<16xi32>
      %gather3A_305 = tpu.vector_load_idx %arg23[%add3A_304, %broadcast_in_dim3A_87] : memref<128x16xi32, #tpu.memory_space<vmem>>[vector<16xi32>, vector<16xi32>], vector<16xi32>,
      %swap3A_306 = arith.constant 64 : index
      %swap3A_307 = tpu.vector_load %arg18[%swap3A_306] {strides = array<i32>} : memref<128xi32, #tpu.memory_space<vmem>>, vector<16xi32>,
      tpu.vector_store %arg18[%swap3A_306], %gather3A_305 {strides = array<i32>} : memref<128xi32, #tpu.memory_space<vmem>>, vector<16xi32>,
      %add3A_308 = arith.constant 80 : i32
      %add3A_309 = vector.broadcast %add3A_308 : i32 to vector<16xi32>
      %add3A_310 = arith.addi %add3A_309, %iota3A : vector<16xi32>
      %gather3A_311 = tpu.vector_load_idx %arg23[%add3A_310, %broadcast_in_dim3A_87] : memref<128x16xi32, #tpu.memory_space<vmem>>[vector<16xi32>, vector<16xi32>], vector<16xi32>,
      %swap3A_312 = arith.constant 80 : index
      %swap3A_313 = tpu.vector_load %arg18[%swap3A_312] {strides = array<i32>} : memref<128xi32, #tpu.memory_space<vmem>>, vector<16xi32>,
      tpu.vector_store %arg18[%swap3A_312], %gather3A_311 {strides = array<i32>} : memref<128xi32, #tpu.memory_space<vmem>>, vector<16xi32>,
      %add3A_314 = arith.constant 96 : i32
      %add3A_315 = vector.broadcast %add3A_314 : i32 to vector<16xi32>
      %add3A_316 = arith.addi %add3A_315, %iota3A : vector<16xi32>
      %gather3A_317 = tpu.vector_load_idx %arg23[%add3A_316, %broadcast_in_dim3A_87] : memref<128x16xi32, #tpu.memory_space<vmem>>[vector<16xi32>, vector<16xi32>], vector<16xi32>,
      %swap3A_318 = arith.constant 96 : index
      %swap3A_319 = tpu.vector_load %arg18[%swap3A_318] {strides = array<i32>} : memref<128xi32, #tpu.memory_space<vmem>>, vector<16xi32>,
      tpu.vector_store %arg18[%swap3A_318], %gather3A_317 {strides = array<i32>} : memref<128xi32, #tpu.memory_space<vmem>>, vector<16xi32>,
      %add3A_320 = arith.constant 112 : i32
      %add3A_321 = vector.broadcast %add3A_320 : i32 to vector<16xi32>
      %add3A_322 = arith.addi %add3A_321, %iota3A : vector<16xi32>
      %gather3A_323 = tpu.vector_load_idx %arg23[%add3A_322, %broadcast_in_dim3A_87] : memref<128x16xi32, #tpu.memory_space<vmem>>[vector<16xi32>, vector<16xi32>], vector<16xi32>,
      %swap3A_324 = arith.constant 112 : index
      %swap3A_325 = tpu.vector_load %arg18[%swap3A_324] {strides = array<i32>} : memref<128xi32, #tpu.memory_space<vmem>>, vector<16xi32>,
      tpu.vector_store %arg18[%swap3A_324], %gather3A_323 {strides = array<i32>} : memref<128xi32, #tpu.memory_space<vmem>>, vector<16xi32>,
      "tpu.region"() ({
        %run_scoped3A = tpu.sem_alloc : memref<!tpu.dma_semaphore, #tpu.memory_space<semaphore_mem>>
        %dma_start3A = arith.constant 0 : i32
        %dma_start3A_503 = arith.constant 0 : i32
        %dma_start3A_504 = tpu.memref_slice %arg5[%dma_start3A, %dma_start3A_503] : memref<1000000x16xi32, #tpu.memory_space<hbm>> -> memref<1000000x16xi32, #tpu.memory_space<hbm>>
        tpu.enqueue_indirect_dma source(%dma_start3A_504 : memref<1000000x16xi32, #tpu.memory_space<hbm>>) target(%arg23 : memref<128x16xi32, #tpu.memory_space<vmem>>) offsets(%arg11 : memref<128xi32, #tpu.memory_space<vmem>>) semaphore(%run_scoped3A : memref<!tpu.dma_semaphore, #tpu.memory_space<semaphore_mem>>)
        %dma_wait3A = arith.constant 0 : i32
        %dma_wait3A_505 = arith.constant 0 : i32
        %dma_wait3A_506 = tpu.memref_slice %arg5[%dma_wait3A, %dma_wait3A_505] : memref<1000000x16xi32, #tpu.memory_space<hbm>> -> memref<1000000x16xi32, #tpu.memory_space<hbm>>
        tpu.wait_indirect_dma semaphore(%run_scoped3A : memref<!tpu.dma_semaphore, #tpu.memory_space<semaphore_mem>>) src(%dma_wait3A_506 : memref<1000000x16xi32, #tpu.memory_space<hbm>>) dst(%arg23 : memref<128x16xi32, #tpu.memory_space<vmem>>)
        tpu.yield
      }) : () -> ()
      %add3A_326 = arith.constant 0 : i32
      %add3A_327 = vector.broadcast %add3A_326 : i32 to vector<16xi32>
      %add3A_328 = arith.addi %add3A_327, %iota3A : vector<16xi32>
      %gather3A_329 = tpu.vector_load_idx %arg23[%add3A_328, %broadcast_in_dim3A_87] : memref<128x16xi32, #tpu.memory_space<vmem>>[vector<16xi32>, vector<16xi32>], vector<16xi32>,
      %swap3A_330 = arith.constant 0 : index
      %swap3A_331 = tpu.vector_load %arg19[%swap3A_330] {strides = array<i32>} : memref<128xi32, #tpu.memory_space<vmem>>, vector<16xi32>,
      tpu.vector_store %arg19[%swap3A_330], %gather3A_329 {strides = array<i32>} : memref<128xi32, #tpu.memory_space<vmem>>, vector<16xi32>,
      %add3A_332 = arith.constant 16 : i32
      %add3A_333 = vector.broadcast %add3A_332 : i32 to vector<16xi32>
      %add3A_334 = arith.addi %add3A_333, %iota3A : vector<16xi32>
      %gather3A_335 = tpu.vector_load_idx %arg23[%add3A_334, %broadcast_in_dim3A_87] : memref<128x16xi32, #tpu.memory_space<vmem>>[vector<16xi32>, vector<16xi32>], vector<16xi32>,
      %swap3A_336 = arith.constant 16 : index
      %swap3A_337 = tpu.vector_load %arg19[%swap3A_336] {strides = array<i32>} : memref<128xi32, #tpu.memory_space<vmem>>, vector<16xi32>,
      tpu.vector_store %arg19[%swap3A_336], %gather3A_335 {strides = array<i32>} : memref<128xi32, #tpu.memory_space<vmem>>, vector<16xi32>,
      %add3A_338 = arith.constant 32 : i32
      %add3A_339 = vector.broadcast %add3A_338 : i32 to vector<16xi32>
      %add3A_340 = arith.addi %add3A_339, %iota3A : vector<16xi32>
      %gather3A_341 = tpu.vector_load_idx %arg23[%add3A_340, %broadcast_in_dim3A_87] : memref<128x16xi32, #tpu.memory_space<vmem>>[vector<16xi32>, vector<16xi32>], vector<16xi32>,
      %swap3A_342 = arith.constant 32 : index
      %swap3A_343 = tpu.vector_load %arg19[%swap3A_342] {strides = array<i32>} : memref<128xi32, #tpu.memory_space<vmem>>, vector<16xi32>,
      tpu.vector_store %arg19[%swap3A_342], %gather3A_341 {strides = array<i32>} : memref<128xi32, #tpu.memory_space<vmem>>, vector<16xi32>,
      %add3A_344 = arith.constant 48 : i32
      %add3A_345 = vector.broadcast %add3A_344 : i32 to vector<16xi32>
      %add3A_346 = arith.addi %add3A_345, %iota3A : vector<16xi32>
      %gather3A_347 = tpu.vector_load_idx %arg23[%add3A_346, %broadcast_in_dim3A_87] : memref<128x16xi32, #tpu.memory_space<vmem>>[vector<16xi32>, vector<16xi32>], vector<16xi32>,
      %swap3A_348 = arith.constant 48 : index
      %swap3A_349 = tpu.vector_load %arg19[%swap3A_348] {strides = array<i32>} : memref<128xi32, #tpu.memory_space<vmem>>, vector<16xi32>,
      tpu.vector_store %arg19[%swap3A_348], %gather3A_347 {strides = array<i32>} : memref<128xi32, #tpu.memory_space<vmem>>, vector<16xi32>,
      %add3A_350 = arith.constant 64 : i32
      %add3A_351 = vector.broadcast %add3A_350 : i32 to vector<16xi32>
      %add3A_352 = arith.addi %add3A_351, %iota3A : vector<16xi32>
      %gather3A_353 = tpu.vector_load_idx %arg23[%add3A_352, %broadcast_in_dim3A_87] : memref<128x16xi32, #tpu.memory_space<vmem>>[vector<16xi32>, vector<16xi32>], vector<16xi32>,
      %swap3A_354 = arith.constant 64 : index
      %swap3A_355 = tpu.vector_load %arg19[%swap3A_354] {strides = array<i32>} : memref<128xi32, #tpu.memory_space<vmem>>, vector<16xi32>,
      tpu.vector_store %arg19[%swap3A_354], %gather3A_353 {strides = array<i32>} : memref<128xi32, #tpu.memory_space<vmem>>, vector<16xi32>,
      %add3A_356 = arith.constant 80 : i32
      %add3A_357 = vector.broadcast %add3A_356 : i32 to vector<16xi32>
      %add3A_358 = arith.addi %add3A_357, %iota3A : vector<16xi32>
      %gather3A_359 = tpu.vector_load_idx %arg23[%add3A_358, %broadcast_in_dim3A_87] : memref<128x16xi32, #tpu.memory_space<vmem>>[vector<16xi32>, vector<16xi32>], vector<16xi32>,
      %swap3A_360 = arith.constant 80 : index
      %swap3A_361 = tpu.vector_load %arg19[%swap3A_360] {strides = array<i32>} : memref<128xi32, #tpu.memory_space<vmem>>, vector<16xi32>,
      tpu.vector_store %arg19[%swap3A_360], %gather3A_359 {strides = array<i32>} : memref<128xi32, #tpu.memory_space<vmem>>, vector<16xi32>,
      %add3A_362 = arith.constant 96 : i32
      %add3A_363 = vector.broadcast %add3A_362 : i32 to vector<16xi32>
      %add3A_364 = arith.addi %add3A_363, %iota3A : vector<16xi32>
      %gather3A_365 = tpu.vector_load_idx %arg23[%add3A_364, %broadcast_in_dim3A_87] : memref<128x16xi32, #tpu.memory_space<vmem>>[vector<16xi32>, vector<16xi32>], vector<16xi32>,
      %swap3A_366 = arith.constant 96 : index
      %swap3A_367 = tpu.vector_load %arg19[%swap3A_366] {strides = array<i32>} : memref<128xi32, #tpu.memory_space<vmem>>, vector<16xi32>,
      tpu.vector_store %arg19[%swap3A_366], %gather3A_365 {strides = array<i32>} : memref<128xi32, #tpu.memory_space<vmem>>, vector<16xi32>,
      %add3A_368 = arith.constant 112 : i32
      %add3A_369 = vector.broadcast %add3A_368 : i32 to vector<16xi32>
      %add3A_370 = arith.addi %add3A_369, %iota3A : vector<16xi32>
      %gather3A_371 = tpu.vector_load_idx %arg23[%add3A_370, %broadcast_in_dim3A_87] : memref<128x16xi32, #tpu.memory_space<vmem>>[vector<16xi32>, vector<16xi32>], vector<16xi32>,
      %swap3A_372 = arith.constant 112 : index
      %swap3A_373 = tpu.vector_load %arg19[%swap3A_372] {strides = array<i32>} : memref<128xi32, #tpu.memory_space<vmem>>, vector<16xi32>,
      tpu.vector_store %arg19[%swap3A_372], %gather3A_371 {strides = array<i32>} : memref<128xi32, #tpu.memory_space<vmem>>, vector<16xi32>,
      "tpu.region"() ({
        %run_scoped3A = tpu.sem_alloc : memref<!tpu.dma_semaphore, #tpu.memory_space<semaphore_mem>>
        %dma_start3A = arith.constant 0 : i32
        %dma_start3A_503 = arith.constant 0 : i32
        %dma_start3A_504 = tpu.memref_slice %arg5[%dma_start3A, %dma_start3A_503] : memref<1000000x16xi32, #tpu.memory_space<hbm>> -> memref<1000000x16xi32, #tpu.memory_space<hbm>>
        tpu.enqueue_indirect_dma source(%dma_start3A_504 : memref<1000000x16xi32, #tpu.memory_space<hbm>>) target(%arg23 : memref<128x16xi32, #tpu.memory_space<vmem>>) offsets(%arg12 : memref<128xi32, #tpu.memory_space<vmem>>) semaphore(%run_scoped3A : memref<!tpu.dma_semaphore, #tpu.memory_space<semaphore_mem>>)
        %dma_wait3A = arith.constant 0 : i32
        %dma_wait3A_505 = arith.constant 0 : i32
        %dma_wait3A_506 = tpu.memref_slice %arg5[%dma_wait3A, %dma_wait3A_505] : memref<1000000x16xi32, #tpu.memory_space<hbm>> -> memref<1000000x16xi32, #tpu.memory_space<hbm>>
        tpu.wait_indirect_dma semaphore(%run_scoped3A : memref<!tpu.dma_semaphore, #tpu.memory_space<semaphore_mem>>) src(%dma_wait3A_506 : memref<1000000x16xi32, #tpu.memory_space<hbm>>) dst(%arg23 : memref<128x16xi32, #tpu.memory_space<vmem>>)
        tpu.yield
      }) : () -> ()
      %add3A_374 = arith.constant 0 : i32
      %add3A_375 = vector.broadcast %add3A_374 : i32 to vector<16xi32>
      %add3A_376 = arith.addi %add3A_375, %iota3A : vector<16xi32>
      %gather3A_377 = tpu.vector_load_idx %arg23[%add3A_376, %broadcast_in_dim3A_87] : memref<128x16xi32, #tpu.memory_space<vmem>>[vector<16xi32>, vector<16xi32>], vector<16xi32>,
      %swap3A_378 = arith.constant 0 : index
      %swap3A_379 = tpu.vector_load %arg20[%swap3A_378] {strides = array<i32>} : memref<128xi32, #tpu.memory_space<vmem>>, vector<16xi32>,
      tpu.vector_store %arg20[%swap3A_378], %gather3A_377 {strides = array<i32>} : memref<128xi32, #tpu.memory_space<vmem>>, vector<16xi32>,
      %add3A_380 = arith.constant 16 : i32
      %add3A_381 = vector.broadcast %add3A_380 : i32 to vector<16xi32>
      %add3A_382 = arith.addi %add3A_381, %iota3A : vector<16xi32>
      %gather3A_383 = tpu.vector_load_idx %arg23[%add3A_382, %broadcast_in_dim3A_87] : memref<128x16xi32, #tpu.memory_space<vmem>>[vector<16xi32>, vector<16xi32>], vector<16xi32>,
      %swap3A_384 = arith.constant 16 : index
      %swap3A_385 = tpu.vector_load %arg20[%swap3A_384] {strides = array<i32>} : memref<128xi32, #tpu.memory_space<vmem>>, vector<16xi32>,
      tpu.vector_store %arg20[%swap3A_384], %gather3A_383 {strides = array<i32>} : memref<128xi32, #tpu.memory_space<vmem>>, vector<16xi32>,
      %add3A_386 = arith.constant 32 : i32
      %add3A_387 = vector.broadcast %add3A_386 : i32 to vector<16xi32>
      %add3A_388 = arith.addi %add3A_387, %iota3A : vector<16xi32>
      %gather3A_389 = tpu.vector_load_idx %arg23[%add3A_388, %broadcast_in_dim3A_87] : memref<128x16xi32, #tpu.memory_space<vmem>>[vector<16xi32>, vector<16xi32>], vector<16xi32>,
      %swap3A_390 = arith.constant 32 : index
      %swap3A_391 = tpu.vector_load %arg20[%swap3A_390] {strides = array<i32>} : memref<128xi32, #tpu.memory_space<vmem>>, vector<16xi32>,
      tpu.vector_store %arg20[%swap3A_390], %gather3A_389 {strides = array<i32>} : memref<128xi32, #tpu.memory_space<vmem>>, vector<16xi32>,
      %add3A_392 = arith.constant 48 : i32
      %add3A_393 = vector.broadcast %add3A_392 : i32 to vector<16xi32>
      %add3A_394 = arith.addi %add3A_393, %iota3A : vector<16xi32>
      %gather3A_395 = tpu.vector_load_idx %arg23[%add3A_394, %broadcast_in_dim3A_87] : memref<128x16xi32, #tpu.memory_space<vmem>>[vector<16xi32>, vector<16xi32>], vector<16xi32>,
      %swap3A_396 = arith.constant 48 : index
      %swap3A_397 = tpu.vector_load %arg20[%swap3A_396] {strides = array<i32>} : memref<128xi32, #tpu.memory_space<vmem>>, vector<16xi32>,
      tpu.vector_store %arg20[%swap3A_396], %gather3A_395 {strides = array<i32>} : memref<128xi32, #tpu.memory_space<vmem>>, vector<16xi32>,
      %add3A_398 = arith.constant 64 : i32
      %add3A_399 = vector.broadcast %add3A_398 : i32 to vector<16xi32>
      %add3A_400 = arith.addi %add3A_399, %iota3A : vector<16xi32>
      %gather3A_401 = tpu.vector_load_idx %arg23[%add3A_400, %broadcast_in_dim3A_87] : memref<128x16xi32, #tpu.memory_space<vmem>>[vector<16xi32>, vector<16xi32>], vector<16xi32>,
      %swap3A_402 = arith.constant 64 : index
      %swap3A_403 = tpu.vector_load %arg20[%swap3A_402] {strides = array<i32>} : memref<128xi32, #tpu.memory_space<vmem>>, vector<16xi32>,
      tpu.vector_store %arg20[%swap3A_402], %gather3A_401 {strides = array<i32>} : memref<128xi32, #tpu.memory_space<vmem>>, vector<16xi32>,
      %add3A_404 = arith.constant 80 : i32
      %add3A_405 = vector.broadcast %add3A_404 : i32 to vector<16xi32>
      %add3A_406 = arith.addi %add3A_405, %iota3A : vector<16xi32>
      %gather3A_407 = tpu.vector_load_idx %arg23[%add3A_406, %broadcast_in_dim3A_87] : memref<128x16xi32, #tpu.memory_space<vmem>>[vector<16xi32>, vector<16xi32>], vector<16xi32>,
      %swap3A_408 = arith.constant 80 : index
      %swap3A_409 = tpu.vector_load %arg20[%swap3A_408] {strides = array<i32>} : memref<128xi32, #tpu.memory_space<vmem>>, vector<16xi32>,
      tpu.vector_store %arg20[%swap3A_408], %gather3A_407 {strides = array<i32>} : memref<128xi32, #tpu.memory_space<vmem>>, vector<16xi32>,
      %add3A_410 = arith.constant 96 : i32
      %add3A_411 = vector.broadcast %add3A_410 : i32 to vector<16xi32>
      %add3A_412 = arith.addi %add3A_411, %iota3A : vector<16xi32>
      %gather3A_413 = tpu.vector_load_idx %arg23[%add3A_412, %broadcast_in_dim3A_87] : memref<128x16xi32, #tpu.memory_space<vmem>>[vector<16xi32>, vector<16xi32>], vector<16xi32>,
      %swap3A_414 = arith.constant 96 : index
      %swap3A_415 = tpu.vector_load %arg20[%swap3A_414] {strides = array<i32>} : memref<128xi32, #tpu.memory_space<vmem>>, vector<16xi32>,
      tpu.vector_store %arg20[%swap3A_414], %gather3A_413 {strides = array<i32>} : memref<128xi32, #tpu.memory_space<vmem>>, vector<16xi32>,
      %add3A_416 = arith.constant 112 : i32
      %add3A_417 = vector.broadcast %add3A_416 : i32 to vector<16xi32>
      %add3A_418 = arith.addi %add3A_417, %iota3A : vector<16xi32>
      %gather3A_419 = tpu.vector_load_idx %arg23[%add3A_418, %broadcast_in_dim3A_87] : memref<128x16xi32, #tpu.memory_space<vmem>>[vector<16xi32>, vector<16xi32>], vector<16xi32>,
      %swap3A_420 = arith.constant 112 : index
      %swap3A_421 = tpu.vector_load %arg20[%swap3A_420] {strides = array<i32>} : memref<128xi32, #tpu.memory_space<vmem>>, vector<16xi32>,
      tpu.vector_store %arg20[%swap3A_420], %gather3A_419 {strides = array<i32>} : memref<128xi32, #tpu.memory_space<vmem>>, vector<16xi32>,
      "tpu.region"() ({
        %run_scoped3A = tpu.sem_alloc : memref<!tpu.dma_semaphore, #tpu.memory_space<semaphore_mem>>
        %dma_start3A = arith.constant 0 : i32
        %dma_start3A_503 = arith.constant 0 : i32
        %dma_start3A_504 = tpu.memref_slice %arg5[%dma_start3A, %dma_start3A_503] : memref<1000000x16xi32, #tpu.memory_space<hbm>> -> memref<1000000x16xi32, #tpu.memory_space<hbm>>
        tpu.enqueue_indirect_dma source(%dma_start3A_504 : memref<1000000x16xi32, #tpu.memory_space<hbm>>) target(%arg23 : memref<128x16xi32, #tpu.memory_space<vmem>>) offsets(%arg13 : memref<128xi32, #tpu.memory_space<vmem>>) semaphore(%run_scoped3A : memref<!tpu.dma_semaphore, #tpu.memory_space<semaphore_mem>>)
        %dma_wait3A = arith.constant 0 : i32
        %dma_wait3A_505 = arith.constant 0 : i32
        %dma_wait3A_506 = tpu.memref_slice %arg5[%dma_wait3A, %dma_wait3A_505] : memref<1000000x16xi32, #tpu.memory_space<hbm>> -> memref<1000000x16xi32, #tpu.memory_space<hbm>>
        tpu.wait_indirect_dma semaphore(%run_scoped3A : memref<!tpu.dma_semaphore, #tpu.memory_space<semaphore_mem>>) src(%dma_wait3A_506 : memref<1000000x16xi32, #tpu.memory_space<hbm>>) dst(%arg23 : memref<128x16xi32, #tpu.memory_space<vmem>>)
        tpu.yield
      }) : () -> ()
      %add3A_422 = arith.constant 0 : i32
      %add3A_423 = vector.broadcast %add3A_422 : i32 to vector<16xi32>
      %add3A_424 = arith.addi %add3A_423, %iota3A : vector<16xi32>
      %gather3A_425 = tpu.vector_load_idx %arg23[%add3A_424, %broadcast_in_dim3A_87] : memref<128x16xi32, #tpu.memory_space<vmem>>[vector<16xi32>, vector<16xi32>], vector<16xi32>,
      %swap3A_426 = arith.constant 0 : index
      %swap3A_427 = tpu.vector_load %arg21[%swap3A_426] {strides = array<i32>} : memref<128xi32, #tpu.memory_space<vmem>>, vector<16xi32>,
      tpu.vector_store %arg21[%swap3A_426], %gather3A_425 {strides = array<i32>} : memref<128xi32, #tpu.memory_space<vmem>>, vector<16xi32>,
      %add3A_428 = arith.constant 16 : i32
      %add3A_429 = vector.broadcast %add3A_428 : i32 to vector<16xi32>
      %add3A_430 = arith.addi %add3A_429, %iota3A : vector<16xi32>
      %gather3A_431 = tpu.vector_load_idx %arg23[%add3A_430, %broadcast_in_dim3A_87] : memref<128x16xi32, #tpu.memory_space<vmem>>[vector<16xi32>, vector<16xi32>], vector<16xi32>,
      %swap3A_432 = arith.constant 16 : index
      %swap3A_433 = tpu.vector_load %arg21[%swap3A_432] {strides = array<i32>} : memref<128xi32, #tpu.memory_space<vmem>>, vector<16xi32>,
      tpu.vector_store %arg21[%swap3A_432], %gather3A_431 {strides = array<i32>} : memref<128xi32, #tpu.memory_space<vmem>>, vector<16xi32>,
      %add3A_434 = arith.constant 32 : i32
      %add3A_435 = vector.broadcast %add3A_434 : i32 to vector<16xi32>
      %add3A_436 = arith.addi %add3A_435, %iota3A : vector<16xi32>
      %gather3A_437 = tpu.vector_load_idx %arg23[%add3A_436, %broadcast_in_dim3A_87] : memref<128x16xi32, #tpu.memory_space<vmem>>[vector<16xi32>, vector<16xi32>], vector<16xi32>,
      %swap3A_438 = arith.constant 32 : index
      %swap3A_439 = tpu.vector_load %arg21[%swap3A_438] {strides = array<i32>} : memref<128xi32, #tpu.memory_space<vmem>>, vector<16xi32>,
      tpu.vector_store %arg21[%swap3A_438], %gather3A_437 {strides = array<i32>} : memref<128xi32, #tpu.memory_space<vmem>>, vector<16xi32>,
      %add3A_440 = arith.constant 48 : i32
      %add3A_441 = vector.broadcast %add3A_440 : i32 to vector<16xi32>
      %add3A_442 = arith.addi %add3A_441, %iota3A : vector<16xi32>
      %gather3A_443 = tpu.vector_load_idx %arg23[%add3A_442, %broadcast_in_dim3A_87] : memref<128x16xi32, #tpu.memory_space<vmem>>[vector<16xi32>, vector<16xi32>], vector<16xi32>,
      %swap3A_444 = arith.constant 48 : index
      %swap3A_445 = tpu.vector_load %arg21[%swap3A_444] {strides = array<i32>} : memref<128xi32, #tpu.memory_space<vmem>>, vector<16xi32>,
      tpu.vector_store %arg21[%swap3A_444], %gather3A_443 {strides = array<i32>} : memref<128xi32, #tpu.memory_space<vmem>>, vector<16xi32>,
      %add3A_446 = arith.constant 64 : i32
      %add3A_447 = vector.broadcast %add3A_446 : i32 to vector<16xi32>
      %add3A_448 = arith.addi %add3A_447, %iota3A : vector<16xi32>
      %gather3A_449 = tpu.vector_load_idx %arg23[%add3A_448, %broadcast_in_dim3A_87] : memref<128x16xi32, #tpu.memory_space<vmem>>[vector<16xi32>, vector<16xi32>], vector<16xi32>,
      %swap3A_450 = arith.constant 64 : index
      %swap3A_451 = tpu.vector_load %arg21[%swap3A_450] {strides = array<i32>} : memref<128xi32, #tpu.memory_space<vmem>>, vector<16xi32>,
      tpu.vector_store %arg21[%swap3A_450], %gather3A_449 {strides = array<i32>} : memref<128xi32, #tpu.memory_space<vmem>>, vector<16xi32>,
      %add3A_452 = arith.constant 80 : i32
      %add3A_453 = vector.broadcast %add3A_452 : i32 to vector<16xi32>
      %add3A_454 = arith.addi %add3A_453, %iota3A : vector<16xi32>
      %gather3A_455 = tpu.vector_load_idx %arg23[%add3A_454, %broadcast_in_dim3A_87] : memref<128x16xi32, #tpu.memory_space<vmem>>[vector<16xi32>, vector<16xi32>], vector<16xi32>,
      %swap3A_456 = arith.constant 80 : index
      %swap3A_457 = tpu.vector_load %arg21[%swap3A_456] {strides = array<i32>} : memref<128xi32, #tpu.memory_space<vmem>>, vector<16xi32>,
      tpu.vector_store %arg21[%swap3A_456], %gather3A_455 {strides = array<i32>} : memref<128xi32, #tpu.memory_space<vmem>>, vector<16xi32>,
      %add3A_458 = arith.constant 96 : i32
      %add3A_459 = vector.broadcast %add3A_458 : i32 to vector<16xi32>
      %add3A_460 = arith.addi %add3A_459, %iota3A : vector<16xi32>
      %gather3A_461 = tpu.vector_load_idx %arg23[%add3A_460, %broadcast_in_dim3A_87] : memref<128x16xi32, #tpu.memory_space<vmem>>[vector<16xi32>, vector<16xi32>], vector<16xi32>,
      %swap3A_462 = arith.constant 96 : index
      %swap3A_463 = tpu.vector_load %arg21[%swap3A_462] {strides = array<i32>} : memref<128xi32, #tpu.memory_space<vmem>>, vector<16xi32>,
      tpu.vector_store %arg21[%swap3A_462], %gather3A_461 {strides = array<i32>} : memref<128xi32, #tpu.memory_space<vmem>>, vector<16xi32>,
      %add3A_464 = arith.constant 112 : i32
      %add3A_465 = vector.broadcast %add3A_464 : i32 to vector<16xi32>
      %add3A_466 = arith.addi %add3A_465, %iota3A : vector<16xi32>
      %gather3A_467 = tpu.vector_load_idx %arg23[%add3A_466, %broadcast_in_dim3A_87] : memref<128x16xi32, #tpu.memory_space<vmem>>[vector<16xi32>, vector<16xi32>], vector<16xi32>,
      %swap3A_468 = arith.constant 112 : index
      %swap3A_469 = tpu.vector_load %arg21[%swap3A_468] {strides = array<i32>} : memref<128xi32, #tpu.memory_space<vmem>>, vector<16xi32>,
      tpu.vector_store %arg21[%swap3A_468], %gather3A_467 {strides = array<i32>} : memref<128xi32, #tpu.memory_space<vmem>>, vector<16xi32>,
      %add3A_470 = arith.constant 0 : i32
      %add3A_471 = arith.addi %mul3A_2, %add3A_470 : i32
      "tpu.region"() ({
        %run_scoped3A = tpu.sem_alloc : memref<!tpu.dma_semaphore, #tpu.memory_space<semaphore_mem>>
        %dma_start3A = arith.constant 0 : i32
        %dma_start3A_503 = tpu.memref_slice %arg3[%add3A_471, %dma_start3A] : memref<16384x64xf32, #tpu.memory_space<hbm>> -> memref<128x64xf32, #tpu.memory_space<hbm>>
        %dma_start3A_504 = arith.constant 0 : i32
        %dma_start3A_505 = tpu.memref_slice %arg3[%add3A_471, %dma_start3A_504] : memref<16384x64xf32, #tpu.memory_space<hbm>> -> memref<128x64xf32, #tpu.memory_space<hbm>>
        tpu.enqueue_dma source(%dma_start3A_505 : memref<128x64xf32, #tpu.memory_space<hbm>>) target(%arg25 : memref<128x64xf32, #tpu.memory_space<vmem>>) target_semaphore(%run_scoped3A : memref<!tpu.dma_semaphore, #tpu.memory_space<semaphore_mem>>)
        %dma_wait3A = arith.constant 0 : i32
        %dma_wait3A_506 = tpu.memref_slice %arg3[%add3A_471, %dma_wait3A] : memref<16384x64xf32, #tpu.memory_space<hbm>> -> memref<128x64xf32, #tpu.memory_space<hbm>>
        %dma_wait3A_507 = arith.constant 0 : i32
        %dma_wait3A_508 = tpu.memref_slice %arg3[%add3A_471, %dma_wait3A_507] : memref<16384x64xf32, #tpu.memory_space<hbm>> -> memref<128x64xf32, #tpu.memory_space<hbm>>
        tpu.wait_dma2 semaphore(%run_scoped3A : memref<!tpu.dma_semaphore, #tpu.memory_space<semaphore_mem>>) src(%dma_wait3A_508 : memref<128x64xf32, #tpu.memory_space<hbm>>) dst(%arg25 : memref<128x64xf32, #tpu.memory_space<vmem>>)
        tpu.yield
      }) : () -> ()
      "tpu.region"() ({
        %run_scoped3A = tpu.sem_alloc : memref<!tpu.dma_semaphore, #tpu.memory_space<semaphore_mem>>
        %dma_start3A = arith.constant 0 : i32
        %dma_start3A_503 = arith.constant 0 : i32
        %dma_start3A_504 = tpu.memref_slice %arg26[%dma_start3A, %dma_start3A_503] : memref<16384x64xf32, #tpu.memory_space<vmem_shared>> -> memref<16384x64xf32, #tpu.memory_space<vmem_shared>>
        tpu.enqueue_indirect_dma source(%arg25 : memref<128x64xf32, #tpu.memory_space<vmem>>) target(%dma_start3A_504 : memref<16384x64xf32, #tpu.memory_space<vmem_shared>>) offsets(%arg14 : memref<128xi32, #tpu.memory_space<vmem>>) semaphore(%run_scoped3A : memref<!tpu.dma_semaphore, #tpu.memory_space<semaphore_mem>>) {add = true}
        %dma_wait3A = arith.constant 0 : i32
        %dma_wait3A_505 = arith.constant 0 : i32
        %dma_wait3A_506 = tpu.memref_slice %arg26[%dma_wait3A, %dma_wait3A_505] : memref<16384x64xf32, #tpu.memory_space<vmem_shared>> -> memref<16384x64xf32, #tpu.memory_space<vmem_shared>>
        tpu.wait_indirect_dma semaphore(%run_scoped3A : memref<!tpu.dma_semaphore, #tpu.memory_space<semaphore_mem>>) src(%arg25 : memref<128x64xf32, #tpu.memory_space<vmem>>) dst(%dma_wait3A_506 : memref<16384x64xf32, #tpu.memory_space<vmem_shared>>)
        tpu.yield
      }) : () -> ()
      %add3A_472 = arith.constant 128 : i32
      %add3A_473 = arith.addi %mul3A_2, %add3A_472 : i32
      "tpu.region"() ({
        %run_scoped3A = tpu.sem_alloc : memref<!tpu.dma_semaphore, #tpu.memory_space<semaphore_mem>>
        %dma_start3A = arith.constant 0 : i32
        %dma_start3A_503 = tpu.memref_slice %arg3[%add3A_473, %dma_start3A] : memref<16384x64xf32, #tpu.memory_space<hbm>> -> memref<128x64xf32, #tpu.memory_space<hbm>>
        %dma_start3A_504 = arith.constant 0 : i32
        %dma_start3A_505 = tpu.memref_slice %arg3[%add3A_473, %dma_start3A_504] : memref<16384x64xf32, #tpu.memory_space<hbm>> -> memref<128x64xf32, #tpu.memory_space<hbm>>
        tpu.enqueue_dma source(%dma_start3A_505 : memref<128x64xf32, #tpu.memory_space<hbm>>) target(%arg25 : memref<128x64xf32, #tpu.memory_space<vmem>>) target_semaphore(%run_scoped3A : memref<!tpu.dma_semaphore, #tpu.memory_space<semaphore_mem>>)
        %dma_wait3A = arith.constant 0 : i32
        %dma_wait3A_506 = tpu.memref_slice %arg3[%add3A_473, %dma_wait3A] : memref<16384x64xf32, #tpu.memory_space<hbm>> -> memref<128x64xf32, #tpu.memory_space<hbm>>
        %dma_wait3A_507 = arith.constant 0 : i32
        %dma_wait3A_508 = tpu.memref_slice %arg3[%add3A_473, %dma_wait3A_507] : memref<16384x64xf32, #tpu.memory_space<hbm>> -> memref<128x64xf32, #tpu.memory_space<hbm>>
        tpu.wait_dma2 semaphore(%run_scoped3A : memref<!tpu.dma_semaphore, #tpu.memory_space<semaphore_mem>>) src(%dma_wait3A_508 : memref<128x64xf32, #tpu.memory_space<hbm>>) dst(%arg25 : memref<128x64xf32, #tpu.memory_space<vmem>>)
        tpu.yield
      }) : () -> ()
      "tpu.region"() ({
        %run_scoped3A = tpu.sem_alloc : memref<!tpu.dma_semaphore, #tpu.memory_space<semaphore_mem>>
        %dma_start3A = arith.constant 0 : i32
        %dma_start3A_503 = arith.constant 0 : i32
        %dma_start3A_504 = tpu.memref_slice %arg26[%dma_start3A, %dma_start3A_503] : memref<16384x64xf32, #tpu.memory_space<vmem_shared>> -> memref<16384x64xf32, #tpu.memory_space<vmem_shared>>
        tpu.enqueue_indirect_dma source(%arg25 : memref<128x64xf32, #tpu.memory_space<vmem>>) target(%dma_start3A_504 : memref<16384x64xf32, #tpu.memory_space<vmem_shared>>) offsets(%arg15 : memref<128xi32, #tpu.memory_space<vmem>>) semaphore(%run_scoped3A : memref<!tpu.dma_semaphore, #tpu.memory_space<semaphore_mem>>) {add = true}
        %dma_wait3A = arith.constant 0 : i32
        %dma_wait3A_505 = arith.constant 0 : i32
        %dma_wait3A_506 = tpu.memref_slice %arg26[%dma_wait3A, %dma_wait3A_505] : memref<16384x64xf32, #tpu.memory_space<vmem_shared>> -> memref<16384x64xf32, #tpu.memory_space<vmem_shared>>
        tpu.wait_indirect_dma semaphore(%run_scoped3A : memref<!tpu.dma_semaphore, #tpu.memory_space<semaphore_mem>>) src(%arg25 : memref<128x64xf32, #tpu.memory_space<vmem>>) dst(%dma_wait3A_506 : memref<16384x64xf32, #tpu.memory_space<vmem_shared>>)
        tpu.yield
      }) : () -> ()
      %add3A_474 = arith.constant 256 : i32
      %add3A_475 = arith.addi %mul3A_2, %add3A_474 : i32
      "tpu.region"() ({
        %run_scoped3A = tpu.sem_alloc : memref<!tpu.dma_semaphore, #tpu.memory_space<semaphore_mem>>
        %dma_start3A = arith.constant 0 : i32
        %dma_start3A_503 = tpu.memref_slice %arg3[%add3A_475, %dma_start3A] : memref<16384x64xf32, #tpu.memory_space<hbm>> -> memref<128x64xf32, #tpu.memory_space<hbm>>
        %dma_start3A_504 = arith.constant 0 : i32
        %dma_start3A_505 = tpu.memref_slice %arg3[%add3A_475, %dma_start3A_504] : memref<16384x64xf32, #tpu.memory_space<hbm>> -> memref<128x64xf32, #tpu.memory_space<hbm>>
        tpu.enqueue_dma source(%dma_start3A_505 : memref<128x64xf32, #tpu.memory_space<hbm>>) target(%arg25 : memref<128x64xf32, #tpu.memory_space<vmem>>) target_semaphore(%run_scoped3A : memref<!tpu.dma_semaphore, #tpu.memory_space<semaphore_mem>>)
        %dma_wait3A = arith.constant 0 : i32
        %dma_wait3A_506 = tpu.memref_slice %arg3[%add3A_475, %dma_wait3A] : memref<16384x64xf32, #tpu.memory_space<hbm>> -> memref<128x64xf32, #tpu.memory_space<hbm>>
        %dma_wait3A_507 = arith.constant 0 : i32
        %dma_wait3A_508 = tpu.memref_slice %arg3[%add3A_475, %dma_wait3A_507] : memref<16384x64xf32, #tpu.memory_space<hbm>> -> memref<128x64xf32, #tpu.memory_space<hbm>>
        tpu.wait_dma2 semaphore(%run_scoped3A : memref<!tpu.dma_semaphore, #tpu.memory_space<semaphore_mem>>) src(%dma_wait3A_508 : memref<128x64xf32, #tpu.memory_space<hbm>>) dst(%arg25 : memref<128x64xf32, #tpu.memory_space<vmem>>)
        tpu.yield
      }) : () -> ()
      "tpu.region"() ({
        %run_scoped3A = tpu.sem_alloc : memref<!tpu.dma_semaphore, #tpu.memory_space<semaphore_mem>>
        %dma_start3A = arith.constant 0 : i32
        %dma_start3A_503 = arith.constant 0 : i32
        %dma_start3A_504 = tpu.memref_slice %arg26[%dma_start3A, %dma_start3A_503] : memref<16384x64xf32, #tpu.memory_space<vmem_shared>> -> memref<16384x64xf32, #tpu.memory_space<vmem_shared>>
        tpu.enqueue_indirect_dma source(%arg25 : memref<128x64xf32, #tpu.memory_space<vmem>>) target(%dma_start3A_504 : memref<16384x64xf32, #tpu.memory_space<vmem_shared>>) offsets(%arg16 : memref<128xi32, #tpu.memory_space<vmem>>) semaphore(%run_scoped3A : memref<!tpu.dma_semaphore, #tpu.memory_space<semaphore_mem>>) {add = true}
        %dma_wait3A = arith.constant 0 : i32
        %dma_wait3A_505 = arith.constant 0 : i32
        %dma_wait3A_506 = tpu.memref_slice %arg26[%dma_wait3A, %dma_wait3A_505] : memref<16384x64xf32, #tpu.memory_space<vmem_shared>> -> memref<16384x64xf32, #tpu.memory_space<vmem_shared>>
        tpu.wait_indirect_dma semaphore(%run_scoped3A : memref<!tpu.dma_semaphore, #tpu.memory_space<semaphore_mem>>) src(%arg25 : memref<128x64xf32, #tpu.memory_space<vmem>>) dst(%dma_wait3A_506 : memref<16384x64xf32, #tpu.memory_space<vmem_shared>>)
        tpu.yield
      }) : () -> ()
      %add3A_476 = arith.constant 384 : i32
      %add3A_477 = arith.addi %mul3A_2, %add3A_476 : i32
      "tpu.region"() ({
        %run_scoped3A = tpu.sem_alloc : memref<!tpu.dma_semaphore, #tpu.memory_space<semaphore_mem>>
        %dma_start3A = arith.constant 0 : i32
        %dma_start3A_503 = tpu.memref_slice %arg3[%add3A_477, %dma_start3A] : memref<16384x64xf32, #tpu.memory_space<hbm>> -> memref<128x64xf32, #tpu.memory_space<hbm>>
        %dma_start3A_504 = arith.constant 0 : i32
        %dma_start3A_505 = tpu.memref_slice %arg3[%add3A_477, %dma_start3A_504] : memref<16384x64xf32, #tpu.memory_space<hbm>> -> memref<128x64xf32, #tpu.memory_space<hbm>>
        tpu.enqueue_dma source(%dma_start3A_505 : memref<128x64xf32, #tpu.memory_space<hbm>>) target(%arg25 : memref<128x64xf32, #tpu.memory_space<vmem>>) target_semaphore(%run_scoped3A : memref<!tpu.dma_semaphore, #tpu.memory_space<semaphore_mem>>)
        %dma_wait3A = arith.constant 0 : i32
        %dma_wait3A_506 = tpu.memref_slice %arg3[%add3A_477, %dma_wait3A] : memref<16384x64xf32, #tpu.memory_space<hbm>> -> memref<128x64xf32, #tpu.memory_space<hbm>>
        %dma_wait3A_507 = arith.constant 0 : i32
        %dma_wait3A_508 = tpu.memref_slice %arg3[%add3A_477, %dma_wait3A_507] : memref<16384x64xf32, #tpu.memory_space<hbm>> -> memref<128x64xf32, #tpu.memory_space<hbm>>
        tpu.wait_dma2 semaphore(%run_scoped3A : memref<!tpu.dma_semaphore, #tpu.memory_space<semaphore_mem>>) src(%dma_wait3A_508 : memref<128x64xf32, #tpu.memory_space<hbm>>) dst(%arg25 : memref<128x64xf32, #tpu.memory_space<vmem>>)
        tpu.yield
      }) : () -> ()
      "tpu.region"() ({
        %run_scoped3A = tpu.sem_alloc : memref<!tpu.dma_semaphore, #tpu.memory_space<semaphore_mem>>
        %dma_start3A = arith.constant 0 : i32
        %dma_start3A_503 = arith.constant 0 : i32
        %dma_start3A_504 = tpu.memref_slice %arg26[%dma_start3A, %dma_start3A_503] : memref<16384x64xf32, #tpu.memory_space<vmem_shared>> -> memref<16384x64xf32, #tpu.memory_space<vmem_shared>>
        tpu.enqueue_indirect_dma source(%arg25 : memref<128x64xf32, #tpu.memory_space<vmem>>) target(%dma_start3A_504 : memref<16384x64xf32, #tpu.memory_space<vmem_shared>>) offsets(%arg17 : memref<128xi32, #tpu.memory_space<vmem>>) semaphore(%run_scoped3A : memref<!tpu.dma_semaphore, #tpu.memory_space<semaphore_mem>>) {add = true}
        %dma_wait3A = arith.constant 0 : i32
        %dma_wait3A_505 = arith.constant 0 : i32
        %dma_wait3A_506 = tpu.memref_slice %arg26[%dma_wait3A, %dma_wait3A_505] : memref<16384x64xf32, #tpu.memory_space<vmem_shared>> -> memref<16384x64xf32, #tpu.memory_space<vmem_shared>>
        tpu.wait_indirect_dma semaphore(%run_scoped3A : memref<!tpu.dma_semaphore, #tpu.memory_space<semaphore_mem>>) src(%arg25 : memref<128x64xf32, #tpu.memory_space<vmem>>) dst(%dma_wait3A_506 : memref<16384x64xf32, #tpu.memory_space<vmem_shared>>)
        tpu.yield
      }) : () -> ()
      %add3A_478 = arith.constant 512 : i32
      %add3A_479 = arith.addi %mul3A_2, %add3A_478 : i32
      "tpu.region"() ({
        %run_scoped3A = tpu.sem_alloc : memref<!tpu.dma_semaphore, #tpu.memory_space<semaphore_mem>>
        %dma_start3A = arith.constant 0 : i32
        %dma_start3A_503 = tpu.memref_slice %arg3[%add3A_479, %dma_start3A] : memref<16384x64xf32, #tpu.memory_space<hbm>> -> memref<128x64xf32, #tpu.memory_space<hbm>>
        %dma_start3A_504 = arith.constant 0 : i32
        %dma_start3A_505 = tpu.memref_slice %arg3[%add3A_479, %dma_start3A_504] : memref<16384x64xf32, #tpu.memory_space<hbm>> -> memref<128x64xf32, #tpu.memory_space<hbm>>
        tpu.enqueue_dma source(%dma_start3A_505 : memref<128x64xf32, #tpu.memory_space<hbm>>) target(%arg25 : memref<128x64xf32, #tpu.memory_space<vmem>>) target_semaphore(%run_scoped3A : memref<!tpu.dma_semaphore, #tpu.memory_space<semaphore_mem>>)
        %dma_wait3A = arith.constant 0 : i32
        %dma_wait3A_506 = tpu.memref_slice %arg3[%add3A_479, %dma_wait3A] : memref<16384x64xf32, #tpu.memory_space<hbm>> -> memref<128x64xf32, #tpu.memory_space<hbm>>
        %dma_wait3A_507 = arith.constant 0 : i32
        %dma_wait3A_508 = tpu.memref_slice %arg3[%add3A_479, %dma_wait3A_507] : memref<16384x64xf32, #tpu.memory_space<hbm>> -> memref<128x64xf32, #tpu.memory_space<hbm>>
        tpu.wait_dma2 semaphore(%run_scoped3A : memref<!tpu.dma_semaphore, #tpu.memory_space<semaphore_mem>>) src(%dma_wait3A_508 : memref<128x64xf32, #tpu.memory_space<hbm>>) dst(%arg25 : memref<128x64xf32, #tpu.memory_space<vmem>>)
        tpu.yield
      }) : () -> ()
      "tpu.region"() ({
        %run_scoped3A = tpu.sem_alloc : memref<!tpu.dma_semaphore, #tpu.memory_space<semaphore_mem>>
        %dma_start3A = arith.constant 0 : i32
        %dma_start3A_503 = arith.constant 0 : i32
        %dma_start3A_504 = tpu.memref_slice %arg26[%dma_start3A, %dma_start3A_503] : memref<16384x64xf32, #tpu.memory_space<vmem_shared>> -> memref<16384x64xf32, #tpu.memory_space<vmem_shared>>
        tpu.enqueue_indirect_dma source(%arg25 : memref<128x64xf32, #tpu.memory_space<vmem>>) target(%dma_start3A_504 : memref<16384x64xf32, #tpu.memory_space<vmem_shared>>) offsets(%arg18 : memref<128xi32, #tpu.memory_space<vmem>>) semaphore(%run_scoped3A : memref<!tpu.dma_semaphore, #tpu.memory_space<semaphore_mem>>) {add = true}
        %dma_wait3A = arith.constant 0 : i32
        %dma_wait3A_505 = arith.constant 0 : i32
        %dma_wait3A_506 = tpu.memref_slice %arg26[%dma_wait3A, %dma_wait3A_505] : memref<16384x64xf32, #tpu.memory_space<vmem_shared>> -> memref<16384x64xf32, #tpu.memory_space<vmem_shared>>
        tpu.wait_indirect_dma semaphore(%run_scoped3A : memref<!tpu.dma_semaphore, #tpu.memory_space<semaphore_mem>>) src(%arg25 : memref<128x64xf32, #tpu.memory_space<vmem>>) dst(%dma_wait3A_506 : memref<16384x64xf32, #tpu.memory_space<vmem_shared>>)
        tpu.yield
      }) : () -> ()
      %add3A_480 = arith.constant 640 : i32
      %add3A_481 = arith.addi %mul3A_2, %add3A_480 : i32
      "tpu.region"() ({
        %run_scoped3A = tpu.sem_alloc : memref<!tpu.dma_semaphore, #tpu.memory_space<semaphore_mem>>
        %dma_start3A = arith.constant 0 : i32
        %dma_start3A_503 = tpu.memref_slice %arg3[%add3A_481, %dma_start3A] : memref<16384x64xf32, #tpu.memory_space<hbm>> -> memref<128x64xf32, #tpu.memory_space<hbm>>
        %dma_start3A_504 = arith.constant 0 : i32
        %dma_start3A_505 = tpu.memref_slice %arg3[%add3A_481, %dma_start3A_504] : memref<16384x64xf32, #tpu.memory_space<hbm>> -> memref<128x64xf32, #tpu.memory_space<hbm>>
        tpu.enqueue_dma source(%dma_start3A_505 : memref<128x64xf32, #tpu.memory_space<hbm>>) target(%arg25 : memref<128x64xf32, #tpu.memory_space<vmem>>) target_semaphore(%run_scoped3A : memref<!tpu.dma_semaphore, #tpu.memory_space<semaphore_mem>>)
        %dma_wait3A = arith.constant 0 : i32
        %dma_wait3A_506 = tpu.memref_slice %arg3[%add3A_481, %dma_wait3A] : memref<16384x64xf32, #tpu.memory_space<hbm>> -> memref<128x64xf32, #tpu.memory_space<hbm>>
        %dma_wait3A_507 = arith.constant 0 : i32
        %dma_wait3A_508 = tpu.memref_slice %arg3[%add3A_481, %dma_wait3A_507] : memref<16384x64xf32, #tpu.memory_space<hbm>> -> memref<128x64xf32, #tpu.memory_space<hbm>>
        tpu.wait_dma2 semaphore(%run_scoped3A : memref<!tpu.dma_semaphore, #tpu.memory_space<semaphore_mem>>) src(%dma_wait3A_508 : memref<128x64xf32, #tpu.memory_space<hbm>>) dst(%arg25 : memref<128x64xf32, #tpu.memory_space<vmem>>)
        tpu.yield
      }) : () -> ()
      "tpu.region"() ({
        %run_scoped3A = tpu.sem_alloc : memref<!tpu.dma_semaphore, #tpu.memory_space<semaphore_mem>>
        %dma_start3A = arith.constant 0 : i32
        %dma_start3A_503 = arith.constant 0 : i32
        %dma_start3A_504 = tpu.memref_slice %arg26[%dma_start3A, %dma_start3A_503] : memref<16384x64xf32, #tpu.memory_space<vmem_shared>> -> memref<16384x64xf32, #tpu.memory_space<vmem_shared>>
        tpu.enqueue_indirect_dma source(%arg25 : memref<128x64xf32, #tpu.memory_space<vmem>>) target(%dma_start3A_504 : memref<16384x64xf32, #tpu.memory_space<vmem_shared>>) offsets(%arg19 : memref<128xi32, #tpu.memory_space<vmem>>) semaphore(%run_scoped3A : memref<!tpu.dma_semaphore, #tpu.memory_space<semaphore_mem>>) {add = true}
        %dma_wait3A = arith.constant 0 : i32
        %dma_wait3A_505 = arith.constant 0 : i32
        %dma_wait3A_506 = tpu.memref_slice %arg26[%dma_wait3A, %dma_wait3A_505] : memref<16384x64xf32, #tpu.memory_space<vmem_shared>> -> memref<16384x64xf32, #tpu.memory_space<vmem_shared>>
        tpu.wait_indirect_dma semaphore(%run_scoped3A : memref<!tpu.dma_semaphore, #tpu.memory_space<semaphore_mem>>) src(%arg25 : memref<128x64xf32, #tpu.memory_space<vmem>>) dst(%dma_wait3A_506 : memref<16384x64xf32, #tpu.memory_space<vmem_shared>>)
        tpu.yield
      }) : () -> ()
      %add3A_482 = arith.constant 768 : i32
      %add3A_483 = arith.addi %mul3A_2, %add3A_482 : i32
      "tpu.region"() ({
        %run_scoped3A = tpu.sem_alloc : memref<!tpu.dma_semaphore, #tpu.memory_space<semaphore_mem>>
        %dma_start3A = arith.constant 0 : i32
        %dma_start3A_503 = tpu.memref_slice %arg3[%add3A_483, %dma_start3A] : memref<16384x64xf32, #tpu.memory_space<hbm>> -> memref<128x64xf32, #tpu.memory_space<hbm>>
        %dma_start3A_504 = arith.constant 0 : i32
        %dma_start3A_505 = tpu.memref_slice %arg3[%add3A_483, %dma_start3A_504] : memref<16384x64xf32, #tpu.memory_space<hbm>> -> memref<128x64xf32, #tpu.memory_space<hbm>>
        tpu.enqueue_dma source(%dma_start3A_505 : memref<128x64xf32, #tpu.memory_space<hbm>>) target(%arg25 : memref<128x64xf32, #tpu.memory_space<vmem>>) target_semaphore(%run_scoped3A : memref<!tpu.dma_semaphore, #tpu.memory_space<semaphore_mem>>)
        %dma_wait3A = arith.constant 0 : i32
        %dma_wait3A_506 = tpu.memref_slice %arg3[%add3A_483, %dma_wait3A] : memref<16384x64xf32, #tpu.memory_space<hbm>> -> memref<128x64xf32, #tpu.memory_space<hbm>>
        %dma_wait3A_507 = arith.constant 0 : i32
        %dma_wait3A_508 = tpu.memref_slice %arg3[%add3A_483, %dma_wait3A_507] : memref<16384x64xf32, #tpu.memory_space<hbm>> -> memref<128x64xf32, #tpu.memory_space<hbm>>
        tpu.wait_dma2 semaphore(%run_scoped3A : memref<!tpu.dma_semaphore, #tpu.memory_space<semaphore_mem>>) src(%dma_wait3A_508 : memref<128x64xf32, #tpu.memory_space<hbm>>) dst(%arg25 : memref<128x64xf32, #tpu.memory_space<vmem>>)
        tpu.yield
      }) : () -> ()
      "tpu.region"() ({
        %run_scoped3A = tpu.sem_alloc : memref<!tpu.dma_semaphore, #tpu.memory_space<semaphore_mem>>
        %dma_start3A = arith.constant 0 : i32
        %dma_start3A_503 = arith.constant 0 : i32
        %dma_start3A_504 = tpu.memref_slice %arg26[%dma_start3A, %dma_start3A_503] : memref<16384x64xf32, #tpu.memory_space<vmem_shared>> -> memref<16384x64xf32, #tpu.memory_space<vmem_shared>>
        tpu.enqueue_indirect_dma source(%arg25 : memref<128x64xf32, #tpu.memory_space<vmem>>) target(%dma_start3A_504 : memref<16384x64xf32, #tpu.memory_space<vmem_shared>>) offsets(%arg20 : memref<128xi32, #tpu.memory_space<vmem>>) semaphore(%run_scoped3A : memref<!tpu.dma_semaphore, #tpu.memory_space<semaphore_mem>>) {add = true}
        %dma_wait3A = arith.constant 0 : i32
        %dma_wait3A_505 = arith.constant 0 : i32
        %dma_wait3A_506 = tpu.memref_slice %arg26[%dma_wait3A, %dma_wait3A_505] : memref<16384x64xf32, #tpu.memory_space<vmem_shared>> -> memref<16384x64xf32, #tpu.memory_space<vmem_shared>>
        tpu.wait_indirect_dma semaphore(%run_scoped3A : memref<!tpu.dma_semaphore, #tpu.memory_space<semaphore_mem>>) src(%arg25 : memref<128x64xf32, #tpu.memory_space<vmem>>) dst(%dma_wait3A_506 : memref<16384x64xf32, #tpu.memory_space<vmem_shared>>)
        tpu.yield
      }) : () -> ()
      %add3A_484 = arith.constant 896 : i32
      %add3A_485 = arith.addi %mul3A_2, %add3A_484 : i32
      "tpu.region"() ({
        %run_scoped3A = tpu.sem_alloc : memref<!tpu.dma_semaphore, #tpu.memory_space<semaphore_mem>>
        %dma_start3A = arith.constant 0 : i32
        %dma_start3A_503 = tpu.memref_slice %arg3[%add3A_485, %dma_start3A] : memref<16384x64xf32, #tpu.memory_space<hbm>> -> memref<128x64xf32, #tpu.memory_space<hbm>>
        %dma_start3A_504 = arith.constant 0 : i32
        %dma_start3A_505 = tpu.memref_slice %arg3[%add3A_485, %dma_start3A_504] : memref<16384x64xf32, #tpu.memory_space<hbm>> -> memref<128x64xf32, #tpu.memory_space<hbm>>
        tpu.enqueue_dma source(%dma_start3A_505 : memref<128x64xf32, #tpu.memory_space<hbm>>) target(%arg25 : memref<128x64xf32, #tpu.memory_space<vmem>>) target_semaphore(%run_scoped3A : memref<!tpu.dma_semaphore, #tpu.memory_space<semaphore_mem>>)
        %dma_wait3A = arith.constant 0 : i32
        %dma_wait3A_506 = tpu.memref_slice %arg3[%add3A_485, %dma_wait3A] : memref<16384x64xf32, #tpu.memory_space<hbm>> -> memref<128x64xf32, #tpu.memory_space<hbm>>
        %dma_wait3A_507 = arith.constant 0 : i32
        %dma_wait3A_508 = tpu.memref_slice %arg3[%add3A_485, %dma_wait3A_507] : memref<16384x64xf32, #tpu.memory_space<hbm>> -> memref<128x64xf32, #tpu.memory_space<hbm>>
        tpu.wait_dma2 semaphore(%run_scoped3A : memref<!tpu.dma_semaphore, #tpu.memory_space<semaphore_mem>>) src(%dma_wait3A_508 : memref<128x64xf32, #tpu.memory_space<hbm>>) dst(%arg25 : memref<128x64xf32, #tpu.memory_space<vmem>>)
        tpu.yield
      }) : () -> ()
      "tpu.region"() ({
        %run_scoped3A = tpu.sem_alloc : memref<!tpu.dma_semaphore, #tpu.memory_space<semaphore_mem>>
        %dma_start3A = arith.constant 0 : i32
        %dma_start3A_503 = arith.constant 0 : i32
        %dma_start3A_504 = tpu.memref_slice %arg26[%dma_start3A, %dma_start3A_503] : memref<16384x64xf32, #tpu.memory_space<vmem_shared>> -> memref<16384x64xf32, #tpu.memory_space<vmem_shared>>
        tpu.enqueue_indirect_dma source(%arg25 : memref<128x64xf32, #tpu.memory_space<vmem>>) target(%dma_start3A_504 : memref<16384x64xf32, #tpu.memory_space<vmem_shared>>) offsets(%arg21 : memref<128xi32, #tpu.memory_space<vmem>>) semaphore(%run_scoped3A : memref<!tpu.dma_semaphore, #tpu.memory_space<semaphore_mem>>) {add = true}
        %dma_wait3A = arith.constant 0 : i32
        %dma_wait3A_505 = arith.constant 0 : i32
        %dma_wait3A_506 = tpu.memref_slice %arg26[%dma_wait3A, %dma_wait3A_505] : memref<16384x64xf32, #tpu.memory_space<vmem_shared>> -> memref<16384x64xf32, #tpu.memory_space<vmem_shared>>
        tpu.wait_indirect_dma semaphore(%run_scoped3A : memref<!tpu.dma_semaphore, #tpu.memory_space<semaphore_mem>>) src(%arg25 : memref<128x64xf32, #tpu.memory_space<vmem>>) dst(%dma_wait3A_506 : memref<16384x64xf32, #tpu.memory_space<vmem_shared>>)
        tpu.yield
      }) : () -> ()
      %barrier3A_486 = arith.constant 0 : index
      tpu.barrier barrier_id(%barrier3A_486)
      "tpu.region"() ({
        %run_scoped3A = tpu.sem_alloc : memref<!tpu.dma_semaphore, #tpu.memory_space<semaphore_mem>>
        %dma_start3A = arith.constant 0 : i32
        %dma_start3A_503 = arith.constant 0 : i32
        %dma_start3A_504 = tpu.memref_slice %arg26[%dma_start3A, %dma_start3A_503] : memref<16384x64xf32, #tpu.memory_space<vmem_shared>> -> memref<16384x64xf32, #tpu.memory_space<vmem_shared>>
        tpu.enqueue_indirect_dma source(%dma_start3A_504 : memref<16384x64xf32, #tpu.memory_space<vmem_shared>>) target(%arg24 : memref<128x64xf32, #tpu.memory_space<vmem>>) offsets(%arg14 : memref<128xi32, #tpu.memory_space<vmem>>) semaphore(%run_scoped3A : memref<!tpu.dma_semaphore, #tpu.memory_space<semaphore_mem>>)
        %dma_wait3A = arith.constant 0 : i32
        %dma_wait3A_505 = arith.constant 0 : i32
        %dma_wait3A_506 = tpu.memref_slice %arg26[%dma_wait3A, %dma_wait3A_505] : memref<16384x64xf32, #tpu.memory_space<vmem_shared>> -> memref<16384x64xf32, #tpu.memory_space<vmem_shared>>
        tpu.wait_indirect_dma semaphore(%run_scoped3A : memref<!tpu.dma_semaphore, #tpu.memory_space<semaphore_mem>>) src(%dma_wait3A_506 : memref<16384x64xf32, #tpu.memory_space<vmem_shared>>) dst(%arg24 : memref<128x64xf32, #tpu.memory_space<vmem>>)
        tpu.yield
      }) : () -> ()
      %add3A_487 = arith.constant 0 : i32
      %add3A_488 = arith.addi %mul3A_2, %add3A_487 : i32
      "tpu.region"() ({
        %run_scoped3A = tpu.sem_alloc : memref<!tpu.dma_semaphore, #tpu.memory_space<semaphore_mem>>
        %dma_start3A = arith.constant 0 : i32
        %dma_start3A_503 = tpu.memref_slice %arg4[%add3A_488, %dma_start3A] : memref<16384x64xf32, #tpu.memory_space<hbm>> -> memref<128x64xf32, #tpu.memory_space<hbm>>
        %dma_start3A_504 = arith.constant 0 : i32
        %dma_start3A_505 = tpu.memref_slice %arg4[%add3A_488, %dma_start3A_504] : memref<16384x64xf32, #tpu.memory_space<hbm>> -> memref<128x64xf32, #tpu.memory_space<hbm>>
        tpu.enqueue_dma source(%arg24 : memref<128x64xf32, #tpu.memory_space<vmem>>) target(%dma_start3A_505 : memref<128x64xf32, #tpu.memory_space<hbm>>) target_semaphore(%run_scoped3A : memref<!tpu.dma_semaphore, #tpu.memory_space<semaphore_mem>>)
        %dma_wait3A = arith.constant 0 : i32
        %dma_wait3A_506 = tpu.memref_slice %arg4[%add3A_488, %dma_wait3A] : memref<16384x64xf32, #tpu.memory_space<hbm>> -> memref<128x64xf32, #tpu.memory_space<hbm>>
        %dma_wait3A_507 = arith.constant 0 : i32
        %dma_wait3A_508 = tpu.memref_slice %arg4[%add3A_488, %dma_wait3A_507] : memref<16384x64xf32, #tpu.memory_space<hbm>> -> memref<128x64xf32, #tpu.memory_space<hbm>>
        tpu.wait_dma2 semaphore(%run_scoped3A : memref<!tpu.dma_semaphore, #tpu.memory_space<semaphore_mem>>) src(%arg24 : memref<128x64xf32, #tpu.memory_space<vmem>>) dst(%dma_wait3A_508 : memref<128x64xf32, #tpu.memory_space<hbm>>)
        tpu.yield
      }) : () -> ()
      "tpu.region"() ({
        %run_scoped3A = tpu.sem_alloc : memref<!tpu.dma_semaphore, #tpu.memory_space<semaphore_mem>>
        %dma_start3A = arith.constant 0 : i32
        %dma_start3A_503 = arith.constant 0 : i32
        %dma_start3A_504 = tpu.memref_slice %arg26[%dma_start3A, %dma_start3A_503] : memref<16384x64xf32, #tpu.memory_space<vmem_shared>> -> memref<16384x64xf32, #tpu.memory_space<vmem_shared>>
        tpu.enqueue_indirect_dma source(%dma_start3A_504 : memref<16384x64xf32, #tpu.memory_space<vmem_shared>>) target(%arg25 : memref<128x64xf32, #tpu.memory_space<vmem>>) offsets(%arg15 : memref<128xi32, #tpu.memory_space<vmem>>) semaphore(%run_scoped3A : memref<!tpu.dma_semaphore, #tpu.memory_space<semaphore_mem>>)
        %dma_wait3A = arith.constant 0 : i32
        %dma_wait3A_505 = arith.constant 0 : i32
        %dma_wait3A_506 = tpu.memref_slice %arg26[%dma_wait3A, %dma_wait3A_505] : memref<16384x64xf32, #tpu.memory_space<vmem_shared>> -> memref<16384x64xf32, #tpu.memory_space<vmem_shared>>
        tpu.wait_indirect_dma semaphore(%run_scoped3A : memref<!tpu.dma_semaphore, #tpu.memory_space<semaphore_mem>>) src(%dma_wait3A_506 : memref<16384x64xf32, #tpu.memory_space<vmem_shared>>) dst(%arg25 : memref<128x64xf32, #tpu.memory_space<vmem>>)
        tpu.yield
      }) : () -> ()
      %add3A_489 = arith.constant 128 : i32
      %add3A_490 = arith.addi %mul3A_2, %add3A_489 : i32
      "tpu.region"() ({
        %run_scoped3A = tpu.sem_alloc : memref<!tpu.dma_semaphore, #tpu.memory_space<semaphore_mem>>
        %dma_start3A = arith.constant 0 : i32
        %dma_start3A_503 = tpu.memref_slice %arg4[%add3A_490, %dma_start3A] : memref<16384x64xf32, #tpu.memory_space<hbm>> -> memref<128x64xf32, #tpu.memory_space<hbm>>
        %dma_start3A_504 = arith.constant 0 : i32
        %dma_start3A_505 = tpu.memref_slice %arg4[%add3A_490, %dma_start3A_504] : memref<16384x64xf32, #tpu.memory_space<hbm>> -> memref<128x64xf32, #tpu.memory_space<hbm>>
        tpu.enqueue_dma source(%arg25 : memref<128x64xf32, #tpu.memory_space<vmem>>) target(%dma_start3A_505 : memref<128x64xf32, #tpu.memory_space<hbm>>) target_semaphore(%run_scoped3A : memref<!tpu.dma_semaphore, #tpu.memory_space<semaphore_mem>>)
        %dma_wait3A = arith.constant 0 : i32
        %dma_wait3A_506 = tpu.memref_slice %arg4[%add3A_490, %dma_wait3A] : memref<16384x64xf32, #tpu.memory_space<hbm>> -> memref<128x64xf32, #tpu.memory_space<hbm>>
        %dma_wait3A_507 = arith.constant 0 : i32
        %dma_wait3A_508 = tpu.memref_slice %arg4[%add3A_490, %dma_wait3A_507] : memref<16384x64xf32, #tpu.memory_space<hbm>> -> memref<128x64xf32, #tpu.memory_space<hbm>>
        tpu.wait_dma2 semaphore(%run_scoped3A : memref<!tpu.dma_semaphore, #tpu.memory_space<semaphore_mem>>) src(%arg25 : memref<128x64xf32, #tpu.memory_space<vmem>>) dst(%dma_wait3A_508 : memref<128x64xf32, #tpu.memory_space<hbm>>)
        tpu.yield
      }) : () -> ()
      "tpu.region"() ({
        %run_scoped3A = tpu.sem_alloc : memref<!tpu.dma_semaphore, #tpu.memory_space<semaphore_mem>>
        %dma_start3A = arith.constant 0 : i32
        %dma_start3A_503 = arith.constant 0 : i32
        %dma_start3A_504 = tpu.memref_slice %arg26[%dma_start3A, %dma_start3A_503] : memref<16384x64xf32, #tpu.memory_space<vmem_shared>> -> memref<16384x64xf32, #tpu.memory_space<vmem_shared>>
        tpu.enqueue_indirect_dma source(%dma_start3A_504 : memref<16384x64xf32, #tpu.memory_space<vmem_shared>>) target(%arg24 : memref<128x64xf32, #tpu.memory_space<vmem>>) offsets(%arg16 : memref<128xi32, #tpu.memory_space<vmem>>) semaphore(%run_scoped3A : memref<!tpu.dma_semaphore, #tpu.memory_space<semaphore_mem>>)
        %dma_wait3A = arith.constant 0 : i32
        %dma_wait3A_505 = arith.constant 0 : i32
        %dma_wait3A_506 = tpu.memref_slice %arg26[%dma_wait3A, %dma_wait3A_505] : memref<16384x64xf32, #tpu.memory_space<vmem_shared>> -> memref<16384x64xf32, #tpu.memory_space<vmem_shared>>
        tpu.wait_indirect_dma semaphore(%run_scoped3A : memref<!tpu.dma_semaphore, #tpu.memory_space<semaphore_mem>>) src(%dma_wait3A_506 : memref<16384x64xf32, #tpu.memory_space<vmem_shared>>) dst(%arg24 : memref<128x64xf32, #tpu.memory_space<vmem>>)
        tpu.yield
      }) : () -> ()
      %add3A_491 = arith.constant 256 : i32
      %add3A_492 = arith.addi %mul3A_2, %add3A_491 : i32
      "tpu.region"() ({
        %run_scoped3A = tpu.sem_alloc : memref<!tpu.dma_semaphore, #tpu.memory_space<semaphore_mem>>
        %dma_start3A = arith.constant 0 : i32
        %dma_start3A_503 = tpu.memref_slice %arg4[%add3A_492, %dma_start3A] : memref<16384x64xf32, #tpu.memory_space<hbm>> -> memref<128x64xf32, #tpu.memory_space<hbm>>
        %dma_start3A_504 = arith.constant 0 : i32
        %dma_start3A_505 = tpu.memref_slice %arg4[%add3A_492, %dma_start3A_504] : memref<16384x64xf32, #tpu.memory_space<hbm>> -> memref<128x64xf32, #tpu.memory_space<hbm>>
        tpu.enqueue_dma source(%arg24 : memref<128x64xf32, #tpu.memory_space<vmem>>) target(%dma_start3A_505 : memref<128x64xf32, #tpu.memory_space<hbm>>) target_semaphore(%run_scoped3A : memref<!tpu.dma_semaphore, #tpu.memory_space<semaphore_mem>>)
        %dma_wait3A = arith.constant 0 : i32
        %dma_wait3A_506 = tpu.memref_slice %arg4[%add3A_492, %dma_wait3A] : memref<16384x64xf32, #tpu.memory_space<hbm>> -> memref<128x64xf32, #tpu.memory_space<hbm>>
        %dma_wait3A_507 = arith.constant 0 : i32
        %dma_wait3A_508 = tpu.memref_slice %arg4[%add3A_492, %dma_wait3A_507] : memref<16384x64xf32, #tpu.memory_space<hbm>> -> memref<128x64xf32, #tpu.memory_space<hbm>>
        tpu.wait_dma2 semaphore(%run_scoped3A : memref<!tpu.dma_semaphore, #tpu.memory_space<semaphore_mem>>) src(%arg24 : memref<128x64xf32, #tpu.memory_space<vmem>>) dst(%dma_wait3A_508 : memref<128x64xf32, #tpu.memory_space<hbm>>)
        tpu.yield
      }) : () -> ()
      "tpu.region"() ({
        %run_scoped3A = tpu.sem_alloc : memref<!tpu.dma_semaphore, #tpu.memory_space<semaphore_mem>>
        %dma_start3A = arith.constant 0 : i32
        %dma_start3A_503 = arith.constant 0 : i32
        %dma_start3A_504 = tpu.memref_slice %arg26[%dma_start3A, %dma_start3A_503] : memref<16384x64xf32, #tpu.memory_space<vmem_shared>> -> memref<16384x64xf32, #tpu.memory_space<vmem_shared>>
        tpu.enqueue_indirect_dma source(%dma_start3A_504 : memref<16384x64xf32, #tpu.memory_space<vmem_shared>>) target(%arg25 : memref<128x64xf32, #tpu.memory_space<vmem>>) offsets(%arg17 : memref<128xi32, #tpu.memory_space<vmem>>) semaphore(%run_scoped3A : memref<!tpu.dma_semaphore, #tpu.memory_space<semaphore_mem>>)
        %dma_wait3A = arith.constant 0 : i32
        %dma_wait3A_505 = arith.constant 0 : i32
        %dma_wait3A_506 = tpu.memref_slice %arg26[%dma_wait3A, %dma_wait3A_505] : memref<16384x64xf32, #tpu.memory_space<vmem_shared>> -> memref<16384x64xf32, #tpu.memory_space<vmem_shared>>
        tpu.wait_indirect_dma semaphore(%run_scoped3A : memref<!tpu.dma_semaphore, #tpu.memory_space<semaphore_mem>>) src(%dma_wait3A_506 : memref<16384x64xf32, #tpu.memory_space<vmem_shared>>) dst(%arg25 : memref<128x64xf32, #tpu.memory_space<vmem>>)
        tpu.yield
      }) : () -> ()
      %add3A_493 = arith.constant 384 : i32
      %add3A_494 = arith.addi %mul3A_2, %add3A_493 : i32
      "tpu.region"() ({
        %run_scoped3A = tpu.sem_alloc : memref<!tpu.dma_semaphore, #tpu.memory_space<semaphore_mem>>
        %dma_start3A = arith.constant 0 : i32
        %dma_start3A_503 = tpu.memref_slice %arg4[%add3A_494, %dma_start3A] : memref<16384x64xf32, #tpu.memory_space<hbm>> -> memref<128x64xf32, #tpu.memory_space<hbm>>
        %dma_start3A_504 = arith.constant 0 : i32
        %dma_start3A_505 = tpu.memref_slice %arg4[%add3A_494, %dma_start3A_504] : memref<16384x64xf32, #tpu.memory_space<hbm>> -> memref<128x64xf32, #tpu.memory_space<hbm>>
        tpu.enqueue_dma source(%arg25 : memref<128x64xf32, #tpu.memory_space<vmem>>) target(%dma_start3A_505 : memref<128x64xf32, #tpu.memory_space<hbm>>) target_semaphore(%run_scoped3A : memref<!tpu.dma_semaphore, #tpu.memory_space<semaphore_mem>>)
        %dma_wait3A = arith.constant 0 : i32
        %dma_wait3A_506 = tpu.memref_slice %arg4[%add3A_494, %dma_wait3A] : memref<16384x64xf32, #tpu.memory_space<hbm>> -> memref<128x64xf32, #tpu.memory_space<hbm>>
        %dma_wait3A_507 = arith.constant 0 : i32
        %dma_wait3A_508 = tpu.memref_slice %arg4[%add3A_494, %dma_wait3A_507] : memref<16384x64xf32, #tpu.memory_space<hbm>> -> memref<128x64xf32, #tpu.memory_space<hbm>>
        tpu.wait_dma2 semaphore(%run_scoped3A : memref<!tpu.dma_semaphore, #tpu.memory_space<semaphore_mem>>) src(%arg25 : memref<128x64xf32, #tpu.memory_space<vmem>>) dst(%dma_wait3A_508 : memref<128x64xf32, #tpu.memory_space<hbm>>)
        tpu.yield
      }) : () -> ()
      "tpu.region"() ({
        %run_scoped3A = tpu.sem_alloc : memref<!tpu.dma_semaphore, #tpu.memory_space<semaphore_mem>>
        %dma_start3A = arith.constant 0 : i32
        %dma_start3A_503 = arith.constant 0 : i32
        %dma_start3A_504 = tpu.memref_slice %arg26[%dma_start3A, %dma_start3A_503] : memref<16384x64xf32, #tpu.memory_space<vmem_shared>> -> memref<16384x64xf32, #tpu.memory_space<vmem_shared>>
        tpu.enqueue_indirect_dma source(%dma_start3A_504 : memref<16384x64xf32, #tpu.memory_space<vmem_shared>>) target(%arg24 : memref<128x64xf32, #tpu.memory_space<vmem>>) offsets(%arg18 : memref<128xi32, #tpu.memory_space<vmem>>) semaphore(%run_scoped3A : memref<!tpu.dma_semaphore, #tpu.memory_space<semaphore_mem>>)
        %dma_wait3A = arith.constant 0 : i32
        %dma_wait3A_505 = arith.constant 0 : i32
        %dma_wait3A_506 = tpu.memref_slice %arg26[%dma_wait3A, %dma_wait3A_505] : memref<16384x64xf32, #tpu.memory_space<vmem_shared>> -> memref<16384x64xf32, #tpu.memory_space<vmem_shared>>
        tpu.wait_indirect_dma semaphore(%run_scoped3A : memref<!tpu.dma_semaphore, #tpu.memory_space<semaphore_mem>>) src(%dma_wait3A_506 : memref<16384x64xf32, #tpu.memory_space<vmem_shared>>) dst(%arg24 : memref<128x64xf32, #tpu.memory_space<vmem>>)
        tpu.yield
      }) : () -> ()
      %add3A_495 = arith.constant 512 : i32
      %add3A_496 = arith.addi %mul3A_2, %add3A_495 : i32
      "tpu.region"() ({
        %run_scoped3A = tpu.sem_alloc : memref<!tpu.dma_semaphore, #tpu.memory_space<semaphore_mem>>
        %dma_start3A = arith.constant 0 : i32
        %dma_start3A_503 = tpu.memref_slice %arg4[%add3A_496, %dma_start3A] : memref<16384x64xf32, #tpu.memory_space<hbm>> -> memref<128x64xf32, #tpu.memory_space<hbm>>
        %dma_start3A_504 = arith.constant 0 : i32
        %dma_start3A_505 = tpu.memref_slice %arg4[%add3A_496, %dma_start3A_504] : memref<16384x64xf32, #tpu.memory_space<hbm>> -> memref<128x64xf32, #tpu.memory_space<hbm>>
        tpu.enqueue_dma source(%arg24 : memref<128x64xf32, #tpu.memory_space<vmem>>) target(%dma_start3A_505 : memref<128x64xf32, #tpu.memory_space<hbm>>) target_semaphore(%run_scoped3A : memref<!tpu.dma_semaphore, #tpu.memory_space<semaphore_mem>>)
        %dma_wait3A = arith.constant 0 : i32
        %dma_wait3A_506 = tpu.memref_slice %arg4[%add3A_496, %dma_wait3A] : memref<16384x64xf32, #tpu.memory_space<hbm>> -> memref<128x64xf32, #tpu.memory_space<hbm>>
        %dma_wait3A_507 = arith.constant 0 : i32
        %dma_wait3A_508 = tpu.memref_slice %arg4[%add3A_496, %dma_wait3A_507] : memref<16384x64xf32, #tpu.memory_space<hbm>> -> memref<128x64xf32, #tpu.memory_space<hbm>>
        tpu.wait_dma2 semaphore(%run_scoped3A : memref<!tpu.dma_semaphore, #tpu.memory_space<semaphore_mem>>) src(%arg24 : memref<128x64xf32, #tpu.memory_space<vmem>>) dst(%dma_wait3A_508 : memref<128x64xf32, #tpu.memory_space<hbm>>)
        tpu.yield
      }) : () -> ()
      "tpu.region"() ({
        %run_scoped3A = tpu.sem_alloc : memref<!tpu.dma_semaphore, #tpu.memory_space<semaphore_mem>>
        %dma_start3A = arith.constant 0 : i32
        %dma_start3A_503 = arith.constant 0 : i32
        %dma_start3A_504 = tpu.memref_slice %arg26[%dma_start3A, %dma_start3A_503] : memref<16384x64xf32, #tpu.memory_space<vmem_shared>> -> memref<16384x64xf32, #tpu.memory_space<vmem_shared>>
        tpu.enqueue_indirect_dma source(%dma_start3A_504 : memref<16384x64xf32, #tpu.memory_space<vmem_shared>>) target(%arg25 : memref<128x64xf32, #tpu.memory_space<vmem>>) offsets(%arg19 : memref<128xi32, #tpu.memory_space<vmem>>) semaphore(%run_scoped3A : memref<!tpu.dma_semaphore, #tpu.memory_space<semaphore_mem>>)
        %dma_wait3A = arith.constant 0 : i32
        %dma_wait3A_505 = arith.constant 0 : i32
        %dma_wait3A_506 = tpu.memref_slice %arg26[%dma_wait3A, %dma_wait3A_505] : memref<16384x64xf32, #tpu.memory_space<vmem_shared>> -> memref<16384x64xf32, #tpu.memory_space<vmem_shared>>
        tpu.wait_indirect_dma semaphore(%run_scoped3A : memref<!tpu.dma_semaphore, #tpu.memory_space<semaphore_mem>>) src(%dma_wait3A_506 : memref<16384x64xf32, #tpu.memory_space<vmem_shared>>) dst(%arg25 : memref<128x64xf32, #tpu.memory_space<vmem>>)
        tpu.yield
      }) : () -> ()
      %add3A_497 = arith.constant 640 : i32
      %add3A_498 = arith.addi %mul3A_2, %add3A_497 : i32
      "tpu.region"() ({
        %run_scoped3A = tpu.sem_alloc : memref<!tpu.dma_semaphore, #tpu.memory_space<semaphore_mem>>
        %dma_start3A = arith.constant 0 : i32
        %dma_start3A_503 = tpu.memref_slice %arg4[%add3A_498, %dma_start3A] : memref<16384x64xf32, #tpu.memory_space<hbm>> -> memref<128x64xf32, #tpu.memory_space<hbm>>
        %dma_start3A_504 = arith.constant 0 : i32
        %dma_start3A_505 = tpu.memref_slice %arg4[%add3A_498, %dma_start3A_504] : memref<16384x64xf32, #tpu.memory_space<hbm>> -> memref<128x64xf32, #tpu.memory_space<hbm>>
        tpu.enqueue_dma source(%arg25 : memref<128x64xf32, #tpu.memory_space<vmem>>) target(%dma_start3A_505 : memref<128x64xf32, #tpu.memory_space<hbm>>) target_semaphore(%run_scoped3A : memref<!tpu.dma_semaphore, #tpu.memory_space<semaphore_mem>>)
        %dma_wait3A = arith.constant 0 : i32
        %dma_wait3A_506 = tpu.memref_slice %arg4[%add3A_498, %dma_wait3A] : memref<16384x64xf32, #tpu.memory_space<hbm>> -> memref<128x64xf32, #tpu.memory_space<hbm>>
        %dma_wait3A_507 = arith.constant 0 : i32
        %dma_wait3A_508 = tpu.memref_slice %arg4[%add3A_498, %dma_wait3A_507] : memref<16384x64xf32, #tpu.memory_space<hbm>> -> memref<128x64xf32, #tpu.memory_space<hbm>>
        tpu.wait_dma2 semaphore(%run_scoped3A : memref<!tpu.dma_semaphore, #tpu.memory_space<semaphore_mem>>) src(%arg25 : memref<128x64xf32, #tpu.memory_space<vmem>>) dst(%dma_wait3A_508 : memref<128x64xf32, #tpu.memory_space<hbm>>)
        tpu.yield
      }) : () -> ()
      "tpu.region"() ({
        %run_scoped3A = tpu.sem_alloc : memref<!tpu.dma_semaphore, #tpu.memory_space<semaphore_mem>>
        %dma_start3A = arith.constant 0 : i32
        %dma_start3A_503 = arith.constant 0 : i32
        %dma_start3A_504 = tpu.memref_slice %arg26[%dma_start3A, %dma_start3A_503] : memref<16384x64xf32, #tpu.memory_space<vmem_shared>> -> memref<16384x64xf32, #tpu.memory_space<vmem_shared>>
        tpu.enqueue_indirect_dma source(%dma_start3A_504 : memref<16384x64xf32, #tpu.memory_space<vmem_shared>>) target(%arg24 : memref<128x64xf32, #tpu.memory_space<vmem>>) offsets(%arg20 : memref<128xi32, #tpu.memory_space<vmem>>) semaphore(%run_scoped3A : memref<!tpu.dma_semaphore, #tpu.memory_space<semaphore_mem>>)
        %dma_wait3A = arith.constant 0 : i32
        %dma_wait3A_505 = arith.constant 0 : i32
        %dma_wait3A_506 = tpu.memref_slice %arg26[%dma_wait3A, %dma_wait3A_505] : memref<16384x64xf32, #tpu.memory_space<vmem_shared>> -> memref<16384x64xf32, #tpu.memory_space<vmem_shared>>
        tpu.wait_indirect_dma semaphore(%run_scoped3A : memref<!tpu.dma_semaphore, #tpu.memory_space<semaphore_mem>>) src(%dma_wait3A_506 : memref<16384x64xf32, #tpu.memory_space<vmem_shared>>) dst(%arg24 : memref<128x64xf32, #tpu.memory_space<vmem>>)
        tpu.yield
      }) : () -> ()
      %add3A_499 = arith.constant 768 : i32
      %add3A_500 = arith.addi %mul3A_2, %add3A_499 : i32
      "tpu.region"() ({
        %run_scoped3A = tpu.sem_alloc : memref<!tpu.dma_semaphore, #tpu.memory_space<semaphore_mem>>
        %dma_start3A = arith.constant 0 : i32
        %dma_start3A_503 = tpu.memref_slice %arg4[%add3A_500, %dma_start3A] : memref<16384x64xf32, #tpu.memory_space<hbm>> -> memref<128x64xf32, #tpu.memory_space<hbm>>
        %dma_start3A_504 = arith.constant 0 : i32
        %dma_start3A_505 = tpu.memref_slice %arg4[%add3A_500, %dma_start3A_504] : memref<16384x64xf32, #tpu.memory_space<hbm>> -> memref<128x64xf32, #tpu.memory_space<hbm>>
        tpu.enqueue_dma source(%arg24 : memref<128x64xf32, #tpu.memory_space<vmem>>) target(%dma_start3A_505 : memref<128x64xf32, #tpu.memory_space<hbm>>) target_semaphore(%run_scoped3A : memref<!tpu.dma_semaphore, #tpu.memory_space<semaphore_mem>>)
        %dma_wait3A = arith.constant 0 : i32
        %dma_wait3A_506 = tpu.memref_slice %arg4[%add3A_500, %dma_wait3A] : memref<16384x64xf32, #tpu.memory_space<hbm>> -> memref<128x64xf32, #tpu.memory_space<hbm>>
        %dma_wait3A_507 = arith.constant 0 : i32
        %dma_wait3A_508 = tpu.memref_slice %arg4[%add3A_500, %dma_wait3A_507] : memref<16384x64xf32, #tpu.memory_space<hbm>> -> memref<128x64xf32, #tpu.memory_space<hbm>>
        tpu.wait_dma2 semaphore(%run_scoped3A : memref<!tpu.dma_semaphore, #tpu.memory_space<semaphore_mem>>) src(%arg24 : memref<128x64xf32, #tpu.memory_space<vmem>>) dst(%dma_wait3A_508 : memref<128x64xf32, #tpu.memory_space<hbm>>)
        tpu.yield
      }) : () -> ()
      "tpu.region"() ({
        %run_scoped3A = tpu.sem_alloc : memref<!tpu.dma_semaphore, #tpu.memory_space<semaphore_mem>>
        %dma_start3A = arith.constant 0 : i32
        %dma_start3A_503 = arith.constant 0 : i32
        %dma_start3A_504 = tpu.memref_slice %arg26[%dma_start3A, %dma_start3A_503] : memref<16384x64xf32, #tpu.memory_space<vmem_shared>> -> memref<16384x64xf32, #tpu.memory_space<vmem_shared>>
        tpu.enqueue_indirect_dma source(%dma_start3A_504 : memref<16384x64xf32, #tpu.memory_space<vmem_shared>>) target(%arg25 : memref<128x64xf32, #tpu.memory_space<vmem>>) offsets(%arg21 : memref<128xi32, #tpu.memory_space<vmem>>) semaphore(%run_scoped3A : memref<!tpu.dma_semaphore, #tpu.memory_space<semaphore_mem>>)
        %dma_wait3A = arith.constant 0 : i32
        %dma_wait3A_505 = arith.constant 0 : i32
        %dma_wait3A_506 = tpu.memref_slice %arg26[%dma_wait3A, %dma_wait3A_505] : memref<16384x64xf32, #tpu.memory_space<vmem_shared>> -> memref<16384x64xf32, #tpu.memory_space<vmem_shared>>
        tpu.wait_indirect_dma semaphore(%run_scoped3A : memref<!tpu.dma_semaphore, #tpu.memory_space<semaphore_mem>>) src(%dma_wait3A_506 : memref<16384x64xf32, #tpu.memory_space<vmem_shared>>) dst(%arg25 : memref<128x64xf32, #tpu.memory_space<vmem>>)
        tpu.yield
      }) : () -> ()
      %add3A_501 = arith.constant 896 : i32
      %add3A_502 = arith.addi %mul3A_2, %add3A_501 : i32
      "tpu.region"() ({
        %run_scoped3A = tpu.sem_alloc : memref<!tpu.dma_semaphore, #tpu.memory_space<semaphore_mem>>
        %dma_start3A = arith.constant 0 : i32
        %dma_start3A_503 = tpu.memref_slice %arg4[%add3A_502, %dma_start3A] : memref<16384x64xf32, #tpu.memory_space<hbm>> -> memref<128x64xf32, #tpu.memory_space<hbm>>
        %dma_start3A_504 = arith.constant 0 : i32
        %dma_start3A_505 = tpu.memref_slice %arg4[%add3A_502, %dma_start3A_504] : memref<16384x64xf32, #tpu.memory_space<hbm>> -> memref<128x64xf32, #tpu.memory_space<hbm>>
        tpu.enqueue_dma source(%arg25 : memref<128x64xf32, #tpu.memory_space<vmem>>) target(%dma_start3A_505 : memref<128x64xf32, #tpu.memory_space<hbm>>) target_semaphore(%run_scoped3A : memref<!tpu.dma_semaphore, #tpu.memory_space<semaphore_mem>>)
        %dma_wait3A = arith.constant 0 : i32
        %dma_wait3A_506 = tpu.memref_slice %arg4[%add3A_502, %dma_wait3A] : memref<16384x64xf32, #tpu.memory_space<hbm>> -> memref<128x64xf32, #tpu.memory_space<hbm>>
        %dma_wait3A_507 = arith.constant 0 : i32
        %dma_wait3A_508 = tpu.memref_slice %arg4[%add3A_502, %dma_wait3A_507] : memref<16384x64xf32, #tpu.memory_space<hbm>> -> memref<128x64xf32, #tpu.memory_space<hbm>>
        tpu.wait_dma2 semaphore(%run_scoped3A : memref<!tpu.dma_semaphore, #tpu.memory_space<semaphore_mem>>) src(%arg25 : memref<128x64xf32, #tpu.memory_space<vmem>>) dst(%dma_wait3A_508 : memref<128x64xf32, #tpu.memory_space<hbm>>)
        tpu.yield
      }) : () -> ()
    } else {
    }
    return
  }
}

#map = affine_map<(d0, d1) -> (0, 0)>
#map1 = affine_map<(d0, d1) -> (0)>
module attributes {stable_mosaic.version = 14 : i64} {
  func.func @_body2(%arg0: i32, %arg1: i32, %arg2: memref<1000000x64xf32, #tpu.memory_space<hbm>>, %arg3: memref<16384xi32, #tpu.memory_space<hbm>>, %arg4: memref<16384x64xf32, #tpu.memory_space<hbm>>, %arg5: memref<16384x64xf32, #tpu.memory_space<hbm>>, %arg6: memref<128xi32, #tpu.memory_space<vmem>>, %arg7: memref<128xi32, #tpu.memory_space<vmem>>, %arg8: memref<128xi32, #tpu.memory_space<vmem>>, %arg9: memref<128xi32, #tpu.memory_space<vmem>>, %arg10: memref<128x64xf32, #tpu.memory_space<vmem>>, %arg11: memref<128x64xf32, #tpu.memory_space<vmem>>, %arg12: memref<128x64xf32, #tpu.memory_space<vmem>>, %arg13: memref<128x64xf32, #tpu.memory_space<vmem>>, %arg14: memref<!tpu.dma_semaphore, #tpu.memory_space<semaphore_mem>>, %arg15: memref<!tpu.dma_semaphore, #tpu.memory_space<semaphore_mem>>, %arg16: memref<!tpu.dma_semaphore, #tpu.memory_space<semaphore_mem>>, %arg17: memref<!tpu.dma_semaphore, #tpu.memory_space<semaphore_mem>>) attributes {dimension_semantics = [#tpu.dimension_semantics<core_parallel>, #tpu.dimension_semantics<subcore_parallel>], iteration_bounds = array<i64: 2, 16>, scalar_prefetch = 0 : i64, scratch_operands = 12 : i64, tpu.core_type = #tpu.core_type<sc_vector_subcore>, window_params = [{transform_indices = #map}, {transform_indices = #map1}, {transform_indices = #map}, {transform_indices = #map}]} {
    %mul3A = arith.constant 2 : i32
    %mul3A_0 = arith.muli %arg1, %mul3A : i32
    %add3A = arith.addi %mul3A_0, %arg0 : i32
    %mul3A_1 = arith.constant 512 : i32
    %mul3A_2 = arith.muli %add3A, %mul3A_1 : i32
    %add3A_3 = arith.constant 0 : i32
    %add3A_4 = arith.addi %mul3A_2, %add3A_3 : i32
    "tpu.region"() ({
      %run_scoped3A = tpu.sem_alloc : memref<!tpu.dma_semaphore, #tpu.memory_space<semaphore_mem>>
      %dma_start3A_102 = tpu.memref_slice %arg3[%add3A_4] : memref<16384xi32, #tpu.memory_space<hbm>> -> memref<128xi32, #tpu.memory_space<hbm>>
      %dma_start3A_103 = tpu.memref_slice %arg3[%add3A_4] : memref<16384xi32, #tpu.memory_space<hbm>> -> memref<128xi32, #tpu.memory_space<hbm>>
      tpu.enqueue_dma source(%dma_start3A_103 : memref<128xi32, #tpu.memory_space<hbm>>) target(%arg6 : memref<128xi32, #tpu.memory_space<vmem>>) target_semaphore(%run_scoped3A : memref<!tpu.dma_semaphore, #tpu.memory_space<semaphore_mem>>)
      %dma_wait3A_104 = tpu.memref_slice %arg3[%add3A_4] : memref<16384xi32, #tpu.memory_space<hbm>> -> memref<128xi32, #tpu.memory_space<hbm>>
      %dma_wait3A_105 = tpu.memref_slice %arg3[%add3A_4] : memref<16384xi32, #tpu.memory_space<hbm>> -> memref<128xi32, #tpu.memory_space<hbm>>
      tpu.wait_dma2 semaphore(%run_scoped3A : memref<!tpu.dma_semaphore, #tpu.memory_space<semaphore_mem>>) src(%dma_wait3A_105 : memref<128xi32, #tpu.memory_space<hbm>>) dst(%arg6 : memref<128xi32, #tpu.memory_space<vmem>>)
      tpu.yield
    }) : () -> ()
    %add3A_5 = arith.constant 128 : i32
    %add3A_6 = arith.addi %mul3A_2, %add3A_5 : i32
    "tpu.region"() ({
      %run_scoped3A = tpu.sem_alloc : memref<!tpu.dma_semaphore, #tpu.memory_space<semaphore_mem>>
      %dma_start3A_102 = tpu.memref_slice %arg3[%add3A_6] : memref<16384xi32, #tpu.memory_space<hbm>> -> memref<128xi32, #tpu.memory_space<hbm>>
      %dma_start3A_103 = tpu.memref_slice %arg3[%add3A_6] : memref<16384xi32, #tpu.memory_space<hbm>> -> memref<128xi32, #tpu.memory_space<hbm>>
      tpu.enqueue_dma source(%dma_start3A_103 : memref<128xi32, #tpu.memory_space<hbm>>) target(%arg7 : memref<128xi32, #tpu.memory_space<vmem>>) target_semaphore(%run_scoped3A : memref<!tpu.dma_semaphore, #tpu.memory_space<semaphore_mem>>)
      %dma_wait3A_104 = tpu.memref_slice %arg3[%add3A_6] : memref<16384xi32, #tpu.memory_space<hbm>> -> memref<128xi32, #tpu.memory_space<hbm>>
      %dma_wait3A_105 = tpu.memref_slice %arg3[%add3A_6] : memref<16384xi32, #tpu.memory_space<hbm>> -> memref<128xi32, #tpu.memory_space<hbm>>
      tpu.wait_dma2 semaphore(%run_scoped3A : memref<!tpu.dma_semaphore, #tpu.memory_space<semaphore_mem>>) src(%dma_wait3A_105 : memref<128xi32, #tpu.memory_space<hbm>>) dst(%arg7 : memref<128xi32, #tpu.memory_space<vmem>>)
      tpu.yield
    }) : () -> ()
    %add3A_7 = arith.constant 256 : i32
    %add3A_8 = arith.addi %mul3A_2, %add3A_7 : i32
    "tpu.region"() ({
      %run_scoped3A = tpu.sem_alloc : memref<!tpu.dma_semaphore, #tpu.memory_space<semaphore_mem>>
      %dma_start3A_102 = tpu.memref_slice %arg3[%add3A_8] : memref<16384xi32, #tpu.memory_space<hbm>> -> memref<128xi32, #tpu.memory_space<hbm>>
      %dma_start3A_103 = tpu.memref_slice %arg3[%add3A_8] : memref<16384xi32, #tpu.memory_space<hbm>> -> memref<128xi32, #tpu.memory_space<hbm>>
      tpu.enqueue_dma source(%dma_start3A_103 : memref<128xi32, #tpu.memory_space<hbm>>) target(%arg8 : memref<128xi32, #tpu.memory_space<vmem>>) target_semaphore(%run_scoped3A : memref<!tpu.dma_semaphore, #tpu.memory_space<semaphore_mem>>)
      %dma_wait3A_104 = tpu.memref_slice %arg3[%add3A_8] : memref<16384xi32, #tpu.memory_space<hbm>> -> memref<128xi32, #tpu.memory_space<hbm>>
      %dma_wait3A_105 = tpu.memref_slice %arg3[%add3A_8] : memref<16384xi32, #tpu.memory_space<hbm>> -> memref<128xi32, #tpu.memory_space<hbm>>
      tpu.wait_dma2 semaphore(%run_scoped3A : memref<!tpu.dma_semaphore, #tpu.memory_space<semaphore_mem>>) src(%dma_wait3A_105 : memref<128xi32, #tpu.memory_space<hbm>>) dst(%arg8 : memref<128xi32, #tpu.memory_space<vmem>>)
      tpu.yield
    }) : () -> ()
    %add3A_9 = arith.constant 384 : i32
    %add3A_10 = arith.addi %mul3A_2, %add3A_9 : i32
    "tpu.region"() ({
      %run_scoped3A = tpu.sem_alloc : memref<!tpu.dma_semaphore, #tpu.memory_space<semaphore_mem>>
      %dma_start3A_102 = tpu.memref_slice %arg3[%add3A_10] : memref<16384xi32, #tpu.memory_space<hbm>> -> memref<128xi32, #tpu.memory_space<hbm>>
      %dma_start3A_103 = tpu.memref_slice %arg3[%add3A_10] : memref<16384xi32, #tpu.memory_space<hbm>> -> memref<128xi32, #tpu.memory_space<hbm>>
      tpu.enqueue_dma source(%dma_start3A_103 : memref<128xi32, #tpu.memory_space<hbm>>) target(%arg9 : memref<128xi32, #tpu.memory_space<vmem>>) target_semaphore(%run_scoped3A : memref<!tpu.dma_semaphore, #tpu.memory_space<semaphore_mem>>)
      %dma_wait3A_104 = tpu.memref_slice %arg3[%add3A_10] : memref<16384xi32, #tpu.memory_space<hbm>> -> memref<128xi32, #tpu.memory_space<hbm>>
      %dma_wait3A_105 = tpu.memref_slice %arg3[%add3A_10] : memref<16384xi32, #tpu.memory_space<hbm>> -> memref<128xi32, #tpu.memory_space<hbm>>
      tpu.wait_dma2 semaphore(%run_scoped3A : memref<!tpu.dma_semaphore, #tpu.memory_space<semaphore_mem>>) src(%dma_wait3A_105 : memref<128xi32, #tpu.memory_space<hbm>>) dst(%arg9 : memref<128xi32, #tpu.memory_space<vmem>>)
      tpu.yield
    }) : () -> ()
    %dma_start3A = arith.constant 0 : i32
    %dma_start3A_11 = arith.constant 0 : i32
    %dma_start3A_12 = tpu.memref_slice %arg2[%dma_start3A, %dma_start3A_11] : memref<1000000x64xf32, #tpu.memory_space<hbm>> -> memref<1000000x64xf32, #tpu.memory_space<hbm>>
    tpu.enqueue_indirect_dma source(%dma_start3A_12 : memref<1000000x64xf32, #tpu.memory_space<hbm>>) target(%arg10 : memref<128x64xf32, #tpu.memory_space<vmem>>) offsets(%arg6 : memref<128xi32, #tpu.memory_space<vmem>>) semaphore(%arg14 : memref<!tpu.dma_semaphore, #tpu.memory_space<semaphore_mem>>)
    %dma_start3A_13 = arith.constant 0 : i32
    %dma_start3A_14 = tpu.memref_slice %arg4[%mul3A_2, %dma_start3A_13] : memref<16384x64xf32, #tpu.memory_space<hbm>> -> memref<128x64xf32, #tpu.memory_space<hbm>>
    %dma_start3A_15 = arith.constant 0 : i32
    %dma_start3A_16 = tpu.memref_slice %arg4[%mul3A_2, %dma_start3A_15] : memref<16384x64xf32, #tpu.memory_space<hbm>> -> memref<128x64xf32, #tpu.memory_space<hbm>>
    tpu.enqueue_dma source(%dma_start3A_16 : memref<128x64xf32, #tpu.memory_space<hbm>>) target(%arg12 : memref<128x64xf32, #tpu.memory_space<vmem>>) target_semaphore(%arg16 : memref<!tpu.dma_semaphore, #tpu.memory_space<semaphore_mem>>)
    %dma_wait3A = arith.constant 0 : i32
    %dma_wait3A_17 = arith.constant 0 : i32
    %dma_wait3A_18 = tpu.memref_slice %arg2[%dma_wait3A, %dma_wait3A_17] : memref<1000000x64xf32, #tpu.memory_space<hbm>> -> memref<1000000x64xf32, #tpu.memory_space<hbm>>
    tpu.wait_indirect_dma semaphore(%arg14 : memref<!tpu.dma_semaphore, #tpu.memory_space<semaphore_mem>>) src(%dma_wait3A_18 : memref<1000000x64xf32, #tpu.memory_space<hbm>>) dst(%arg10 : memref<128x64xf32, #tpu.memory_space<vmem>>)
    %dma_wait3A_19 = arith.constant 0 : i32
    %dma_wait3A_20 = tpu.memref_slice %arg4[%mul3A_2, %dma_wait3A_19] : memref<16384x64xf32, #tpu.memory_space<hbm>> -> memref<128x64xf32, #tpu.memory_space<hbm>>
    %dma_wait3A_21 = arith.constant 0 : i32
    %dma_wait3A_22 = tpu.memref_slice %arg4[%mul3A_2, %dma_wait3A_21] : memref<16384x64xf32, #tpu.memory_space<hbm>> -> memref<128x64xf32, #tpu.memory_space<hbm>>
    tpu.wait_dma2 semaphore(%arg16 : memref<!tpu.dma_semaphore, #tpu.memory_space<semaphore_mem>>) src(%dma_wait3A_22 : memref<128x64xf32, #tpu.memory_space<hbm>>) dst(%arg12 : memref<128x64xf32, #tpu.memory_space<vmem>>)
    %dma_start3A_23 = arith.constant 0 : i32
    %dma_start3A_24 = arith.constant 0 : i32
    %dma_start3A_25 = tpu.memref_slice %arg2[%dma_start3A_23, %dma_start3A_24] : memref<1000000x64xf32, #tpu.memory_space<hbm>> -> memref<1000000x64xf32, #tpu.memory_space<hbm>>
    tpu.enqueue_indirect_dma source(%dma_start3A_25 : memref<1000000x64xf32, #tpu.memory_space<hbm>>) target(%arg11 : memref<128x64xf32, #tpu.memory_space<vmem>>) offsets(%arg7 : memref<128xi32, #tpu.memory_space<vmem>>) semaphore(%arg15 : memref<!tpu.dma_semaphore, #tpu.memory_space<semaphore_mem>>)
    %add3A_26 = arith.constant 128 : i32
    %add3A_27 = arith.addi %mul3A_2, %add3A_26 : i32
    %dma_start3A_28 = arith.constant 0 : i32
    %dma_start3A_29 = tpu.memref_slice %arg4[%add3A_27, %dma_start3A_28] : memref<16384x64xf32, #tpu.memory_space<hbm>> -> memref<128x64xf32, #tpu.memory_space<hbm>>
    %dma_start3A_30 = arith.constant 0 : i32
    %dma_start3A_31 = tpu.memref_slice %arg4[%add3A_27, %dma_start3A_30] : memref<16384x64xf32, #tpu.memory_space<hbm>> -> memref<128x64xf32, #tpu.memory_space<hbm>>
    tpu.enqueue_dma source(%dma_start3A_31 : memref<128x64xf32, #tpu.memory_space<hbm>>) target(%arg13 : memref<128x64xf32, #tpu.memory_space<vmem>>) target_semaphore(%arg17 : memref<!tpu.dma_semaphore, #tpu.memory_space<semaphore_mem>>)
    %scan3A = arith.constant 0 : i32
    %scan3A_32 = arith.constant 0 : i32
    %scan3A_33 = arith.constant 128 : i32
    %scan3A_34 = arith.addi %scan3A_32, %scan3A_33 : i32
    %scan3A_35 = arith.constant 1 : i32
    scf.for %scan3A_102 = %scan3A_32 to %scan3A_34 step %scan3A_35  : i32 {
      %get3A = arith.index_cast %scan3A_102 : i32 to index
      %get3A_103 = arith.constant 0 : index
      %get3A_104 = tpu.vector_load %arg10[%get3A, %get3A_103] {strides = array<i32>} : memref<128x64xf32, #tpu.memory_space<vmem>>, vector<16xf32>,
      %get3A_105 = arith.index_cast %scan3A_102 : i32 to index
      %get3A_106 = arith.constant 0 : index
      %get3A_107 = tpu.vector_load %arg12[%get3A_105, %get3A_106] {strides = array<i32>} : memref<128x64xf32, #tpu.memory_space<vmem>>, vector<16xf32>,
      %add3A_108 = arith.addf %get3A_104, %get3A_107 : vector<16xf32>
      %add3A_109 = arith.addf %add3A_108, %add3A_108 : vector<16xf32>
      %exp3A = math.exp %add3A_109 : vector<16xf32>
      %add3A_110 = arith.constant 1.000000e+00 : f32
      %add3A_111 = vector.broadcast %add3A_110 : f32 to vector<16xf32>
      %add3A_112 = arith.addf %exp3A, %add3A_111 : vector<16xf32>
      %div3A = arith.constant 2.000000e+00 : f32
      %div3A_113 = vector.broadcast %div3A : f32 to vector<16xf32>
      %div3A_114 = arith.divf %div3A_113, %add3A_112 : vector<16xf32>
      %sub3A = arith.constant 1.000000e+00 : f32
      %sub3A_115 = vector.broadcast %sub3A : f32 to vector<16xf32>
      %sub3A_116 = arith.subf %sub3A_115, %div3A_114 : vector<16xf32>
      %swap3A = arith.index_cast %scan3A_102 : i32 to index
      %swap3A_117 = arith.constant 0 : index
      %swap3A_118 = tpu.vector_load %arg10[%swap3A, %swap3A_117] {strides = array<i32>} : memref<128x64xf32, #tpu.memory_space<vmem>>, vector<16xf32>,
      tpu.vector_store %arg10[%swap3A, %swap3A_117], %sub3A_116 {strides = array<i32>} : memref<128x64xf32, #tpu.memory_space<vmem>>, vector<16xf32>,
      %get3A_119 = arith.index_cast %scan3A_102 : i32 to index
      %get3A_120 = arith.constant 16 : index
      %get3A_121 = tpu.vector_load %arg10[%get3A_119, %get3A_120] {strides = array<i32>} : memref<128x64xf32, #tpu.memory_space<vmem>>, vector<16xf32>,
      %get3A_122 = arith.index_cast %scan3A_102 : i32 to index
      %get3A_123 = arith.constant 16 : index
      %get3A_124 = tpu.vector_load %arg12[%get3A_122, %get3A_123] {strides = array<i32>} : memref<128x64xf32, #tpu.memory_space<vmem>>, vector<16xf32>,
      %add3A_125 = arith.addf %get3A_121, %get3A_124 : vector<16xf32>
      %add3A_126 = arith.addf %add3A_125, %add3A_125 : vector<16xf32>
      %exp3A_127 = math.exp %add3A_126 : vector<16xf32>
      %add3A_128 = arith.constant 1.000000e+00 : f32
      %add3A_129 = vector.broadcast %add3A_128 : f32 to vector<16xf32>
      %add3A_130 = arith.addf %exp3A_127, %add3A_129 : vector<16xf32>
      %div3A_131 = arith.constant 2.000000e+00 : f32
      %div3A_132 = vector.broadcast %div3A_131 : f32 to vector<16xf32>
      %div3A_133 = arith.divf %div3A_132, %add3A_130 : vector<16xf32>
      %sub3A_134 = arith.constant 1.000000e+00 : f32
      %sub3A_135 = vector.broadcast %sub3A_134 : f32 to vector<16xf32>
      %sub3A_136 = arith.subf %sub3A_135, %div3A_133 : vector<16xf32>
      %swap3A_137 = arith.index_cast %scan3A_102 : i32 to index
      %swap3A_138 = arith.constant 16 : index
      %swap3A_139 = tpu.vector_load %arg10[%swap3A_137, %swap3A_138] {strides = array<i32>} : memref<128x64xf32, #tpu.memory_space<vmem>>, vector<16xf32>,
      tpu.vector_store %arg10[%swap3A_137, %swap3A_138], %sub3A_136 {strides = array<i32>} : memref<128x64xf32, #tpu.memory_space<vmem>>, vector<16xf32>,
      %get3A_140 = arith.index_cast %scan3A_102 : i32 to index
      %get3A_141 = arith.constant 32 : index
      %get3A_142 = tpu.vector_load %arg10[%get3A_140, %get3A_141] {strides = array<i32>} : memref<128x64xf32, #tpu.memory_space<vmem>>, vector<16xf32>,
      %get3A_143 = arith.index_cast %scan3A_102 : i32 to index
      %get3A_144 = arith.constant 32 : index
      %get3A_145 = tpu.vector_load %arg12[%get3A_143, %get3A_144] {strides = array<i32>} : memref<128x64xf32, #tpu.memory_space<vmem>>, vector<16xf32>,
      %add3A_146 = arith.addf %get3A_142, %get3A_145 : vector<16xf32>
      %add3A_147 = arith.addf %add3A_146, %add3A_146 : vector<16xf32>
      %exp3A_148 = math.exp %add3A_147 : vector<16xf32>
      %add3A_149 = arith.constant 1.000000e+00 : f32
      %add3A_150 = vector.broadcast %add3A_149 : f32 to vector<16xf32>
      %add3A_151 = arith.addf %exp3A_148, %add3A_150 : vector<16xf32>
      %div3A_152 = arith.constant 2.000000e+00 : f32
      %div3A_153 = vector.broadcast %div3A_152 : f32 to vector<16xf32>
      %div3A_154 = arith.divf %div3A_153, %add3A_151 : vector<16xf32>
      %sub3A_155 = arith.constant 1.000000e+00 : f32
      %sub3A_156 = vector.broadcast %sub3A_155 : f32 to vector<16xf32>
      %sub3A_157 = arith.subf %sub3A_156, %div3A_154 : vector<16xf32>
      %swap3A_158 = arith.index_cast %scan3A_102 : i32 to index
      %swap3A_159 = arith.constant 32 : index
      %swap3A_160 = tpu.vector_load %arg10[%swap3A_158, %swap3A_159] {strides = array<i32>} : memref<128x64xf32, #tpu.memory_space<vmem>>, vector<16xf32>,
      tpu.vector_store %arg10[%swap3A_158, %swap3A_159], %sub3A_157 {strides = array<i32>} : memref<128x64xf32, #tpu.memory_space<vmem>>, vector<16xf32>,
      %get3A_161 = arith.index_cast %scan3A_102 : i32 to index
      %get3A_162 = arith.constant 48 : index
      %get3A_163 = tpu.vector_load %arg10[%get3A_161, %get3A_162] {strides = array<i32>} : memref<128x64xf32, #tpu.memory_space<vmem>>, vector<16xf32>,
      %get3A_164 = arith.index_cast %scan3A_102 : i32 to index
      %get3A_165 = arith.constant 48 : index
      %get3A_166 = tpu.vector_load %arg12[%get3A_164, %get3A_165] {strides = array<i32>} : memref<128x64xf32, #tpu.memory_space<vmem>>, vector<16xf32>,
      %add3A_167 = arith.addf %get3A_163, %get3A_166 : vector<16xf32>
      %add3A_168 = arith.addf %add3A_167, %add3A_167 : vector<16xf32>
      %exp3A_169 = math.exp %add3A_168 : vector<16xf32>
      %add3A_170 = arith.constant 1.000000e+00 : f32
      %add3A_171 = vector.broadcast %add3A_170 : f32 to vector<16xf32>
      %add3A_172 = arith.addf %exp3A_169, %add3A_171 : vector<16xf32>
      %div3A_173 = arith.constant 2.000000e+00 : f32
      %div3A_174 = vector.broadcast %div3A_173 : f32 to vector<16xf32>
      %div3A_175 = arith.divf %div3A_174, %add3A_172 : vector<16xf32>
      %sub3A_176 = arith.constant 1.000000e+00 : f32
      %sub3A_177 = vector.broadcast %sub3A_176 : f32 to vector<16xf32>
      %sub3A_178 = arith.subf %sub3A_177, %div3A_175 : vector<16xf32>
      %swap3A_179 = arith.index_cast %scan3A_102 : i32 to index
      %swap3A_180 = arith.constant 48 : index
      %swap3A_181 = tpu.vector_load %arg10[%swap3A_179, %swap3A_180] {strides = array<i32>} : memref<128x64xf32, #tpu.memory_space<vmem>>, vector<16xf32>,
      tpu.vector_store %arg10[%swap3A_179, %swap3A_180], %sub3A_178 {strides = array<i32>} : memref<128x64xf32, #tpu.memory_space<vmem>>, vector<16xf32>,
    }
    %scan3A_36 = arith.constant 128 : i32
    %add3A_37 = arith.constant 0 : i32
    %add3A_38 = arith.addi %mul3A_2, %add3A_37 : i32
    "tpu.region"() ({
      %run_scoped3A = tpu.sem_alloc : memref<!tpu.dma_semaphore, #tpu.memory_space<semaphore_mem>>
      %dma_start3A_102 = arith.constant 0 : i32
      %dma_start3A_103 = tpu.memref_slice %arg5[%add3A_38, %dma_start3A_102] : memref<16384x64xf32, #tpu.memory_space<hbm>> -> memref<128x64xf32, #tpu.memory_space<hbm>>
      %dma_start3A_104 = arith.constant 0 : i32
      %dma_start3A_105 = tpu.memref_slice %arg5[%add3A_38, %dma_start3A_104] : memref<16384x64xf32, #tpu.memory_space<hbm>> -> memref<128x64xf32, #tpu.memory_space<hbm>>
      tpu.enqueue_dma source(%arg10 : memref<128x64xf32, #tpu.memory_space<vmem>>) target(%dma_start3A_105 : memref<128x64xf32, #tpu.memory_space<hbm>>) target_semaphore(%run_scoped3A : memref<!tpu.dma_semaphore, #tpu.memory_space<semaphore_mem>>)
      %dma_wait3A_106 = arith.constant 0 : i32
      %dma_wait3A_107 = tpu.memref_slice %arg5[%add3A_38, %dma_wait3A_106] : memref<16384x64xf32, #tpu.memory_space<hbm>> -> memref<128x64xf32, #tpu.memory_space<hbm>>
      %dma_wait3A_108 = arith.constant 0 : i32
      %dma_wait3A_109 = tpu.memref_slice %arg5[%add3A_38, %dma_wait3A_108] : memref<16384x64xf32, #tpu.memory_space<hbm>> -> memref<128x64xf32, #tpu.memory_space<hbm>>
      tpu.wait_dma2 semaphore(%run_scoped3A : memref<!tpu.dma_semaphore, #tpu.memory_space<semaphore_mem>>) src(%arg10 : memref<128x64xf32, #tpu.memory_space<vmem>>) dst(%dma_wait3A_109 : memref<128x64xf32, #tpu.memory_space<hbm>>)
      tpu.yield
    }) : () -> ()
    %dma_wait3A_39 = arith.constant 0 : i32
    %dma_wait3A_40 = arith.constant 0 : i32
    %dma_wait3A_41 = tpu.memref_slice %arg2[%dma_wait3A_39, %dma_wait3A_40] : memref<1000000x64xf32, #tpu.memory_space<hbm>> -> memref<1000000x64xf32, #tpu.memory_space<hbm>>
    tpu.wait_indirect_dma semaphore(%arg15 : memref<!tpu.dma_semaphore, #tpu.memory_space<semaphore_mem>>) src(%dma_wait3A_41 : memref<1000000x64xf32, #tpu.memory_space<hbm>>) dst(%arg11 : memref<128x64xf32, #tpu.memory_space<vmem>>)
    %dma_wait3A_42 = arith.constant 0 : i32
    %dma_wait3A_43 = tpu.memref_slice %arg4[%add3A_27, %dma_wait3A_42] : memref<16384x64xf32, #tpu.memory_space<hbm>> -> memref<128x64xf32, #tpu.memory_space<hbm>>
    %dma_wait3A_44 = arith.constant 0 : i32
    %dma_wait3A_45 = tpu.memref_slice %arg4[%add3A_27, %dma_wait3A_44] : memref<16384x64xf32, #tpu.memory_space<hbm>> -> memref<128x64xf32, #tpu.memory_space<hbm>>
    tpu.wait_dma2 semaphore(%arg17 : memref<!tpu.dma_semaphore, #tpu.memory_space<semaphore_mem>>) src(%dma_wait3A_45 : memref<128x64xf32, #tpu.memory_space<hbm>>) dst(%arg13 : memref<128x64xf32, #tpu.memory_space<vmem>>)
    %dma_start3A_46 = arith.constant 0 : i32
    %dma_start3A_47 = arith.constant 0 : i32
    %dma_start3A_48 = tpu.memref_slice %arg2[%dma_start3A_46, %dma_start3A_47] : memref<1000000x64xf32, #tpu.memory_space<hbm>> -> memref<1000000x64xf32, #tpu.memory_space<hbm>>
    tpu.enqueue_indirect_dma source(%dma_start3A_48 : memref<1000000x64xf32, #tpu.memory_space<hbm>>) target(%arg10 : memref<128x64xf32, #tpu.memory_space<vmem>>) offsets(%arg8 : memref<128xi32, #tpu.memory_space<vmem>>) semaphore(%arg14 : memref<!tpu.dma_semaphore, #tpu.memory_space<semaphore_mem>>)
    %add3A_49 = arith.constant 256 : i32
    %add3A_50 = arith.addi %mul3A_2, %add3A_49 : i32
    %dma_start3A_51 = arith.constant 0 : i32
    %dma_start3A_52 = tpu.memref_slice %arg4[%add3A_50, %dma_start3A_51] : memref<16384x64xf32, #tpu.memory_space<hbm>> -> memref<128x64xf32, #tpu.memory_space<hbm>>
    %dma_start3A_53 = arith.constant 0 : i32
    %dma_start3A_54 = tpu.memref_slice %arg4[%add3A_50, %dma_start3A_53] : memref<16384x64xf32, #tpu.memory_space<hbm>> -> memref<128x64xf32, #tpu.memory_space<hbm>>
    tpu.enqueue_dma source(%dma_start3A_54 : memref<128x64xf32, #tpu.memory_space<hbm>>) target(%arg12 : memref<128x64xf32, #tpu.memory_space<vmem>>) target_semaphore(%arg16 : memref<!tpu.dma_semaphore, #tpu.memory_space<semaphore_mem>>)
    %scan3A_55 = arith.constant 0 : i32
    %scan3A_56 = arith.constant 0 : i32
    %scan3A_57 = arith.constant 128 : i32
    %scan3A_58 = arith.addi %scan3A_56, %scan3A_57 : i32
    %scan3A_59 = arith.constant 1 : i32
    scf.for %scan3A_102 = %scan3A_56 to %scan3A_58 step %scan3A_59  : i32 {
      %get3A = arith.index_cast %scan3A_102 : i32 to index
      %get3A_103 = arith.constant 0 : index
      %get3A_104 = tpu.vector_load %arg11[%get3A, %get3A_103] {strides = array<i32>} : memref<128x64xf32, #tpu.memory_space<vmem>>, vector<16xf32>,
      %get3A_105 = arith.index_cast %scan3A_102 : i32 to index
      %get3A_106 = arith.constant 0 : index
      %get3A_107 = tpu.vector_load %arg13[%get3A_105, %get3A_106] {strides = array<i32>} : memref<128x64xf32, #tpu.memory_space<vmem>>, vector<16xf32>,
      %add3A_108 = arith.addf %get3A_104, %get3A_107 : vector<16xf32>
      %add3A_109 = arith.addf %add3A_108, %add3A_108 : vector<16xf32>
      %exp3A = math.exp %add3A_109 : vector<16xf32>
      %add3A_110 = arith.constant 1.000000e+00 : f32
      %add3A_111 = vector.broadcast %add3A_110 : f32 to vector<16xf32>
      %add3A_112 = arith.addf %exp3A, %add3A_111 : vector<16xf32>
      %div3A = arith.constant 2.000000e+00 : f32
      %div3A_113 = vector.broadcast %div3A : f32 to vector<16xf32>
      %div3A_114 = arith.divf %div3A_113, %add3A_112 : vector<16xf32>
      %sub3A = arith.constant 1.000000e+00 : f32
      %sub3A_115 = vector.broadcast %sub3A : f32 to vector<16xf32>
      %sub3A_116 = arith.subf %sub3A_115, %div3A_114 : vector<16xf32>
      %swap3A = arith.index_cast %scan3A_102 : i32 to index
      %swap3A_117 = arith.constant 0 : index
      %swap3A_118 = tpu.vector_load %arg11[%swap3A, %swap3A_117] {strides = array<i32>} : memref<128x64xf32, #tpu.memory_space<vmem>>, vector<16xf32>,
      tpu.vector_store %arg11[%swap3A, %swap3A_117], %sub3A_116 {strides = array<i32>} : memref<128x64xf32, #tpu.memory_space<vmem>>, vector<16xf32>,
      %get3A_119 = arith.index_cast %scan3A_102 : i32 to index
      %get3A_120 = arith.constant 16 : index
      %get3A_121 = tpu.vector_load %arg11[%get3A_119, %get3A_120] {strides = array<i32>} : memref<128x64xf32, #tpu.memory_space<vmem>>, vector<16xf32>,
      %get3A_122 = arith.index_cast %scan3A_102 : i32 to index
      %get3A_123 = arith.constant 16 : index
      %get3A_124 = tpu.vector_load %arg13[%get3A_122, %get3A_123] {strides = array<i32>} : memref<128x64xf32, #tpu.memory_space<vmem>>, vector<16xf32>,
      %add3A_125 = arith.addf %get3A_121, %get3A_124 : vector<16xf32>
      %add3A_126 = arith.addf %add3A_125, %add3A_125 : vector<16xf32>
      %exp3A_127 = math.exp %add3A_126 : vector<16xf32>
      %add3A_128 = arith.constant 1.000000e+00 : f32
      %add3A_129 = vector.broadcast %add3A_128 : f32 to vector<16xf32>
      %add3A_130 = arith.addf %exp3A_127, %add3A_129 : vector<16xf32>
      %div3A_131 = arith.constant 2.000000e+00 : f32
      %div3A_132 = vector.broadcast %div3A_131 : f32 to vector<16xf32>
      %div3A_133 = arith.divf %div3A_132, %add3A_130 : vector<16xf32>
      %sub3A_134 = arith.constant 1.000000e+00 : f32
      %sub3A_135 = vector.broadcast %sub3A_134 : f32 to vector<16xf32>
      %sub3A_136 = arith.subf %sub3A_135, %div3A_133 : vector<16xf32>
      %swap3A_137 = arith.index_cast %scan3A_102 : i32 to index
      %swap3A_138 = arith.constant 16 : index
      %swap3A_139 = tpu.vector_load %arg11[%swap3A_137, %swap3A_138] {strides = array<i32>} : memref<128x64xf32, #tpu.memory_space<vmem>>, vector<16xf32>,
      tpu.vector_store %arg11[%swap3A_137, %swap3A_138], %sub3A_136 {strides = array<i32>} : memref<128x64xf32, #tpu.memory_space<vmem>>, vector<16xf32>,
      %get3A_140 = arith.index_cast %scan3A_102 : i32 to index
      %get3A_141 = arith.constant 32 : index
      %get3A_142 = tpu.vector_load %arg11[%get3A_140, %get3A_141] {strides = array<i32>} : memref<128x64xf32, #tpu.memory_space<vmem>>, vector<16xf32>,
      %get3A_143 = arith.index_cast %scan3A_102 : i32 to index
      %get3A_144 = arith.constant 32 : index
      %get3A_145 = tpu.vector_load %arg13[%get3A_143, %get3A_144] {strides = array<i32>} : memref<128x64xf32, #tpu.memory_space<vmem>>, vector<16xf32>,
      %add3A_146 = arith.addf %get3A_142, %get3A_145 : vector<16xf32>
      %add3A_147 = arith.addf %add3A_146, %add3A_146 : vector<16xf32>
      %exp3A_148 = math.exp %add3A_147 : vector<16xf32>
      %add3A_149 = arith.constant 1.000000e+00 : f32
      %add3A_150 = vector.broadcast %add3A_149 : f32 to vector<16xf32>
      %add3A_151 = arith.addf %exp3A_148, %add3A_150 : vector<16xf32>
      %div3A_152 = arith.constant 2.000000e+00 : f32
      %div3A_153 = vector.broadcast %div3A_152 : f32 to vector<16xf32>
      %div3A_154 = arith.divf %div3A_153, %add3A_151 : vector<16xf32>
      %sub3A_155 = arith.constant 1.000000e+00 : f32
      %sub3A_156 = vector.broadcast %sub3A_155 : f32 to vector<16xf32>
      %sub3A_157 = arith.subf %sub3A_156, %div3A_154 : vector<16xf32>
      %swap3A_158 = arith.index_cast %scan3A_102 : i32 to index
      %swap3A_159 = arith.constant 32 : index
      %swap3A_160 = tpu.vector_load %arg11[%swap3A_158, %swap3A_159] {strides = array<i32>} : memref<128x64xf32, #tpu.memory_space<vmem>>, vector<16xf32>,
      tpu.vector_store %arg11[%swap3A_158, %swap3A_159], %sub3A_157 {strides = array<i32>} : memref<128x64xf32, #tpu.memory_space<vmem>>, vector<16xf32>,
      %get3A_161 = arith.index_cast %scan3A_102 : i32 to index
      %get3A_162 = arith.constant 48 : index
      %get3A_163 = tpu.vector_load %arg11[%get3A_161, %get3A_162] {strides = array<i32>} : memref<128x64xf32, #tpu.memory_space<vmem>>, vector<16xf32>,
      %get3A_164 = arith.index_cast %scan3A_102 : i32 to index
      %get3A_165 = arith.constant 48 : index
      %get3A_166 = tpu.vector_load %arg13[%get3A_164, %get3A_165] {strides = array<i32>} : memref<128x64xf32, #tpu.memory_space<vmem>>, vector<16xf32>,
      %add3A_167 = arith.addf %get3A_163, %get3A_166 : vector<16xf32>
      %add3A_168 = arith.addf %add3A_167, %add3A_167 : vector<16xf32>
      %exp3A_169 = math.exp %add3A_168 : vector<16xf32>
      %add3A_170 = arith.constant 1.000000e+00 : f32
      %add3A_171 = vector.broadcast %add3A_170 : f32 to vector<16xf32>
      %add3A_172 = arith.addf %exp3A_169, %add3A_171 : vector<16xf32>
      %div3A_173 = arith.constant 2.000000e+00 : f32
      %div3A_174 = vector.broadcast %div3A_173 : f32 to vector<16xf32>
      %div3A_175 = arith.divf %div3A_174, %add3A_172 : vector<16xf32>
      %sub3A_176 = arith.constant 1.000000e+00 : f32
      %sub3A_177 = vector.broadcast %sub3A_176 : f32 to vector<16xf32>
      %sub3A_178 = arith.subf %sub3A_177, %div3A_175 : vector<16xf32>
      %swap3A_179 = arith.index_cast %scan3A_102 : i32 to index
      %swap3A_180 = arith.constant 48 : index
      %swap3A_181 = tpu.vector_load %arg11[%swap3A_179, %swap3A_180] {strides = array<i32>} : memref<128x64xf32, #tpu.memory_space<vmem>>, vector<16xf32>,
      tpu.vector_store %arg11[%swap3A_179, %swap3A_180], %sub3A_178 {strides = array<i32>} : memref<128x64xf32, #tpu.memory_space<vmem>>, vector<16xf32>,
    }
    %scan3A_60 = arith.constant 128 : i32
    %add3A_61 = arith.constant 128 : i32
    %add3A_62 = arith.addi %mul3A_2, %add3A_61 : i32
    "tpu.region"() ({
      %run_scoped3A = tpu.sem_alloc : memref<!tpu.dma_semaphore, #tpu.memory_space<semaphore_mem>>
      %dma_start3A_102 = arith.constant 0 : i32
      %dma_start3A_103 = tpu.memref_slice %arg5[%add3A_62, %dma_start3A_102] : memref<16384x64xf32, #tpu.memory_space<hbm>> -> memref<128x64xf32, #tpu.memory_space<hbm>>
      %dma_start3A_104 = arith.constant 0 : i32
      %dma_start3A_105 = tpu.memref_slice %arg5[%add3A_62, %dma_start3A_104] : memref<16384x64xf32, #tpu.memory_space<hbm>> -> memref<128x64xf32, #tpu.memory_space<hbm>>
      tpu.enqueue_dma source(%arg11 : memref<128x64xf32, #tpu.memory_space<vmem>>) target(%dma_start3A_105 : memref<128x64xf32, #tpu.memory_space<hbm>>) target_semaphore(%run_scoped3A : memref<!tpu.dma_semaphore, #tpu.memory_space<semaphore_mem>>)
      %dma_wait3A_106 = arith.constant 0 : i32
      %dma_wait3A_107 = tpu.memref_slice %arg5[%add3A_62, %dma_wait3A_106] : memref<16384x64xf32, #tpu.memory_space<hbm>> -> memref<128x64xf32, #tpu.memory_space<hbm>>
      %dma_wait3A_108 = arith.constant 0 : i32
      %dma_wait3A_109 = tpu.memref_slice %arg5[%add3A_62, %dma_wait3A_108] : memref<16384x64xf32, #tpu.memory_space<hbm>> -> memref<128x64xf32, #tpu.memory_space<hbm>>
      tpu.wait_dma2 semaphore(%run_scoped3A : memref<!tpu.dma_semaphore, #tpu.memory_space<semaphore_mem>>) src(%arg11 : memref<128x64xf32, #tpu.memory_space<vmem>>) dst(%dma_wait3A_109 : memref<128x64xf32, #tpu.memory_space<hbm>>)
      tpu.yield
    }) : () -> ()
    %dma_wait3A_63 = arith.constant 0 : i32
    %dma_wait3A_64 = arith.constant 0 : i32
    %dma_wait3A_65 = tpu.memref_slice %arg2[%dma_wait3A_63, %dma_wait3A_64] : memref<1000000x64xf32, #tpu.memory_space<hbm>> -> memref<1000000x64xf32, #tpu.memory_space<hbm>>
    tpu.wait_indirect_dma semaphore(%arg14 : memref<!tpu.dma_semaphore, #tpu.memory_space<semaphore_mem>>) src(%dma_wait3A_65 : memref<1000000x64xf32, #tpu.memory_space<hbm>>) dst(%arg10 : memref<128x64xf32, #tpu.memory_space<vmem>>)
    %dma_wait3A_66 = arith.constant 0 : i32
    %dma_wait3A_67 = tpu.memref_slice %arg4[%add3A_50, %dma_wait3A_66] : memref<16384x64xf32, #tpu.memory_space<hbm>> -> memref<128x64xf32, #tpu.memory_space<hbm>>
    %dma_wait3A_68 = arith.constant 0 : i32
    %dma_wait3A_69 = tpu.memref_slice %arg4[%add3A_50, %dma_wait3A_68] : memref<16384x64xf32, #tpu.memory_space<hbm>> -> memref<128x64xf32, #tpu.memory_space<hbm>>
    tpu.wait_dma2 semaphore(%arg16 : memref<!tpu.dma_semaphore, #tpu.memory_space<semaphore_mem>>) src(%dma_wait3A_69 : memref<128x64xf32, #tpu.memory_space<hbm>>) dst(%arg12 : memref<128x64xf32, #tpu.memory_space<vmem>>)
    %dma_start3A_70 = arith.constant 0 : i32
    %dma_start3A_71 = arith.constant 0 : i32
    %dma_start3A_72 = tpu.memref_slice %arg2[%dma_start3A_70, %dma_start3A_71] : memref<1000000x64xf32, #tpu.memory_space<hbm>> -> memref<1000000x64xf32, #tpu.memory_space<hbm>>
    tpu.enqueue_indirect_dma source(%dma_start3A_72 : memref<1000000x64xf32, #tpu.memory_space<hbm>>) target(%arg11 : memref<128x64xf32, #tpu.memory_space<vmem>>) offsets(%arg9 : memref<128xi32, #tpu.memory_space<vmem>>) semaphore(%arg15 : memref<!tpu.dma_semaphore, #tpu.memory_space<semaphore_mem>>)
    %add3A_73 = arith.constant 384 : i32
    %add3A_74 = arith.addi %mul3A_2, %add3A_73 : i32
    %dma_start3A_75 = arith.constant 0 : i32
    %dma_start3A_76 = tpu.memref_slice %arg4[%add3A_74, %dma_start3A_75] : memref<16384x64xf32, #tpu.memory_space<hbm>> -> memref<128x64xf32, #tpu.memory_space<hbm>>
    %dma_start3A_77 = arith.constant 0 : i32
    %dma_start3A_78 = tpu.memref_slice %arg4[%add3A_74, %dma_start3A_77] : memref<16384x64xf32, #tpu.memory_space<hbm>> -> memref<128x64xf32, #tpu.memory_space<hbm>>
    tpu.enqueue_dma source(%dma_start3A_78 : memref<128x64xf32, #tpu.memory_space<hbm>>) target(%arg13 : memref<128x64xf32, #tpu.memory_space<vmem>>) target_semaphore(%arg17 : memref<!tpu.dma_semaphore, #tpu.memory_space<semaphore_mem>>)
    %scan3A_79 = arith.constant 0 : i32
    %scan3A_80 = arith.constant 0 : i32
    %scan3A_81 = arith.constant 128 : i32
    %scan3A_82 = arith.addi %scan3A_80, %scan3A_81 : i32
    %scan3A_83 = arith.constant 1 : i32
    scf.for %scan3A_102 = %scan3A_80 to %scan3A_82 step %scan3A_83  : i32 {
      %get3A = arith.index_cast %scan3A_102 : i32 to index
      %get3A_103 = arith.constant 0 : index
      %get3A_104 = tpu.vector_load %arg10[%get3A, %get3A_103] {strides = array<i32>} : memref<128x64xf32, #tpu.memory_space<vmem>>, vector<16xf32>,
      %get3A_105 = arith.index_cast %scan3A_102 : i32 to index
      %get3A_106 = arith.constant 0 : index
      %get3A_107 = tpu.vector_load %arg12[%get3A_105, %get3A_106] {strides = array<i32>} : memref<128x64xf32, #tpu.memory_space<vmem>>, vector<16xf32>,
      %add3A_108 = arith.addf %get3A_104, %get3A_107 : vector<16xf32>
      %add3A_109 = arith.addf %add3A_108, %add3A_108 : vector<16xf32>
      %exp3A = math.exp %add3A_109 : vector<16xf32>
      %add3A_110 = arith.constant 1.000000e+00 : f32
      %add3A_111 = vector.broadcast %add3A_110 : f32 to vector<16xf32>
      %add3A_112 = arith.addf %exp3A, %add3A_111 : vector<16xf32>
      %div3A = arith.constant 2.000000e+00 : f32
      %div3A_113 = vector.broadcast %div3A : f32 to vector<16xf32>
      %div3A_114 = arith.divf %div3A_113, %add3A_112 : vector<16xf32>
      %sub3A = arith.constant 1.000000e+00 : f32
      %sub3A_115 = vector.broadcast %sub3A : f32 to vector<16xf32>
      %sub3A_116 = arith.subf %sub3A_115, %div3A_114 : vector<16xf32>
      %swap3A = arith.index_cast %scan3A_102 : i32 to index
      %swap3A_117 = arith.constant 0 : index
      %swap3A_118 = tpu.vector_load %arg10[%swap3A, %swap3A_117] {strides = array<i32>} : memref<128x64xf32, #tpu.memory_space<vmem>>, vector<16xf32>,
      tpu.vector_store %arg10[%swap3A, %swap3A_117], %sub3A_116 {strides = array<i32>} : memref<128x64xf32, #tpu.memory_space<vmem>>, vector<16xf32>,
      %get3A_119 = arith.index_cast %scan3A_102 : i32 to index
      %get3A_120 = arith.constant 16 : index
      %get3A_121 = tpu.vector_load %arg10[%get3A_119, %get3A_120] {strides = array<i32>} : memref<128x64xf32, #tpu.memory_space<vmem>>, vector<16xf32>,
      %get3A_122 = arith.index_cast %scan3A_102 : i32 to index
      %get3A_123 = arith.constant 16 : index
      %get3A_124 = tpu.vector_load %arg12[%get3A_122, %get3A_123] {strides = array<i32>} : memref<128x64xf32, #tpu.memory_space<vmem>>, vector<16xf32>,
      %add3A_125 = arith.addf %get3A_121, %get3A_124 : vector<16xf32>
      %add3A_126 = arith.addf %add3A_125, %add3A_125 : vector<16xf32>
      %exp3A_127 = math.exp %add3A_126 : vector<16xf32>
      %add3A_128 = arith.constant 1.000000e+00 : f32
      %add3A_129 = vector.broadcast %add3A_128 : f32 to vector<16xf32>
      %add3A_130 = arith.addf %exp3A_127, %add3A_129 : vector<16xf32>
      %div3A_131 = arith.constant 2.000000e+00 : f32
      %div3A_132 = vector.broadcast %div3A_131 : f32 to vector<16xf32>
      %div3A_133 = arith.divf %div3A_132, %add3A_130 : vector<16xf32>
      %sub3A_134 = arith.constant 1.000000e+00 : f32
      %sub3A_135 = vector.broadcast %sub3A_134 : f32 to vector<16xf32>
      %sub3A_136 = arith.subf %sub3A_135, %div3A_133 : vector<16xf32>
      %swap3A_137 = arith.index_cast %scan3A_102 : i32 to index
      %swap3A_138 = arith.constant 16 : index
      %swap3A_139 = tpu.vector_load %arg10[%swap3A_137, %swap3A_138] {strides = array<i32>} : memref<128x64xf32, #tpu.memory_space<vmem>>, vector<16xf32>,
      tpu.vector_store %arg10[%swap3A_137, %swap3A_138], %sub3A_136 {strides = array<i32>} : memref<128x64xf32, #tpu.memory_space<vmem>>, vector<16xf32>,
      %get3A_140 = arith.index_cast %scan3A_102 : i32 to index
      %get3A_141 = arith.constant 32 : index
      %get3A_142 = tpu.vector_load %arg10[%get3A_140, %get3A_141] {strides = array<i32>} : memref<128x64xf32, #tpu.memory_space<vmem>>, vector<16xf32>,
      %get3A_143 = arith.index_cast %scan3A_102 : i32 to index
      %get3A_144 = arith.constant 32 : index
      %get3A_145 = tpu.vector_load %arg12[%get3A_143, %get3A_144] {strides = array<i32>} : memref<128x64xf32, #tpu.memory_space<vmem>>, vector<16xf32>,
      %add3A_146 = arith.addf %get3A_142, %get3A_145 : vector<16xf32>
      %add3A_147 = arith.addf %add3A_146, %add3A_146 : vector<16xf32>
      %exp3A_148 = math.exp %add3A_147 : vector<16xf32>
      %add3A_149 = arith.constant 1.000000e+00 : f32
      %add3A_150 = vector.broadcast %add3A_149 : f32 to vector<16xf32>
      %add3A_151 = arith.addf %exp3A_148, %add3A_150 : vector<16xf32>
      %div3A_152 = arith.constant 2.000000e+00 : f32
      %div3A_153 = vector.broadcast %div3A_152 : f32 to vector<16xf32>
      %div3A_154 = arith.divf %div3A_153, %add3A_151 : vector<16xf32>
      %sub3A_155 = arith.constant 1.000000e+00 : f32
      %sub3A_156 = vector.broadcast %sub3A_155 : f32 to vector<16xf32>
      %sub3A_157 = arith.subf %sub3A_156, %div3A_154 : vector<16xf32>
      %swap3A_158 = arith.index_cast %scan3A_102 : i32 to index
      %swap3A_159 = arith.constant 32 : index
      %swap3A_160 = tpu.vector_load %arg10[%swap3A_158, %swap3A_159] {strides = array<i32>} : memref<128x64xf32, #tpu.memory_space<vmem>>, vector<16xf32>,
      tpu.vector_store %arg10[%swap3A_158, %swap3A_159], %sub3A_157 {strides = array<i32>} : memref<128x64xf32, #tpu.memory_space<vmem>>, vector<16xf32>,
      %get3A_161 = arith.index_cast %scan3A_102 : i32 to index
      %get3A_162 = arith.constant 48 : index
      %get3A_163 = tpu.vector_load %arg10[%get3A_161, %get3A_162] {strides = array<i32>} : memref<128x64xf32, #tpu.memory_space<vmem>>, vector<16xf32>,
      %get3A_164 = arith.index_cast %scan3A_102 : i32 to index
      %get3A_165 = arith.constant 48 : index
      %get3A_166 = tpu.vector_load %arg12[%get3A_164, %get3A_165] {strides = array<i32>} : memref<128x64xf32, #tpu.memory_space<vmem>>, vector<16xf32>,
      %add3A_167 = arith.addf %get3A_163, %get3A_166 : vector<16xf32>
      %add3A_168 = arith.addf %add3A_167, %add3A_167 : vector<16xf32>
      %exp3A_169 = math.exp %add3A_168 : vector<16xf32>
      %add3A_170 = arith.constant 1.000000e+00 : f32
      %add3A_171 = vector.broadcast %add3A_170 : f32 to vector<16xf32>
      %add3A_172 = arith.addf %exp3A_169, %add3A_171 : vector<16xf32>
      %div3A_173 = arith.constant 2.000000e+00 : f32
      %div3A_174 = vector.broadcast %div3A_173 : f32 to vector<16xf32>
      %div3A_175 = arith.divf %div3A_174, %add3A_172 : vector<16xf32>
      %sub3A_176 = arith.constant 1.000000e+00 : f32
      %sub3A_177 = vector.broadcast %sub3A_176 : f32 to vector<16xf32>
      %sub3A_178 = arith.subf %sub3A_177, %div3A_175 : vector<16xf32>
      %swap3A_179 = arith.index_cast %scan3A_102 : i32 to index
      %swap3A_180 = arith.constant 48 : index
      %swap3A_181 = tpu.vector_load %arg10[%swap3A_179, %swap3A_180] {strides = array<i32>} : memref<128x64xf32, #tpu.memory_space<vmem>>, vector<16xf32>,
      tpu.vector_store %arg10[%swap3A_179, %swap3A_180], %sub3A_178 {strides = array<i32>} : memref<128x64xf32, #tpu.memory_space<vmem>>, vector<16xf32>,
    }
    %scan3A_84 = arith.constant 128 : i32
    %add3A_85 = arith.constant 256 : i32
    %add3A_86 = arith.addi %mul3A_2, %add3A_85 : i32
    "tpu.region"() ({
      %run_scoped3A = tpu.sem_alloc : memref<!tpu.dma_semaphore, #tpu.memory_space<semaphore_mem>>
      %dma_start3A_102 = arith.constant 0 : i32
      %dma_start3A_103 = tpu.memref_slice %arg5[%add3A_86, %dma_start3A_102] : memref<16384x64xf32, #tpu.memory_space<hbm>> -> memref<128x64xf32, #tpu.memory_space<hbm>>
      %dma_start3A_104 = arith.constant 0 : i32
      %dma_start3A_105 = tpu.memref_slice %arg5[%add3A_86, %dma_start3A_104] : memref<16384x64xf32, #tpu.memory_space<hbm>> -> memref<128x64xf32, #tpu.memory_space<hbm>>
      tpu.enqueue_dma source(%arg10 : memref<128x64xf32, #tpu.memory_space<vmem>>) target(%dma_start3A_105 : memref<128x64xf32, #tpu.memory_space<hbm>>) target_semaphore(%run_scoped3A : memref<!tpu.dma_semaphore, #tpu.memory_space<semaphore_mem>>)
      %dma_wait3A_106 = arith.constant 0 : i32
      %dma_wait3A_107 = tpu.memref_slice %arg5[%add3A_86, %dma_wait3A_106] : memref<16384x64xf32, #tpu.memory_space<hbm>> -> memref<128x64xf32, #tpu.memory_space<hbm>>
      %dma_wait3A_108 = arith.constant 0 : i32
      %dma_wait3A_109 = tpu.memref_slice %arg5[%add3A_86, %dma_wait3A_108] : memref<16384x64xf32, #tpu.memory_space<hbm>> -> memref<128x64xf32, #tpu.memory_space<hbm>>
      tpu.wait_dma2 semaphore(%run_scoped3A : memref<!tpu.dma_semaphore, #tpu.memory_space<semaphore_mem>>) src(%arg10 : memref<128x64xf32, #tpu.memory_space<vmem>>) dst(%dma_wait3A_109 : memref<128x64xf32, #tpu.memory_space<hbm>>)
      tpu.yield
    }) : () -> ()
    %dma_wait3A_87 = arith.constant 0 : i32
    %dma_wait3A_88 = arith.constant 0 : i32
    %dma_wait3A_89 = tpu.memref_slice %arg2[%dma_wait3A_87, %dma_wait3A_88] : memref<1000000x64xf32, #tpu.memory_space<hbm>> -> memref<1000000x64xf32, #tpu.memory_space<hbm>>
    tpu.wait_indirect_dma semaphore(%arg15 : memref<!tpu.dma_semaphore, #tpu.memory_space<semaphore_mem>>) src(%dma_wait3A_89 : memref<1000000x64xf32, #tpu.memory_space<hbm>>) dst(%arg11 : memref<128x64xf32, #tpu.memory_space<vmem>>)
    %dma_wait3A_90 = arith.constant 0 : i32
    %dma_wait3A_91 = tpu.memref_slice %arg4[%add3A_74, %dma_wait3A_90] : memref<16384x64xf32, #tpu.memory_space<hbm>> -> memref<128x64xf32, #tpu.memory_space<hbm>>
    %dma_wait3A_92 = arith.constant 0 : i32
    %dma_wait3A_93 = tpu.memref_slice %arg4[%add3A_74, %dma_wait3A_92] : memref<16384x64xf32, #tpu.memory_space<hbm>> -> memref<128x64xf32, #tpu.memory_space<hbm>>
    tpu.wait_dma2 semaphore(%arg17 : memref<!tpu.dma_semaphore, #tpu.memory_space<semaphore_mem>>) src(%dma_wait3A_93 : memref<128x64xf32, #tpu.memory_space<hbm>>) dst(%arg13 : memref<128x64xf32, #tpu.memory_space<vmem>>)
    %scan3A_94 = arith.constant 0 : i32
    %scan3A_95 = arith.constant 0 : i32
    %scan3A_96 = arith.constant 128 : i32
    %scan3A_97 = arith.addi %scan3A_95, %scan3A_96 : i32
    %scan3A_98 = arith.constant 1 : i32
    scf.for %scan3A_102 = %scan3A_95 to %scan3A_97 step %scan3A_98  : i32 {
      %get3A = arith.index_cast %scan3A_102 : i32 to index
      %get3A_103 = arith.constant 0 : index
      %get3A_104 = tpu.vector_load %arg11[%get3A, %get3A_103] {strides = array<i32>} : memref<128x64xf32, #tpu.memory_space<vmem>>, vector<16xf32>,
      %get3A_105 = arith.index_cast %scan3A_102 : i32 to index
      %get3A_106 = arith.constant 0 : index
      %get3A_107 = tpu.vector_load %arg13[%get3A_105, %get3A_106] {strides = array<i32>} : memref<128x64xf32, #tpu.memory_space<vmem>>, vector<16xf32>,
      %add3A_108 = arith.addf %get3A_104, %get3A_107 : vector<16xf32>
      %add3A_109 = arith.addf %add3A_108, %add3A_108 : vector<16xf32>
      %exp3A = math.exp %add3A_109 : vector<16xf32>
      %add3A_110 = arith.constant 1.000000e+00 : f32
      %add3A_111 = vector.broadcast %add3A_110 : f32 to vector<16xf32>
      %add3A_112 = arith.addf %exp3A, %add3A_111 : vector<16xf32>
      %div3A = arith.constant 2.000000e+00 : f32
      %div3A_113 = vector.broadcast %div3A : f32 to vector<16xf32>
      %div3A_114 = arith.divf %div3A_113, %add3A_112 : vector<16xf32>
      %sub3A = arith.constant 1.000000e+00 : f32
      %sub3A_115 = vector.broadcast %sub3A : f32 to vector<16xf32>
      %sub3A_116 = arith.subf %sub3A_115, %div3A_114 : vector<16xf32>
      %swap3A = arith.index_cast %scan3A_102 : i32 to index
      %swap3A_117 = arith.constant 0 : index
      %swap3A_118 = tpu.vector_load %arg11[%swap3A, %swap3A_117] {strides = array<i32>} : memref<128x64xf32, #tpu.memory_space<vmem>>, vector<16xf32>,
      tpu.vector_store %arg11[%swap3A, %swap3A_117], %sub3A_116 {strides = array<i32>} : memref<128x64xf32, #tpu.memory_space<vmem>>, vector<16xf32>,
      %get3A_119 = arith.index_cast %scan3A_102 : i32 to index
      %get3A_120 = arith.constant 16 : index
      %get3A_121 = tpu.vector_load %arg11[%get3A_119, %get3A_120] {strides = array<i32>} : memref<128x64xf32, #tpu.memory_space<vmem>>, vector<16xf32>,
      %get3A_122 = arith.index_cast %scan3A_102 : i32 to index
      %get3A_123 = arith.constant 16 : index
      %get3A_124 = tpu.vector_load %arg13[%get3A_122, %get3A_123] {strides = array<i32>} : memref<128x64xf32, #tpu.memory_space<vmem>>, vector<16xf32>,
      %add3A_125 = arith.addf %get3A_121, %get3A_124 : vector<16xf32>
      %add3A_126 = arith.addf %add3A_125, %add3A_125 : vector<16xf32>
      %exp3A_127 = math.exp %add3A_126 : vector<16xf32>
      %add3A_128 = arith.constant 1.000000e+00 : f32
      %add3A_129 = vector.broadcast %add3A_128 : f32 to vector<16xf32>
      %add3A_130 = arith.addf %exp3A_127, %add3A_129 : vector<16xf32>
      %div3A_131 = arith.constant 2.000000e+00 : f32
      %div3A_132 = vector.broadcast %div3A_131 : f32 to vector<16xf32>
      %div3A_133 = arith.divf %div3A_132, %add3A_130 : vector<16xf32>
      %sub3A_134 = arith.constant 1.000000e+00 : f32
      %sub3A_135 = vector.broadcast %sub3A_134 : f32 to vector<16xf32>
      %sub3A_136 = arith.subf %sub3A_135, %div3A_133 : vector<16xf32>
      %swap3A_137 = arith.index_cast %scan3A_102 : i32 to index
      %swap3A_138 = arith.constant 16 : index
      %swap3A_139 = tpu.vector_load %arg11[%swap3A_137, %swap3A_138] {strides = array<i32>} : memref<128x64xf32, #tpu.memory_space<vmem>>, vector<16xf32>,
      tpu.vector_store %arg11[%swap3A_137, %swap3A_138], %sub3A_136 {strides = array<i32>} : memref<128x64xf32, #tpu.memory_space<vmem>>, vector<16xf32>,
      %get3A_140 = arith.index_cast %scan3A_102 : i32 to index
      %get3A_141 = arith.constant 32 : index
      %get3A_142 = tpu.vector_load %arg11[%get3A_140, %get3A_141] {strides = array<i32>} : memref<128x64xf32, #tpu.memory_space<vmem>>, vector<16xf32>,
      %get3A_143 = arith.index_cast %scan3A_102 : i32 to index
      %get3A_144 = arith.constant 32 : index
      %get3A_145 = tpu.vector_load %arg13[%get3A_143, %get3A_144] {strides = array<i32>} : memref<128x64xf32, #tpu.memory_space<vmem>>, vector<16xf32>,
      %add3A_146 = arith.addf %get3A_142, %get3A_145 : vector<16xf32>
      %add3A_147 = arith.addf %add3A_146, %add3A_146 : vector<16xf32>
      %exp3A_148 = math.exp %add3A_147 : vector<16xf32>
      %add3A_149 = arith.constant 1.000000e+00 : f32
      %add3A_150 = vector.broadcast %add3A_149 : f32 to vector<16xf32>
      %add3A_151 = arith.addf %exp3A_148, %add3A_150 : vector<16xf32>
      %div3A_152 = arith.constant 2.000000e+00 : f32
      %div3A_153 = vector.broadcast %div3A_152 : f32 to vector<16xf32>
      %div3A_154 = arith.divf %div3A_153, %add3A_151 : vector<16xf32>
      %sub3A_155 = arith.constant 1.000000e+00 : f32
      %sub3A_156 = vector.broadcast %sub3A_155 : f32 to vector<16xf32>
      %sub3A_157 = arith.subf %sub3A_156, %div3A_154 : vector<16xf32>
      %swap3A_158 = arith.index_cast %scan3A_102 : i32 to index
      %swap3A_159 = arith.constant 32 : index
      %swap3A_160 = tpu.vector_load %arg11[%swap3A_158, %swap3A_159] {strides = array<i32>} : memref<128x64xf32, #tpu.memory_space<vmem>>, vector<16xf32>,
      tpu.vector_store %arg11[%swap3A_158, %swap3A_159], %sub3A_157 {strides = array<i32>} : memref<128x64xf32, #tpu.memory_space<vmem>>, vector<16xf32>,
      %get3A_161 = arith.index_cast %scan3A_102 : i32 to index
      %get3A_162 = arith.constant 48 : index
      %get3A_163 = tpu.vector_load %arg11[%get3A_161, %get3A_162] {strides = array<i32>} : memref<128x64xf32, #tpu.memory_space<vmem>>, vector<16xf32>,
      %get3A_164 = arith.index_cast %scan3A_102 : i32 to index
      %get3A_165 = arith.constant 48 : index
      %get3A_166 = tpu.vector_load %arg13[%get3A_164, %get3A_165] {strides = array<i32>} : memref<128x64xf32, #tpu.memory_space<vmem>>, vector<16xf32>,
      %add3A_167 = arith.addf %get3A_163, %get3A_166 : vector<16xf32>
      %add3A_168 = arith.addf %add3A_167, %add3A_167 : vector<16xf32>
      %exp3A_169 = math.exp %add3A_168 : vector<16xf32>
      %add3A_170 = arith.constant 1.000000e+00 : f32
      %add3A_171 = vector.broadcast %add3A_170 : f32 to vector<16xf32>
      %add3A_172 = arith.addf %exp3A_169, %add3A_171 : vector<16xf32>
      %div3A_173 = arith.constant 2.000000e+00 : f32
      %div3A_174 = vector.broadcast %div3A_173 : f32 to vector<16xf32>
      %div3A_175 = arith.divf %div3A_174, %add3A_172 : vector<16xf32>
      %sub3A_176 = arith.constant 1.000000e+00 : f32
      %sub3A_177 = vector.broadcast %sub3A_176 : f32 to vector<16xf32>
      %sub3A_178 = arith.subf %sub3A_177, %div3A_175 : vector<16xf32>
      %swap3A_179 = arith.index_cast %scan3A_102 : i32 to index
      %swap3A_180 = arith.constant 48 : index
      %swap3A_181 = tpu.vector_load %arg11[%swap3A_179, %swap3A_180] {strides = array<i32>} : memref<128x64xf32, #tpu.memory_space<vmem>>, vector<16xf32>,
      tpu.vector_store %arg11[%swap3A_179, %swap3A_180], %sub3A_178 {strides = array<i32>} : memref<128x64xf32, #tpu.memory_space<vmem>>, vector<16xf32>,
    }
    %scan3A_99 = arith.constant 128 : i32
    %add3A_100 = arith.constant 384 : i32
    %add3A_101 = arith.addi %mul3A_2, %add3A_100 : i32
    "tpu.region"() ({
      %run_scoped3A = tpu.sem_alloc : memref<!tpu.dma_semaphore, #tpu.memory_space<semaphore_mem>>
      %dma_start3A_102 = arith.constant 0 : i32
      %dma_start3A_103 = tpu.memref_slice %arg5[%add3A_101, %dma_start3A_102] : memref<16384x64xf32, #tpu.memory_space<hbm>> -> memref<128x64xf32, #tpu.memory_space<hbm>>
      %dma_start3A_104 = arith.constant 0 : i32
      %dma_start3A_105 = tpu.memref_slice %arg5[%add3A_101, %dma_start3A_104] : memref<16384x64xf32, #tpu.memory_space<hbm>> -> memref<128x64xf32, #tpu.memory_space<hbm>>
      tpu.enqueue_dma source(%arg11 : memref<128x64xf32, #tpu.memory_space<vmem>>) target(%dma_start3A_105 : memref<128x64xf32, #tpu.memory_space<hbm>>) target_semaphore(%run_scoped3A : memref<!tpu.dma_semaphore, #tpu.memory_space<semaphore_mem>>)
      %dma_wait3A_106 = arith.constant 0 : i32
      %dma_wait3A_107 = tpu.memref_slice %arg5[%add3A_101, %dma_wait3A_106] : memref<16384x64xf32, #tpu.memory_space<hbm>> -> memref<128x64xf32, #tpu.memory_space<hbm>>
      %dma_wait3A_108 = arith.constant 0 : i32
      %dma_wait3A_109 = tpu.memref_slice %arg5[%add3A_101, %dma_wait3A_108] : memref<16384x64xf32, #tpu.memory_space<hbm>> -> memref<128x64xf32, #tpu.memory_space<hbm>>
      tpu.wait_dma2 semaphore(%run_scoped3A : memref<!tpu.dma_semaphore, #tpu.memory_space<semaphore_mem>>) src(%arg11 : memref<128x64xf32, #tpu.memory_space<vmem>>) dst(%dma_wait3A_109 : memref<128x64xf32, #tpu.memory_space<hbm>>)
      tpu.yield
    }) : () -> ()
    return
  }
}

</mosaic_0001>

<sc_bundles>
// kernel: _run.4.cloned.1.call-start
scs
__scs_entry_jumppad:
0x0: {  	(pc) =	sbr.rel $0x88, $3  }
0x1: {  	(tag) =	ssettag $0x0;
	lr =	simm.s32 $0x1  }
0x2: {  	[smem:$0x3F9E] =	sst lr;
	_ =	strace $0xD0000000  }
0x3: {  	_ = 	snop  }
0x4: {  	_ = 	snop  }
0x5: {  	_ = 	snop  }
0x6: {  	_ = 	snop  }
0x7: {  	_ = 	snop  }
__scs_overlays_trampoline_lowered:
0x8: {  	[smem:$0x3FAD] =	sst s0  }
0x9: {  	[smem:$0x3FAE] =	sst s1  }
0xa: {  	[smem:$0x3FAF] =	sst s2  }
0xb: {  	[smem:$0x3FB0] =	sst s3  }
0xc: {  	[smem:$0x3FB1] =	sst s4  }
0xd: {  	[smem:$0x3FB2] =	sst s5  }
0xe: {  	[smem:$0x3FB3] =	sst s6  }
0xf: {  	[smem:$0x3FB4] =	sst s7  }
0x10: {  	[smem:$0x3FB5] =	sst s8  }
0x11: {  	[smem:$0x3FB6] =	sst s9;
	s0 =	simm.s32 @!p0 $0x0  }
0x12: {  	s1 =	sld [smem:$0x3F9C];
	s0 =	simm.s32 @p0 $0x1  }
0x13: {  	[smem:$0x3FB7] =	sst s0;
	s0 =	simm.s32 @!p1 $0x0  }
0x14: {  	s2 =	sld [smem:$0x3F9B];
	s0 =	simm.s32 @p1 $0x1  }
0x15: {  	[smem:$0x3FB8] =	sst s0;
	s0 =	simm.s32 @!p2 $0x0  }
0x16: {  	s3 =	sld [smem:$0x3FDB];
	s0 =	simm.s32 @p2 $0x1  }
0x17: {  	s4 =	simm.s32 $0x1BF5;
	[smem:$0x3FBA] =	sst s0  }
0x18: {  	s0 =	sld [smem:$0x3F9D];
	_ =	swait.ge [sflag:s4], $0x0  }
0x19: {  	s7 =	sld [smem:$0x3F9E]  }
0x1a: {  	s8 =	sadd.s32 $0xFFFFE003, lr  }
0x1b: {  	s9 =	sadd.s32 $0xFFFFFEF7, lr;
	s5 =	simm.s32 $0xFFFFFFFF;
	p2 =	slt.u32 s8, $0xFFFFF086  }
0x1c: {  	p1 =	slt.u32 s9, $0xF7A;
	s5 =	simm.s32 @!p2 $0x0  }
0x1d: {  	s5 =	simm.s32 @p1 $0x1;
	p0 =	seq.s32 s7, s2  }
0x1e: {  	s7 =	smul.u32 @!p0 $0xF7A, s2;
	p2 =	seq.s32 @!p0 s5, $0x0  }
0x1f: {  	s9 =	smul.u32 $0xF7A, s1;
	s8 =	simm.s32 @!p0 $0x1BF5;
	p2 =	por !p2, p0  }
0x20: {  	[sflag:s8] =	ssyncset.s32 @!p0 $0xFFFFF086;
	s6 =	sadd.s32 @!p0 s3, s7;
	s7 =	simm.s32 @!p0 $0x108  }
0x21: {  	s3 =	sadd.s32 s3, s9;
	s6 =	sadd.s32 @!p0 $0x88, s6;
	s7 =	simm.s32 @p2 $0x1082  }
0x22: {  	[simem:s7], [sflag:s8] =	dma.local @!p0 [hbm:s6], $0xF7A  }
0x23: {  	s9 =	sor.u32 $0xD0000000, s2;
	s6 =	simm.s32 $0x108;
	_ =	swait.ge @!p0 [sflag:s8], $0x0  }
0x24: {  	s3 =	sadd.s32 $0x88, s3;
	s6 =	simm.s32 @!p1 $0x1082;
	[sflag:s4] =	ssyncset.s32 $0xFFFFF086  }
0x25: {  	[simem:s6], [sflag:s4] =	dma.local [hbm:s3], $0xF7A  }
0x26: {  	[smem:$0x3F9E] =	sst s1;
	(tag) =	ssettag s2;
	_ =	strace s9  }
0x27: {  	s1 =	sld [smem:$0x3FAE]  }
0x28: {  	s2 =	sld [smem:$0x3FAF]  }
0x29: {  	s4 =	sld [smem:$0x3FB1]  }
0x2a: {  	p0 =	seq.s32 s5, $0x0;
	s5 =	sld [smem:$0x3FB2]  }
0x2b: {  	s6 =	sld [smem:$0x3FB3]  }
0x2c: {  	s7 =	sld [smem:$0x3FB4]  }
0x2d: {  	s3 =	simm.s32 $0x108;
	s8 =	sld [smem:$0x3FB5]  }
0x2e: {  	s3 =	simm.s32 @!p0 $0x1082;
	s9 =	sld [smem:$0x3FB6]  }
0x2f: {  	lr =	sadd.s32 s0, s3;
	s0 =	sld [smem:$0x3FAD]  }
0x30: {  	s3 =	sld [smem:$0x3FB0]  }
0x31: {  	[smem:$0x3FB9] =	sst s10  }
0x32: {  	s10 =	sld [smem:$0x3FB7];
	_ =	sdelay $0x3  }
0x33: {  	p0 =	seq.s32 s10, $0x1;
	s10 =	sld [smem:$0x3FB9];
	_ =	sdelay $0x3  }
0x34: {  	[smem:$0x3FB9] =	sst s10  }
0x35: {  	s10 =	sld [smem:$0x3FB8];
	_ =	sdelay $0x3  }
0x36: {  	p1 =	seq.s32 s10, $0x1;
	s10 =	sld [smem:$0x3FB9];
	_ =	sdelay $0x3  }
0x37: {  	[smem:$0x3FB9] =	sst s10  }
0x38: {  	s10 =	sld [smem:$0x3FBA]  }
0x39: {  	_ = 	snop;
	(pc) =	sbr.ind lr, $3  }
0x3a: {  	_ = 	snop  }
0x3b: {  	_ = 	snop  }
0x3c: {  	p2 =	seq.s32 s10, $0x1;
	s10 =	sld [smem:$0x3FB9]  }
0x3d: {  	_ =	shalt  }
0x3e: {  	_ =	shalt  }
0x3f: {  	_ =	shalt  }
0x40: {  	_ =	shalt  }
0x41: {  	_ =	shalt  }
0x42: {  	_ =	shalt  }
0x43: {  	_ =	shalt  }
0x44: {  	_ =	shalt  }
0x45: {  	_ =	shalt  }
0x46: {  	_ =	shalt  }
0x47: {  	_ =	shalt  }
0x48: {  	_ =	shalt  }
0x49: {  	_ =	shalt  }
0x4a: {  	_ =	shalt  }
0x4b: {  	_ =	shalt  }
0x4c: {  	_ =	shalt  }
0x4d: {  	_ =	shalt  }
0x4e: {  	_ =	shalt  }
0x4f: {  	_ =	shalt  }
0x50: {  	_ =	shalt  }
0x51: {  	_ =	shalt  }
0x52: {  	_ =	shalt  }
0x53: {  	_ =	shalt  }
0x54: {  	_ =	shalt  }
0x55: {  	_ =	shalt  }
0x56: {  	_ =	shalt  }
0x57: {  	_ =	shalt  }
0x58: {  	_ =	shalt  }
0x59: {  	_ =	shalt  }
0x5a: {  	_ =	shalt  }
0x5b: {  	_ =	shalt  }
0x5c: {  	_ =	shalt  }
0x5d: {  	_ =	shalt  }
0x5e: {  	_ =	shalt  }
0x5f: {  	_ =	shalt  }
0x60: {  	_ =	shalt  }
0x61: {  	_ =	shalt  }
0x62: {  	_ =	shalt  }
0x63: {  	_ =	shalt  }
0x64: {  	_ =	shalt  }
0x65: {  	_ =	shalt  }
0x66: {  	_ =	shalt  }
0x67: {  	_ =	shalt  }
0x68: {  	_ =	shalt  }
0x69: {  	_ =	shalt  }
0x6a: {  	_ =	shalt  }
0x6b: {  	_ =	shalt  }
0x6c: {  	_ =	shalt  }
0x6d: {  	_ =	shalt  }
0x6e: {  	_ =	shalt  }
0x6f: {  	_ =	shalt  }
0x70: {  	_ =	shalt  }
0x71: {  	_ =	shalt  }
0x72: {  	_ =	shalt  }
0x73: {  	_ =	shalt  }
0x74: {  	_ =	shalt  }
0x75: {  	_ =	shalt  }
0x76: {  	_ =	shalt  }
0x77: {  	_ =	shalt  }
0x78: {  	_ =	shalt  }
0x79: {  	_ =	shalt  }
0x7a: {  	_ =	shalt  }
0x7b: {  	_ =	shalt  }
0x7c: {  	_ =	shalt  }
0x7d: {  	_ =	shalt  }
0x7e: {  	_ =	shalt  }
0x7f: {  	_ =	shalt  }
0x80: {  	_ =	shalt  }
0x81: {  	_ =	shalt  }
0x82: {  	_ =	shalt  }
0x83: {  	_ =	shalt  }
0x84: {  	_ =	shalt  }
0x85: {  	_ =	shalt  }
0x86: {  	_ =	shalt  }
0x87: {  	_ =	shalt  }
.Lfunc_end0:
.L_simem_size_0:
called_computation_lowered:
.L_overlay_start_0:
0x88: {  	s2 =	sld [smem:$0x3FD9]  }
0x89: {  	s3 =	sld [smem:$0x3FFE];
	_ =	sdelay $0x1  }
0x8a: {  	s1 =	srdreg.scid  }
0x8b: {  	s0 =	sand.u32 $0x1, s1  }
0x8c: {  	s17 =	sshll.u32 s0, $0xA;
	s2 =	sadd.s32 s3, s2  }
0x8d: {  	s2 =	sadd.s32 s2, s17  }
0x8e: {  	[smem:$0x3FC5] =	sst s2  }
0x8f: {  	_ = 	snop  }
0x90: {  	s2 =	sld [smem:$0x3FC8]  }
0x91: {  	s18 =	sld [smem:$0x3FD0];
	(tm) =	ssettm $0x1  }
0x92: {  	s4 =	sld [smem:$0x3FFB];
	_ =	sdelay $0x3  }
0x93: {  	_ =	strace s4  }
0x94: {  	s4 =	sld [smem:$0x3FFC];
	_ =	sdelay $0x3  }
0x95: {  	_ =	strace s4  }
0x96: {  	s4 =	sld [smem:$0x3FFD];
	_ =	sdelay $0x3  }
0x97: {  	_ =	strace s4  }
0x98: {  	_ =	strace $0x8FFFFFFF  }
0x99: {  	s19 =	sld [smem:$0x3FDB];
	_ =	sdelay $0x1  }
0x9a: {  	s5 =	simm.s32 $_scs_section_size  }
0x9b: {  	s6 =	simm.s32 $_size__tile_overlayer_lowered;
	s7 =	simm.s32 $_tile_overlayer_lowered  }
0x9c: {  	s22 =	simm.s32 $0x1BFF;
	s21 =	sshll.u32 s7, $0x1;
	s4 =	sadd.s32 s5, s19  }
0x9d: {  	s8 =	simm.s32 $0x0;
	s20 =	sshll.u32 s6, $0x1;
	s6 =	sadd.s32 s21, s4  }
0x9e: {  	[timem:s8], [sflag:s22] =	dma.local [hbm:s6], s20  }
0x9f: {  	_ =	swait.ge [sflag:s22], s20  }
0xa0: {  	s5 =	ssub.s32 $0x0, s20;
	[sflag:s22] =	ssyncset.done $0x0  }
0xa1: {  	[sflag:s22] =	ssyncadd.s32 s5;
	_ =	sdelay $0x1  }
0xa2: {  	s23 =	simm.s32 $0x1B8B  }
0xa3: {  	_ =	swait.ge [sflag:s23], $0x1  }
0xa4: {  	[sflag:s23] =	ssyncset.done $0x0  }
0xa5: {  	s25 =	simm.s32 $0x1B8E;
	s24 =	sld [smem:$0x3FFE];
	[sflag:s23] =	ssyncadd.s32 $0xFFFFFFFF  }
0xa6: {  	s26 =	simm.s32 $execute0_lowered;
	[smem:$0x3FD2] =	sst s25  }
0xa7: {  	s6 =	sshll.u32 s26, $0x1;
	_ =	strace $0x80000046;
	[dreg:$0x1] =	wrdreg $0xFFFFFFFF  }
0xa8: {  	s28 =	simm.s32 $_size_execute0_lowered;
	s4 =	sadd.s32 s4, s6;
	[dreg:$0x0] =	wrdreg $0x0  }
0xa9: {  	s6 =	sshll.u32 s28, $0x1;
	[dreg:$0x2] =	wrdreg s4  }
0xaa: {  	[dreg:$0x3] =	wrdreg s6  }
0xab: {  	[dreg:$0x4] =	wrdreg $0xC0  }
0xac: {  	_ =	task [dreg:s8], $0x5FFFF  }
0xad: {  	[dreg:$0x1] =	wrdreg $0xFFFFFFFF  }
0xae: {  	[dreg:$0x0] =	wrdreg $0x60  }
0xaf: {  	[dreg:$0x2] =	wrdreg s2  }
0xb0: {  	[dreg:$0x3] =	wrdreg s18  }
0xb1: {  	[dreg:$0x4] =	wrdreg s24  }
0xb2: {  	[dreg:$0x5] =	wrdreg $0x58000  }
0xb3: {  	[dreg:$0x6] =	wrdreg $0x9  }
0xb4: {  	_ =	task.clear_ibuf [dreg:s8], $0x7FFFF;
	_ =	strace $0x90000046  }
0xb5: {  	s29 =	simm.s32 $0x9;
	_ =	strace $0x80000048  }
0xb6: {  	_ =	swait.ge [sflag:s29], $0x1  }
0xb7: {  	[sflag:s29] =	ssyncadd.s32 $0xFFFFFFFF  }
0xb8: {  	_ =	strace $0x90000048  }
0xb9: {  	_ =	sfence  }
0xba: {  	s30 =	sld [smem:$0x0];
	_ =	sdelay $0x2  }
0xbb: {  	s31 =	sshll.u32 s1, $0xD;
	s1 =	sshrl.u32 s1, $0x2  }
0xbc: {  	s3 =	sand.u32 $0x4000, s31;
	s1 =	sadd.s32 s1, s30  }
0xbd: {  	s0 =	sor.u32 s3, s0;
	s1 =	sshll.u32 s1, $0x11  }
0xbe: {  	s0 =	sor.u32 s1, s0  }
0xbf: {  	s0 =	sadd.s32 $0x8F2B, s0  }
0xc0: {  	[sflag:s0] =	ssyncadd.remote.s32 $0x1  }
0xc1: {  	_ =	sfence.sel $0xFFFF  }
0xc2: {  	[dreg:$0x0] =	wrdreg $0xFFFFFFFF;
	(pc) =	sbr.abs _section_cstart, $3  }
0xc3: {  	[dreg:$0x1] =	wrdreg $0xFFFFFFFF  }
0xc4: {  	_ =	task.clear_ibuf [dreg:s8], $0x2FFFF;
	_ =	strace $0x9FFFFFFF  }
0xc5: {  	(tm) =	ssettm $0x7FFFFFFF  }
tec
execute0_lowered:
.L_overlay_start_1:
0x0: {  	(tag) =	ssettag $0x1  }
0x1: {  	s0 =	srdreg.scid  }
0x2: {  	s0 =	sand.u32 $0x1, s0  }
0x3: {  	s4 =	rddreg [dreg:$0x0];
	p0 =	seq.s32 s0, $0x1  }
.Ltmp0:
0x4: {  	s3 =	rddreg [dreg:$0x1];
	(pc) =	sbr.rel @p0 .LBB2_20-.Ltmp0, $4  }
0x5: {  	s19 =	rddreg [dreg:$0x2]  }
0x6: {  	s2 =	rddreg [dreg:$0x3];
	s5 =	simm.s32 $0x0  }
0x7: {  	[smem:$0x7FF] =	sst s5  }
0x8: {  	s6 =	rddreg [dreg:$0x4];
	s1 =	stileid.u32;
	_ =	strace $0x80000047  }
0x9: {  	s0 =	sshll.u32 s1, $0x7  }
0xa: {  	s20 =	sshll.u32 s1, $0xA;
	s22 =	simm.s32 $0x1;
	s0 =	sadd.s32 s4, s0  }
0xb: {  	[tilespmem:s5], [sflag:$0x1] =	stream.linear.gather [hbm4b:s0+s5], $0x80, $0x38;
	[tilespmem:$0x15800] =	vst v63  }
0xc: {  	s21 =	sor.u32 $0x80, s20;
	_ =	swait.ge [sflag:s22], $0x80  }
0xd: {  	s6 =	simm.s32 $0x80;
	s12 =	sshrl.u32 s21, $0x3;
	[sflag:s22] =	ssyncset.done $0x0  }
0xe: {  	s14 =	simm.s32 $0x100;
	s0 =	sadd.s32 s4, s12;
	[sflag:s22] =	ssyncadd.s32 $0xFFFFFF80  }
0xf: {  	[tilespmem:s6], [sflag:$0x1] =	stream.linear.gather [hbm4b:s0+s5], $0x80, $0x38;
	[tilespmem:$0x15800] =	vst v63  }
0x10: {  	s16 =	simm.s32 $0x180;
	s23 =	sor.u32 $0x100, s20;
	_ =	swait.ge [sflag:s22], $0x80  }
0x11: {  	s8 =	simm.s32 $0x200;
	s13 =	sshrl.u32 s23, $0x3;
	[sflag:s22] =	ssyncset.done $0x0  }
0x12: {  	s9 =	simm.s32 $0x280;
	s0 =	sadd.s32 s4, s13;
	[sflag:s22] =	ssyncadd.s32 $0xFFFFFF80  }
0x13: {  	[tilespmem:s14], [sflag:$0x1] =	stream.linear.gather [hbm4b:s0+s5], $0x80, $0x38;
	[tilespmem:$0x15800] =	vst v63  }
0x14: {  	s10 =	simm.s32 $0x300;
	s24 =	sor.u32 $0x180, s20;
	_ =	swait.ge [sflag:s22], $0x80  }
0x15: {  	s26 =	sor.u32 $0x200, s20;
	s15 =	sshrl.u32 s24, $0x3;
	[sflag:s22] =	ssyncset.done $0x0  }
0x16: {  	s25 =	sor.u32 $0x280, s20;
	s0 =	sadd.s32 s4, s15;
	[sflag:s22] =	ssyncadd.s32 $0xFFFFFF80  }
0x17: {  	[tilespmem:s16], [sflag:$0x1] =	stream.linear.gather [hbm4b:s0+s5], $0x80, $0x38;
	[tilespmem:$0x15800] =	vst v63  }
0x18: {  	s28 =	sor.u32 $0x300, s20;
	s29 =	sor.u32 $0x380, s20;
	_ =	swait.ge [sflag:s22], $0x80  }
0x19: {  	s7 =	sshrl.u32 s26, $0x3;
	s17 =	sshrl.u32 s25, $0x3;
	[sflag:s22] =	ssyncset.done $0x0  }
0x1a: {  	s30 =	sshll.u32 s24, $0x3;
	s7 =	sadd.s32 s4, s7;
	[sflag:s22] =	ssyncadd.s32 $0xFFFFFF80  }
0x1b: {  	[tilespmem:s8], [sflag:$0x1] =	stream.linear.gather [hbm4b:s7+s5], $0x80, $0x38;
	[tilespmem:$0x15800] =	vst v63  }
0x1c: {  	s31 =	sshll.u32 s26, $0x3;
	s11 =	sshrl.u32 s29, $0x3;
	_ =	swait.ge [sflag:s22], $0x80  }
0x1d: {  	s12 =	sadd.s32 s4, s11;
	s6 =	sshll.u32 s21, $0x3;
	[sflag:s22] =	ssyncset.done $0x0  }
0x1e: {  	s13 =	sadd.s32 s3, s31;
	s8 =	sadd.s32 s4, s17;
	[sflag:s22] =	ssyncadd.s32 $0xFFFFFF80  }
0x1f: {  	[tilespmem:s9], [sflag:$0x1] =	stream.linear.gather [hbm4b:s8+s5], $0x80, $0x38;
	[tilespmem:$0x15800] =	vst v63  }
0x20: {  	s21 =	sshll.u32 s21, $0x6;
	s15 =	sadd.s32 s3, s6;
	_ =	swait.ge [sflag:s22], $0x80  }
0x21: {  	s14 =	simm.s32 $0x380;
	s9 =	sshrl.u32 s28, $0x3;
	[sflag:s22] =	ssyncset.done $0x0  }
0x22: {  	s0 =	sshll.u32 s1, $0xD;
	s8 =	sadd.s32 s4, s9;
	[sflag:s22] =	ssyncadd.s32 $0xFFFFFF80  }
0x23: {  	[tilespmem:s10], [sflag:$0x1] =	stream.linear.gather [hbm4b:s8+s5], $0x80, $0x38;
	[tilespmem:$0x15800] =	vst v63  }
0x24: {  	s18 =	sadd.s32 s3, s0;
	s7 =	sshll.u32 s23, $0x3;
	_ =	swait.ge [sflag:s22], $0x80  }
0x25: {  	s17 =	sadd.s32 s3, s30;
	s16 =	sadd.s32 s3, s7;
	[sflag:s22] =	ssyncset.done $0x0  }
0x26: {  	s4 =	sshll.u32 s29, $0x3;
	s29 =	sshll.u32 s29, $0x6;
	[sflag:s22] =	ssyncadd.s32 $0xFFFFFF80  }
0x27: {  	[tilespmem:s14], [sflag:$0x1] =	stream.linear.gather [hbm4b:s12+s5], $0x80, $0x38;
	[tilespmem:$0x15800] =	vst v63  }
0x28: {  	s11 =	sadd.s32 s3, s4;
	s8 =	sshll.u32 s25, $0x3;
	s5 =	sshll.u32 s28, $0x3  }
0x29: {  	s14 =	sadd.s32 s3, s8;
	s12 =	sadd.s32 s3, s5;
	s3 =	sadd.s32 $0x1E9200, s19  }
0x2a: {  	s28 =	sshll.u32 s28, $0x6;
	s19 =	sadd.s32 $0xC00, s19;
	s10 =	sadd.s32 s3, s0  }
0x2b: {  	s9 =	sadd.s32 s3, s6;
	s6 =	sadd.s32 s3, s7;
	s7 =	sadd.s32 s3, s30  }
0x2c: {  	s0 =	sadd.s32 s3, s31;
	s8 =	sadd.s32 s3, s8;
	s5 =	sadd.s32 s3, s5  }
0x2d: {  	s3 =	sadd.s32 s3, s4;
	s4 =	sshll.u32 s1, $0x10;
	[dreg:$0x6] =	wrdreg s0  }
0x2e: {  	s0 =	sadd.s32 s21, s2;
	s21 =	sadd.s32 s29, s2;
	_ =	swait.ge [sflag:s22], $0x80  }
0x2f: {  	[dreg:$0x5] =	wrdreg s3;
	s3 =	sadd.s32 s4, s2;
	[sflag:s22] =	ssyncset.done $0x0  }
0x30: {  	[sflag:s22] =	ssyncadd.s32 $0xFFFFFF80;
	s22 =	sshll.u32 s23, $0x6;
	s23 =	sshll.u32 s24, $0x6  }
0x31: {  	s24 =	sshll.u32 s26, $0x6;
	s26 =	sshll.u32 s25, $0x6;
	s25 =	simm.s32 $0x0  }
0x32: {  	s31 =	sadd.s32 s22, s2;
	s30 =	sadd.s32 s23, s2;
	s24 =	sadd.s32 s24, s2  }
0x33: {  	v0 =	vimm.f32 $0.0e+00;
	s23 =	sadd.s32 s26, s2;
	s22 =	sadd.s32 s28, s2;
	s26 =	simm.s32 $0x100  }
.LBB2_2:
0x34: {  	p0 =	sne.s32 s26, $0x7F00;
	[tilespmem:s25+$0x1830] =	vst v0;
	s4 =	smov.u32 s26;
	s26 =	sadd.s32 $0x100, s26  }
.Ltmp1:
0x35: {  	[tilespmem:s25+$0x1820] =	vst v0;
	(pc) =	sbr.rel @p0 .LBB2_2-.Ltmp1, $3  }
0x36: {  	[tilespmem:s25+$0x1800] =	vst v0  }
0x37: {  	[tilespmem:s25+$0x1810] =	vst v0;
	_ =	sdelay $0x1  }
0x38: {  	s25 =	sshra.s32 s4, $0x2  }
0x39: {  	[tilespmem:s25+$0x1830] =	vst v0  }
0x3a: {  	[tilespmem:s25+$0x1820] =	vst v0  }
0x3b: {  	[tilespmem:s25+$0x1800] =	vst v0  }
0x3c: {  	[tilespmem:s25+$0x1810] =	vst v0;
	s4 =	simm.s32 $0x1800;
	s29 =	simm.s32 $0x1  }
0x3d: {  	[spmem:s3] =	stream.linear.scatter [tilespmem:s4], [sflag:$0x1], $0x2000, $0x38;
	[tilespmem:$0x15800] =	vst v63  }
0x3e: {  	_ =	swait.ge [sflag:s29], $0x2000  }
0x3f: {  	[sflag:s29] =	ssyncset.done $0x0  }
0x40: {  	[sflag:s29] =	ssyncadd.s32 $0xFFFFE000  }
0x41: {  	[spmem:s0] =	stream.linear.scatter [tilespmem:s4], [sflag:$0x1], $0x2000, $0x38;
	[tilespmem:$0x15800] =	vst v63  }
0x42: {  	_ =	swait.ge [sflag:s29], $0x2000  }
0x43: {  	[sflag:s29] =	ssyncset.done $0x0  }
0x44: {  	[sflag:s29] =	ssyncadd.s32 $0xFFFFE000  }
0x45: {  	[spmem:s31] =	stream.linear.scatter [tilespmem:s4], [sflag:$0x1], $0x2000, $0x38;
	[tilespmem:$0x15800] =	vst v63  }
0x46: {  	_ =	swait.ge [sflag:s29], $0x2000  }
0x47: {  	[sflag:s29] =	ssyncset.done $0x0  }
0x48: {  	[sflag:s29] =	ssyncadd.s32 $0xFFFFE000  }
0x49: {  	[spmem:s30] =	stream.linear.scatter [tilespmem:s4], [sflag:$0x1], $0x2000, $0x38;
	[tilespmem:$0x15800] =	vst v63  }
0x4a: {  	_ =	swait.ge [sflag:s29], $0x2000  }
0x4b: {  	[sflag:s29] =	ssyncset.done $0x0  }
0x4c: {  	[sflag:s29] =	ssyncadd.s32 $0xFFFFE000  }
0x4d: {  	[spmem:s24] =	stream.linear.scatter [tilespmem:s4], [sflag:$0x1], $0x2000, $0x38;
	[tilespmem:$0x15800] =	vst v63  }
0x4e: {  	_ =	swait.ge [sflag:s29], $0x2000  }
0x4f: {  	[sflag:s29] =	ssyncset.done $0x0  }
0x50: {  	[sflag:s29] =	ssyncadd.s32 $0xFFFFE000  }
0x51: {  	[spmem:s23] =	stream.linear.scatter [tilespmem:s4], [sflag:$0x1], $0x2000, $0x38;
	[tilespmem:$0x15800] =	vst v63  }
0x52: {  	_ =	swait.ge [sflag:s29], $0x2000  }
0x53: {  	[sflag:s29] =	ssyncset.done $0x0  }
0x54: {  	[sflag:s29] =	ssyncadd.s32 $0xFFFFE000  }
0x55: {  	[spmem:s22] =	stream.linear.scatter [tilespmem:s4], [sflag:$0x1], $0x2000, $0x38;
	[tilespmem:$0x15800] =	vst v63  }
0x56: {  	_ =	swait.ge [sflag:s29], $0x2000  }
0x57: {  	[sflag:s29] =	ssyncset.done $0x0  }
0x58: {  	[sflag:s29] =	ssyncadd.s32 $0xFFFFE000  }
0x59: {  	[spmem:s21] =	stream.linear.scatter [tilespmem:s4], [sflag:$0x1], $0x2000, $0x38;
	[tilespmem:$0x15800] =	vst v63  }
0x5a: {  	_ =	swait.ge [sflag:s29], $0x2000  }
0x5b: {  	s3 =	smov.u32 s20;
	[sflag:s29] =	ssyncset.done $0x0  }
0x5c: {  	v0 =	vmov s20;
	s0 =	simm.s32 $0x40;
	s21 =	simm.s32 $0x0;
	[sflag:s29] =	ssyncadd.s32 $0xFFFFE000  }
.LBB2_4:
0x5d: {  	p0 =	sne.s32 s0, $0x1FC0  }
0x5e: {  	[tilespmem:s21+$0x800] =	vst v0;
	s3 =	sadd.s32 $0x1, s3;
	s4 =	smov.u32 s0;
	s0 =	sadd.s32 $0x40, s0  }
.Ltmp2:
0x5f: {  	(pc) =	sbr.rel @p0 .LBB2_4-.Ltmp2, $2  }
0x60: {  	_ =	sdelay $0x2  }
0x61: {  	v0 =	vmov s3;
	s21 =	sshra.s32 s4, $0x2  }
0x62: {  	s0 =	simm.s32 $0x80  }
0x63: {  	[tilespmem:s21+$0x800] =	vst v0;
	s3 =	simm.s32 $0x0;
	s4 =	simm.s32 $0x800;
	s31 =	simm.s32 $0x1  }
0x64: {  	[hbm4b:s19+s0] =	stream.indirect.scatter [tilespmem:s4], [sflag:$0x1], $0x10, s3, s0, $0xb8;
	[tilespmem:$0x15800] =	vst v63  }
0x65: {  	_ =	swait.ge [sflag:s31], $0x800  }
0x66: {  	s0 =	sadd.s32 $0x80, s20;
	[sflag:s31] =	ssyncset.done $0x0  }
0x67: {  	s21 =	simm.s32 $0x0;
	s3 =	simm.s32 $0x40;
	v0 =	vmov s0;
	[sflag:s31] =	ssyncadd.s32 $0xFFFFF800  }
.LBB2_6:
0x68: {  	p0 =	sne.s32 s3, $0x1FC0  }
0x69: {  	[tilespmem:s21+$0x800] =	vst v0;
	s0 =	sadd.s32 $0x1, s0;
	s4 =	smov.u32 s3;
	s3 =	sadd.s32 $0x40, s3  }
.Ltmp3:
0x6a: {  	(pc) =	sbr.rel @p0 .LBB2_6-.Ltmp3, $2  }
0x6b: {  	_ =	sdelay $0x2  }
0x6c: {  	v0 =	vmov s0;
	s21 =	sshra.s32 s4, $0x2  }
0x6d: {  	[tilespmem:s21+$0x800] =	vst v0;
	s0 =	simm.s32 $0x80;
	s3 =	simm.s32 $0x800;
	s31 =	simm.s32 $0x1  }
0x6e: {  	[hbm4b:s19+s0] =	stream.indirect.scatter [tilespmem:s3], [sflag:$0x1], $0x10, s0, s0, $0xb8;
	[tilespmem:$0x15800] =	vst v63  }
0x6f: {  	_ =	swait.ge [sflag:s31], $0x800  }
0x70: {  	s0 =	sadd.s32 $0x100, s20;
	[sflag:s31] =	ssyncset.done $0x0  }
0x71: {  	s21 =	simm.s32 $0x0;
	s3 =	simm.s32 $0x40;
	v0 =	vmov s0;
	[sflag:s31] =	ssyncadd.s32 $0xFFFFF800  }
.LBB2_8:
0x72: {  	p0 =	sne.s32 s3, $0x1FC0  }
0x73: {  	[tilespmem:s21+$0x800] =	vst v0;
	s0 =	sadd.s32 $0x1, s0;
	s4 =	smov.u32 s3;
	s3 =	sadd.s32 $0x40, s3  }
.Ltmp4:
0x74: {  	(pc) =	sbr.rel @p0 .LBB2_8-.Ltmp4, $2  }
0x75: {  	_ =	sdelay $0x2  }
0x76: {  	v0 =	vmov s0;
	s21 =	sshra.s32 s4, $0x2  }
0x77: {  	s0 =	simm.s32 $0x80  }
0x78: {  	[tilespmem:s21+$0x800] =	vst v0;
	s3 =	simm.s32 $0x100;
	s4 =	simm.s32 $0x800;
	s31 =	simm.s32 $0x1  }
0x79: {  	[hbm4b:s19+s0] =	stream.indirect.scatter [tilespmem:s4], [sflag:$0x1], $0x10, s3, s0, $0xb8;
	[tilespmem:$0x15800] =	vst v63  }
0x7a: {  	_ =	swait.ge [sflag:s31], $0x800  }
0x7b: {  	s0 =	sadd.s32 $0x180, s20;
	[sflag:s31] =	ssyncset.done $0x0  }
0x7c: {  	s21 =	simm.s32 $0x0;
	s3 =	simm.s32 $0x40;
	v0 =	vmov s0;
	[sflag:s31] =	ssyncadd.s32 $0xFFFFF800  }
.LBB2_10:
0x7d: {  	p0 =	sne.s32 s3, $0x1FC0  }
0x7e: {  	[tilespmem:s21+$0x800] =	vst v0;
	s0 =	sadd.s32 $0x1, s0;
	s4 =	smov.u32 s3;
	s3 =	sadd.s32 $0x40, s3  }
.Ltmp5:
0x7f: {  	(pc) =	sbr.rel @p0 .LBB2_10-.Ltmp5, $2  }
0x80: {  	_ =	sdelay $0x2  }
0x81: {  	v0 =	vmov s0;
	s21 =	sshra.s32 s4, $0x2  }
0x82: {  	s0 =	simm.s32 $0x80  }
0x83: {  	[tilespmem:s21+$0x800] =	vst v0;
	s3 =	simm.s32 $0x180;
	s4 =	simm.s32 $0x800;
	s31 =	simm.s32 $0x1  }
0x84: {  	[hbm4b:s19+s0] =	stream.indirect.scatter [tilespmem:s4], [sflag:$0x1], $0x10, s3, s0, $0xb8;
	[tilespmem:$0x15800] =	vst v63  }
0x85: {  	_ =	swait.ge [sflag:s31], $0x800  }
0x86: {  	s0 =	sadd.s32 $0x200, s20;
	[sflag:s31] =	ssyncset.done $0x0  }
0x87: {  	s21 =	simm.s32 $0x0;
	s3 =	simm.s32 $0x40;
	v0 =	vmov s0;
	[sflag:s31] =	ssyncadd.s32 $0xFFFFF800  }
.LBB2_12:
0x88: {  	p0 =	sne.s32 s3, $0x1FC0  }
0x89: {  	[tilespmem:s21+$0x800] =	vst v0;
	s0 =	sadd.s32 $0x1, s0;
	s4 =	smov.u32 s3;
	s3 =	sadd.s32 $0x40, s3  }
.Ltmp6:
0x8a: {  	(pc) =	sbr.rel @p0 .LBB2_12-.Ltmp6, $2  }
0x8b: {  	_ =	sdelay $0x2  }
0x8c: {  	v0 =	vmov s0;
	s21 =	sshra.s32 s4, $0x2  }
0x8d: {  	s0 =	simm.s32 $0x80  }
0x8e: {  	[tilespmem:s21+$0x800] =	vst v0;
	s3 =	simm.s32 $0x200;
	s4 =	simm.s32 $0x800;
	s31 =	simm.s32 $0x1  }
0x8f: {  	[hbm4b:s19+s0] =	stream.indirect.scatter [tilespmem:s4], [sflag:$0x1], $0x10, s3, s0, $0xb8;
	[tilespmem:$0x15800] =	vst v63  }
0x90: {  	_ =	swait.ge [sflag:s31], $0x800  }
0x91: {  	s0 =	sadd.s32 $0x280, s20;
	[sflag:s31] =	ssyncset.done $0x0  }
0x92: {  	s21 =	simm.s32 $0x0;
	s3 =	simm.s32 $0x40;
	v0 =	vmov s0;
	[sflag:s31] =	ssyncadd.s32 $0xFFFFF800  }
.LBB2_14:
0x93: {  	p0 =	sne.s32 s3, $0x1FC0  }
0x94: {  	[tilespmem:s21+$0x800] =	vst v0;
	s0 =	sadd.s32 $0x1, s0;
	s4 =	smov.u32 s3;
	s3 =	sadd.s32 $0x40, s3  }
.Ltmp7:
0x95: {  	(pc) =	sbr.rel @p0 .LBB2_14-.Ltmp7, $2  }
0x96: {  	_ =	sdelay $0x2  }
0x97: {  	v0 =	vmov s0;
	s21 =	sshra.s32 s4, $0x2  }
0x98: {  	s0 =	simm.s32 $0x80  }
0x99: {  	[tilespmem:s21+$0x800] =	vst v0;
	s3 =	simm.s32 $0x280;
	s4 =	simm.s32 $0x800;
	s31 =	simm.s32 $0x1  }
0x9a: {  	[hbm4b:s19+s0] =	stream.indirect.scatter [tilespmem:s4], [sflag:$0x1], $0x10, s3, s0, $0xb8;
	[tilespmem:$0x15800] =	vst v63  }
0x9b: {  	_ =	swait.ge [sflag:s31], $0x800  }
0x9c: {  	s0 =	sadd.s32 $0x300, s20;
	[sflag:s31] =	ssyncset.done $0x0  }
0x9d: {  	s21 =	simm.s32 $0x0;
	s3 =	simm.s32 $0x40;
	v0 =	vmov s0;
	[sflag:s31] =	ssyncadd.s32 $0xFFFFF800  }
.LBB2_16:
0x9e: {  	p0 =	sne.s32 s3, $0x1FC0  }
0x9f: {  	[tilespmem:s21+$0x800] =	vst v0;
	s0 =	sadd.s32 $0x1, s0;
	s4 =	smov.u32 s3;
	s3 =	sadd.s32 $0x40, s3  }
.Ltmp8:
0xa0: {  	(pc) =	sbr.rel @p0 .LBB2_16-.Ltmp8, $2  }
0xa1: {  	_ =	sdelay $0x2  }
0xa2: {  	v0 =	vmov s0;
	s21 =	sshra.s32 s4, $0x2  }
0xa3: {  	s0 =	simm.s32 $0x80  }
0xa4: {  	[tilespmem:s21+$0x800] =	vst v0;
	s3 =	simm.s32 $0x300;
	s4 =	simm.s32 $0x800;
	s31 =	simm.s32 $0x1  }
0xa5: {  	[hbm4b:s19+s0] =	stream.indirect.scatter [tilespmem:s4], [sflag:$0x1], $0x10, s3, s0, $0xb8;
	[tilespmem:$0x15800] =	vst v63  }
0xa6: {  	_ =	swait.ge [sflag:s31], $0x800  }
0xa7: {  	s0 =	sadd.s32 $0x380, s20;
	[sflag:s31] =	ssyncset.done $0x0  }
0xa8: {  	s3 =	simm.s32 $0x40;
	s20 =	simm.s32 $0x0;
	v0 =	vmov s0;
	[sflag:s31] =	ssyncadd.s32 $0xFFFFF800  }
.LBB2_18:
0xa9: {  	p0 =	sne.s32 s3, $0x1FC0  }
0xaa: {  	[tilespmem:s20+$0x800] =	vst v0;
	s0 =	sadd.s32 $0x1, s0;
	s4 =	smov.u32 s3;
	s3 =	sadd.s32 $0x40, s3  }
.Ltmp9:
0xab: {  	(pc) =	sbr.rel @p0 .LBB2_18-.Ltmp9, $2  }
0xac: {  	_ =	sdelay $0x2  }
0xad: {  	v0 =	vmov s0;
	s20 =	sshra.s32 s4, $0x2  }
0xae: {  	s21 =	simm.s32 $0x80  }
0xaf: {  	[tilespmem:s20+$0x800] =	vst v0;
	s24 =	simm.s32 $0x380;
	s0 =	simm.s32 $0x800;
	s20 =	simm.s32 $0x1  }
0xb0: {  	[hbm4b:s19+s21] =	stream.indirect.scatter [tilespmem:s0], [sflag:$0x1], $0x10, s24, s21, $0xb8;
	[tilespmem:$0x15800] =	vst v63  }
0xb1: {  	_ =	swait.ge [sflag:s20], $0x800  }
0xb2: {  	v51 =	vlaneseq.u32;
	[sflag:s20] =	ssyncset.done $0x0  }
0xb3: {  	v0 =	vmul.u32 $0x10, v51;
	[sflag:s20] =	ssyncadd.s32 $0xFFFFF800  }
0xb4: {  	s22 =	simm.s32 $0x0;
	s23 =	simm.s32 $0x1000;
	[bflag:$0x0] =	sbarrier.arrive $0xFFFF  }
0xb5: {  	[tilespmem:s23], [sflag:$0x1] =	stream.indirect.gather [hbm4b:s19+s21], $0x10, s22, s21, $0xb8;
	[tilespmem:$0x15800] =	vst v63  }
0xb6: {  	_ =	swait.ge [sflag:s20], $0x800  }
0xb7: {  	[sflag:s20] =	ssyncset.done $0x0  }
0xb8: {  	[sflag:s20] =	ssyncadd.s32 $0xFFFFF800  }
0xb9: {  	v2 =	vld.idx.msk [tilespmem:v0+s23+$0x0], $0xffff  }
0xba: {  	v1 =	vor.u32 $0x100, v0;
	_ =	sdelay $0x3  }
0xbb: {  	[tilespmem:$0x400] =	vst v2  }
0xbc: {  	v3 =	vld.idx.msk [tilespmem:v1+s23+$0x0], $0xffff  }
0xbd: {  	v52 =	vor.u32 $0x200, v0;
	_ =	sdelay $0x3  }
0xbe: {  	[tilespmem:$0x410] =	vst v3  }
0xbf: {  	v4 =	vld.idx.msk [tilespmem:v52+s23+$0x0], $0xffff  }
0xc0: {  	v53 =	vor.u32 $0x300, v0;
	_ =	sdelay $0x3  }
0xc1: {  	[tilespmem:$0x420] =	vst v4  }
0xc2: {  	v5 =	vld.idx.msk [tilespmem:v53+s23+$0x0], $0xffff  }
0xc3: {  	v54 =	vor.u32 $0x400, v0;
	_ =	sdelay $0x3  }
0xc4: {  	[tilespmem:$0x430] =	vst v5  }
0xc5: {  	v6 =	vld.idx.msk [tilespmem:v54+s23+$0x0], $0xffff  }
0xc6: {  	v55 =	vor.u32 $0x500, v0;
	_ =	sdelay $0x3  }
0xc7: {  	[tilespmem:$0x440] =	vst v6  }
0xc8: {  	v7 =	vld.idx.msk [tilespmem:v55+s23+$0x0], $0xffff  }
0xc9: {  	v56 =	vor.u32 $0x600, v0;
	_ =	sdelay $0x3  }
0xca: {  	[tilespmem:$0x450] =	vst v7  }
0xcb: {  	v8 =	vld.idx.msk [tilespmem:v56+s23+$0x0], $0xffff  }
0xcc: {  	v57 =	vor.u32 $0x700, v0;
	_ =	sdelay $0x3  }
0xcd: {  	[tilespmem:$0x460] =	vst v8  }
0xce: {  	v8 =	vld.idx.msk [tilespmem:v57+s23+$0x0], $0xffff;
	_ =	sdelay $0x4  }
0xcf: {  	[tilespmem:$0x470] =	vst v8  }
0xd0: {  	[tilespmem:s23], [sflag:$0x1] =	stream.indirect.gather [hbm4b:s19+s21], $0x10, s21, s21, $0xb8;
	[tilespmem:$0x15800] =	vst v63  }
0xd1: {  	_ =	swait.ge [sflag:s20], $0x800  }
0xd2: {  	[sflag:s20] =	ssyncset.done $0x0  }
0xd3: {  	[sflag:s20] =	ssyncadd.s32 $0xFFFFF800  }
0xd4: {  	v58 =	vld.idx.msk [tilespmem:v0+s23+$0x0], $0xffff;
	_ =	sdelay $0x4  }
0xd5: {  	[tilespmem:$0x480] =	vst v58  }
0xd6: {  	v8 =	vld.idx.msk [tilespmem:v1+s23+$0x0], $0xffff;
	_ =	sdelay $0x4  }
0xd7: {  	[tilespmem:$0x490] =	vst v8  }
0xd8: {  	v8 =	vld.idx.msk [tilespmem:v52+s23+$0x0], $0xffff;
	_ =	sdelay $0x4  }
0xd9: {  	[tilespmem:$0x4A0] =	vst v8  }
0xda: {  	v8 =	vld.idx.msk [tilespmem:v53+s23+$0x0], $0xffff;
	_ =	sdelay $0x4  }
0xdb: {  	[tilespmem:$0x4B0] =	vst v8  }
0xdc: {  	v8 =	vld.idx.msk [tilespmem:v54+s23+$0x0], $0xffff;
	_ =	sdelay $0x4  }
0xdd: {  	[tilespmem:$0x4C0] =	vst v8  }
0xde: {  	v8 =	vld.idx.msk [tilespmem:v55+s23+$0x0], $0xffff;
	_ =	sdelay $0x4  }
0xdf: {  	[tilespmem:$0x4D0] =	vst v8  }
0xe0: {  	v8 =	vld.idx.msk [tilespmem:v56+s23+$0x0], $0xffff;
	_ =	sdelay $0x4  }
0xe1: {  	[tilespmem:$0x4E0] =	vst v8  }
0xe2: {  	v8 =	vld.idx.msk [tilespmem:v57+s23+$0x0], $0xffff;
	_ =	sdelay $0x4  }
0xe3: {  	s26 =	simm.s32 $0x100;
	[tilespmem:$0x4F0] =	vst v8  }
0xe4: {  	[tilespmem:s23], [sflag:$0x1] =	stream.indirect.gather [hbm4b:s19+s21], $0x10, s26, s21, $0xb8;
	[tilespmem:$0x15800] =	vst v63  }
0xe5: {  	_ =	swait.ge [sflag:s20], $0x800  }
0xe6: {  	[sflag:s20] =	ssyncset.done $0x0  }
0xe7: {  	[sflag:s20] =	ssyncadd.s32 $0xFFFFF800  }
0xe8: {  	v59 =	vld.idx.msk [tilespmem:v0+s23+$0x0], $0xffff;
	_ =	sdelay $0x4  }
0xe9: {  	[tilespmem:$0x500] =	vst v59  }
0xea: {  	v8 =	vld.idx.msk [tilespmem:v1+s23+$0x0], $0xffff;
	_ =	sdelay $0x4  }
0xeb: {  	[tilespmem:$0x510] =	vst v8  }
0xec: {  	v8 =	vld.idx.msk [tilespmem:v52+s23+$0x0], $0xffff;
	_ =	sdelay $0x4  }
0xed: {  	[tilespmem:$0x520] =	vst v8  }
0xee: {  	v8 =	vld.idx.msk [tilespmem:v53+s23+$0x0], $0xffff;
	_ =	sdelay $0x4  }
0xef: {  	[tilespmem:$0x530] =	vst v8  }
0xf0: {  	v8 =	vld.idx.msk [tilespmem:v54+s23+$0x0], $0xffff;
	_ =	sdelay $0x4  }
0xf1: {  	[tilespmem:$0x540] =	vst v8  }
0xf2: {  	v8 =	vld.idx.msk [tilespmem:v55+s23+$0x0], $0xffff;
	_ =	sdelay $0x4  }
0xf3: {  	[tilespmem:$0x550] =	vst v8  }
0xf4: {  	v8 =	vld.idx.msk [tilespmem:v56+s23+$0x0], $0xffff;
	_ =	sdelay $0x4  }
0xf5: {  	[tilespmem:$0x560] =	vst v8  }
0xf6: {  	v8 =	vld.idx.msk [tilespmem:v57+s23+$0x0], $0xffff;
	_ =	sdelay $0x4  }
0xf7: {  	s28 =	simm.s32 $0x180;
	[tilespmem:$0x570] =	vst v8  }
0xf8: {  	[tilespmem:s23], [sflag:$0x1] =	stream.indirect.gather [hbm4b:s19+s21], $0x10, s28, s21, $0xb8;
	[tilespmem:$0x15800] =	vst v63  }
0xf9: {  	_ =	swait.ge [sflag:s20], $0x800  }
0xfa: {  	[sflag:s20] =	ssyncset.done $0x0  }
0xfb: {  	[sflag:s20] =	ssyncadd.s32 $0xFFFFF800  }
0xfc: {  	v60 =	vld.idx.msk [tilespmem:v0+s23+$0x0], $0xffff;
	_ =	sdelay $0x4  }
0xfd: {  	[tilespmem:$0x580] =	vst v60  }
0xfe: {  	v8 =	vld.idx.msk [tilespmem:v1+s23+$0x0], $0xffff;
	_ =	sdelay $0x4  }
0xff: {  	[tilespmem:$0x590] =	vst v8  }
0x100: {  	v8 =	vld.idx.msk [tilespmem:v52+s23+$0x0], $0xffff;
	_ =	sdelay $0x4  }
0x101: {  	[tilespmem:$0x5A0] =	vst v8  }
0x102: {  	v8 =	vld.idx.msk [tilespmem:v53+s23+$0x0], $0xffff;
	_ =	sdelay $0x4  }
0x103: {  	[tilespmem:$0x5B0] =	vst v8  }
0x104: {  	v8 =	vld.idx.msk [tilespmem:v54+s23+$0x0], $0xffff;
	_ =	sdelay $0x4  }
0x105: {  	[tilespmem:$0x5C0] =	vst v8  }
0x106: {  	v8 =	vld.idx.msk [tilespmem:v55+s23+$0x0], $0xffff;
	_ =	sdelay $0x4  }
0x107: {  	[tilespmem:$0x5D0] =	vst v8  }
0x108: {  	v8 =	vld.idx.msk [tilespmem:v56+s23+$0x0], $0xffff;
	_ =	sdelay $0x4  }
0x109: {  	[tilespmem:$0x5E0] =	vst v8  }
0x10a: {  	v8 =	vld.idx.msk [tilespmem:v57+s23+$0x0], $0xffff;
	_ =	sdelay $0x4  }
0x10b: {  	s29 =	simm.s32 $0x200;
	[tilespmem:$0x5F0] =	vst v8  }
0x10c: {  	[tilespmem:s23], [sflag:$0x1] =	stream.indirect.gather [hbm4b:s19+s21], $0x10, s29, s21, $0xb8;
	[tilespmem:$0x15800] =	vst v63  }
0x10d: {  	_ =	swait.ge [sflag:s20], $0x800  }
0x10e: {  	[sflag:s20] =	ssyncset.done $0x0  }
0x10f: {  	[sflag:s20] =	ssyncadd.s32 $0xFFFFF800  }
0x110: {  	v61 =	vld.idx.msk [tilespmem:v0+s23+$0x0], $0xffff;
	_ =	sdelay $0x4  }
0x111: {  	[tilespmem:$0x600] =	vst v61  }
0x112: {  	v8 =	vld.idx.msk [tilespmem:v1+s23+$0x0], $0xffff;
	_ =	sdelay $0x4  }
0x113: {  	[tilespmem:$0x610] =	vst v8  }
0x114: {  	v8 =	vld.idx.msk [tilespmem:v52+s23+$0x0], $0xffff;
	_ =	sdelay $0x4  }
0x115: {  	[tilespmem:$0x620] =	vst v8  }
0x116: {  	v8 =	vld.idx.msk [tilespmem:v53+s23+$0x0], $0xffff;
	_ =	sdelay $0x4  }
0x117: {  	[tilespmem:$0x630] =	vst v8  }
0x118: {  	v8 =	vld.idx.msk [tilespmem:v54+s23+$0x0], $0xffff;
	_ =	sdelay $0x4  }
0x119: {  	[tilespmem:$0x640] =	vst v8  }
0x11a: {  	v8 =	vld.idx.msk [tilespmem:v55+s23+$0x0], $0xffff;
	_ =	sdelay $0x4  }
0x11b: {  	[tilespmem:$0x650] =	vst v8  }
0x11c: {  	v8 =	vld.idx.msk [tilespmem:v56+s23+$0x0], $0xffff;
	_ =	sdelay $0x4  }
0x11d: {  	[tilespmem:$0x660] =	vst v8  }
0x11e: {  	v8 =	vld.idx.msk [tilespmem:v57+s23+$0x0], $0xffff;
	_ =	sdelay $0x4  }
0x11f: {  	s30 =	simm.s32 $0x280;
	[tilespmem:$0x670] =	vst v8  }
0x120: {  	[tilespmem:s23], [sflag:$0x1] =	stream.indirect.gather [hbm4b:s19+s21], $0x10, s30, s21, $0xb8;
	[tilespmem:$0x15800] =	vst v63  }
0x121: {  	_ =	swait.ge [sflag:s20], $0x800  }
0x122: {  	[sflag:s20] =	ssyncset.done $0x0  }
0x123: {  	[sflag:s20] =	ssyncadd.s32 $0xFFFFF800  }
0x124: {  	v62 =	vld.idx.msk [tilespmem:v0+s23+$0x0], $0xffff;
	_ =	sdelay $0x4  }
0x125: {  	[tilespmem:$0x680] =	vst v62  }
0x126: {  	v8 =	vld.idx.msk [tilespmem:v1+s23+$0x0], $0xffff;
	_ =	sdelay $0x4  }
0x127: {  	[tilespmem:$0x690] =	vst v8  }
0x128: {  	v8 =	vld.idx.msk [tilespmem:v52+s23+$0x0], $0xffff;
	_ =	sdelay $0x4  }
0x129: {  	[tilespmem:$0x6A0] =	vst v8  }
0x12a: {  	v8 =	vld.idx.msk [tilespmem:v53+s23+$0x0], $0xffff;
	_ =	sdelay $0x4  }
0x12b: {  	[tilespmem:$0x6B0] =	vst v8  }
0x12c: {  	v8 =	vld.idx.msk [tilespmem:v54+s23+$0x0], $0xffff;
	_ =	sdelay $0x4  }
0x12d: {  	[tilespmem:$0x6C0] =	vst v8  }
0x12e: {  	v8 =	vld.idx.msk [tilespmem:v55+s23+$0x0], $0xffff;
	_ =	sdelay $0x4  }
0x12f: {  	[tilespmem:$0x6D0] =	vst v8  }
0x130: {  	v8 =	vld.idx.msk [tilespmem:v56+s23+$0x0], $0xffff;
	_ =	sdelay $0x4  }
0x131: {  	[tilespmem:$0x6E0] =	vst v8  }
0x132: {  	v8 =	vld.idx.msk [tilespmem:v57+s23+$0x0], $0xffff;
	_ =	sdelay $0x4  }
0x133: {  	s31 =	simm.s32 $0x300;
	[tilespmem:$0x6F0] =	vst v8  }
0x134: {  	[tilespmem:s23], [sflag:$0x1] =	stream.indirect.gather [hbm4b:s19+s21], $0x10, s31, s21, $0xb8;
	[tilespmem:$0x15800] =	vst v63  }
0x135: {  	_ =	swait.ge [sflag:s20], $0x800  }
0x136: {  	[sflag:s20] =	ssyncset.done $0x0  }
0x137: {  	[sflag:s20] =	ssyncadd.s32 $0xFFFFF800  }
0x138: {  	v63 =	vld.idx.msk [tilespmem:v0+s23+$0x0], $0xffff;
	_ =	sdelay $0x4  }
0x139: {  	[tilespmem:$0x700] =	vst v63  }
0x13a: {  	v8 =	vld.idx.msk [tilespmem:v1+s23+$0x0], $0xffff;
	_ =	sdelay $0x4  }
0x13b: {  	[tilespmem:$0x710] =	vst v8  }
0x13c: {  	v8 =	vld.idx.msk [tilespmem:v52+s23+$0x0], $0xffff;
	_ =	sdelay $0x4  }
0x13d: {  	[tilespmem:$0x720] =	vst v8  }
0x13e: {  	v8 =	vld.idx.msk [tilespmem:v53+s23+$0x0], $0xffff;
	_ =	sdelay $0x4  }
0x13f: {  	[tilespmem:$0x730] =	vst v8  }
0x140: {  	v8 =	vld.idx.msk [tilespmem:v54+s23+$0x0], $0xffff;
	_ =	sdelay $0x4  }
0x141: {  	[tilespmem:$0x740] =	vst v8  }
0x142: {  	v8 =	vld.idx.msk [tilespmem:v55+s23+$0x0], $0xffff;
	_ =	sdelay $0x4  }
0x143: {  	[tilespmem:$0x750] =	vst v8  }
0x144: {  	v8 =	vld.idx.msk [tilespmem:v56+s23+$0x0], $0xffff;
	_ =	sdelay $0x4  }
0x145: {  	[tilespmem:$0x760] =	vst v8  }
0x146: {  	v8 =	vld.idx.msk [tilespmem:v57+s23+$0x0], $0xffff;
	_ =	sdelay $0x4  }
0x147: {  	[tilespmem:$0x770] =	vst v8  }
0x148: {  	[tilespmem:s23], [sflag:$0x1] =	stream.indirect.gather [hbm4b:s19+s21], $0x10, s24, s21, $0xb8;
	[tilespmem:$0x15800] =	vst v63  }
0x149: {  	_ =	swait.ge [sflag:s20], $0x800  }
0x14a: {  	[sflag:s20] =	ssyncset.done $0x0  }
0x14b: {  	[sflag:s20] =	ssyncadd.s32 $0xFFFFF800  }
0x14c: {  	v0 =	vld.idx.msk [tilespmem:v0+s23+$0x0], $0xffff;
	_ =	sdelay $0x4  }
0x14d: {  	[tilespmem:$0x780] =	vst v0  }
0x14e: {  	v0 =	vld.idx.msk [tilespmem:v1+s23+$0x0], $0xffff;
	_ =	sdelay $0x4  }
0x14f: {  	[tilespmem:$0x790] =	vst v0  }
0x150: {  	v0 =	vld.idx.msk [tilespmem:v52+s23+$0x0], $0xffff;
	_ =	sdelay $0x4  }
0x151: {  	[tilespmem:$0x7A0] =	vst v0  }
0x152: {  	v0 =	vld.idx.msk [tilespmem:v53+s23+$0x0], $0xffff;
	_ =	sdelay $0x4  }
0x153: {  	[tilespmem:$0x7B0] =	vst v0  }
0x154: {  	v0 =	vld.idx.msk [tilespmem:v54+s23+$0x0], $0xffff;
	_ =	sdelay $0x4  }
0x155: {  	[tilespmem:$0x7C0] =	vst v0  }
0x156: {  	v0 =	vld.idx.msk [tilespmem:v55+s23+$0x0], $0xffff;
	_ =	sdelay $0x4  }
0x157: {  	[tilespmem:$0x7D0] =	vst v0  }
0x158: {  	v0 =	vld.idx.msk [tilespmem:v56+s23+$0x0], $0xffff;
	_ =	sdelay $0x4  }
0x159: {  	[tilespmem:$0x7E0] =	vst v0  }
0x15a: {  	v0 =	vld.idx.msk [tilespmem:v57+s23+$0x0], $0xffff;
	_ =	sdelay $0x4  }
0x15b: {  	s19 =	simm.s32 $0x3800;
	[tilespmem:$0x7F0] =	vst v0  }
0x15c: {  	[tilespmem:s19], [sflag:$0x1] =	stream.linear.gather [hbm4b:s18+s22], $0x2000, $0x38;
	[tilespmem:$0x15800] =	vst v63  }
0x15d: {  	_ =	swait.ge [sflag:s20], $0x2000  }
0x15e: {  	[sflag:s20] =	ssyncset.done $0x0  }
0x15f: {  	s3 =	simm.s32 $0x400;
	[sflag:s20] =	ssyncadd.s32 $0xFFFFE000  }
0x160: {  	[spmem:s2] =	stream.indirect.scatter.add.f32 [tilespmem:s19], [sflag:$0x1], $0x40, s3, s21, $0xb8;
	[tilespmem:$0x15800] =	vst v63  }
0x161: {  	_ =	swait.ge [sflag:s20], $0x2000  }
0x162: {  	[sflag:s20] =	ssyncset.done $0x0  }
0x163: {  	[sflag:s20] =	ssyncadd.s32 $0xFFFFE000  }
0x164: {  	[tilespmem:s19], [sflag:$0x1] =	stream.linear.gather [hbm4b:s15+s22], $0x2000, $0x38;
	[tilespmem:$0x15800] =	vst v63  }
0x165: {  	_ =	swait.ge [sflag:s20], $0x2000  }
0x166: {  	[sflag:s20] =	ssyncset.done $0x0  }
0x167: {  	s4 =	simm.s32 $0x480;
	[sflag:s20] =	ssyncadd.s32 $0xFFFFE000  }
0x168: {  	[spmem:s2] =	stream.indirect.scatter.add.f32 [tilespmem:s19], [sflag:$0x1], $0x40, s4, s21, $0xb8;
	[tilespmem:$0x15800] =	vst v63  }
0x169: {  	_ =	swait.ge [sflag:s20], $0x2000  }
0x16a: {  	[sflag:s20] =	ssyncset.done $0x0  }
0x16b: {  	[sflag:s20] =	ssyncadd.s32 $0xFFFFE000  }
0x16c: {  	[tilespmem:s19], [sflag:$0x1] =	stream.linear.gather [hbm4b:s16+s22], $0x2000, $0x38;
	[tilespmem:$0x15800] =	vst v63  }
0x16d: {  	_ =	swait.ge [sflag:s20], $0x2000  }
0x16e: {  	[sflag:s20] =	ssyncset.done $0x0  }
0x16f: {  	s23 =	simm.s32 $0x500;
	[sflag:s20] =	ssyncadd.s32 $0xFFFFE000  }
0x170: {  	[spmem:s2] =	stream.indirect.scatter.add.f32 [tilespmem:s19], [sflag:$0x1], $0x40, s23, s21, $0xb8;
	[tilespmem:$0x15800] =	vst v63  }
0x171: {  	_ =	swait.ge [sflag:s20], $0x2000  }
0x172: {  	[sflag:s20] =	ssyncset.done $0x0  }
0x173: {  	[sflag:s20] =	ssyncadd.s32 $0xFFFFE000  }
0x174: {  	[tilespmem:s19], [sflag:$0x1] =	stream.linear.gather [hbm4b:s17+s22], $0x2000, $0x38;
	[tilespmem:$0x15800] =	vst v63  }
0x175: {  	_ =	swait.ge [sflag:s20], $0x2000  }
0x176: {  	[sflag:s20] =	ssyncset.done $0x0  }
0x177: {  	s24 =	simm.s32 $0x580;
	[sflag:s20] =	ssyncadd.s32 $0xFFFFE000  }
0x178: {  	[spmem:s2] =	stream.indirect.scatter.add.f32 [tilespmem:s19], [sflag:$0x1], $0x40, s24, s21, $0xb8;
	[tilespmem:$0x15800] =	vst v63  }
0x179: {  	_ =	swait.ge [sflag:s20], $0x2000  }
0x17a: {  	[sflag:s20] =	ssyncset.done $0x0  }
0x17b: {  	[sflag:s20] =	ssyncadd.s32 $0xFFFFE000  }
0x17c: {  	[tilespmem:s19], [sflag:$0x1] =	stream.linear.gather [hbm4b:s13+s22], $0x2000, $0x38;
	[tilespmem:$0x15800] =	vst v63  }
0x17d: {  	_ =	swait.ge [sflag:s20], $0x2000  }
0x17e: {  	[sflag:s20] =	ssyncset.done $0x0  }
0x17f: {  	s25 =	simm.s32 $0x600;
	[sflag:s20] =	ssyncadd.s32 $0xFFFFE000  }
0x180: {  	[spmem:s2] =	stream.indirect.scatter.add.f32 [tilespmem:s19], [sflag:$0x1], $0x40, s25, s21, $0xb8;
	[tilespmem:$0x15800] =	vst v63  }
0x181: {  	_ =	swait.ge [sflag:s20], $0x2000  }
0x182: {  	[sflag:s20] =	ssyncset.done $0x0  }
0x183: {  	[sflag:s20] =	ssyncadd.s32 $0xFFFFE000  }
0x184: {  	[tilespmem:s19], [sflag:$0x1] =	stream.linear.gather [hbm4b:s14+s22], $0x2000, $0x38;
	[tilespmem:$0x15800] =	vst v63  }
0x185: {  	_ =	swait.ge [sflag:s20], $0x2000  }
0x186: {  	[sflag:s20] =	ssyncset.done $0x0  }
0x187: {  	s26 =	simm.s32 $0x680;
	[sflag:s20] =	ssyncadd.s32 $0xFFFFE000  }
0x188: {  	[spmem:s2] =	stream.indirect.scatter.add.f32 [tilespmem:s19], [sflag:$0x1], $0x40, s26, s21, $0xb8;
	[tilespmem:$0x15800] =	vst v63  }
0x189: {  	_ =	swait.ge [sflag:s20], $0x2000  }
0x18a: {  	[sflag:s20] =	ssyncset.done $0x0  }
0x18b: {  	[sflag:s20] =	ssyncadd.s32 $0xFFFFE000  }
0x18c: {  	[tilespmem:s19], [sflag:$0x1] =	stream.linear.gather [hbm4b:s12+s22], $0x2000, $0x38;
	[tilespmem:$0x15800] =	vst v63  }
0x18d: {  	_ =	swait.ge [sflag:s20], $0x2000  }
0x18e: {  	[sflag:s20] =	ssyncset.done $0x0  }
0x18f: {  	s28 =	simm.s32 $0x700;
	[sflag:s20] =	ssyncadd.s32 $0xFFFFE000  }
0x190: {  	[spmem:s2] =	stream.indirect.scatter.add.f32 [tilespmem:s19], [sflag:$0x1], $0x40, s28, s21, $0xb8;
	[tilespmem:$0x15800] =	vst v63  }
0x191: {  	_ =	swait.ge [sflag:s20], $0x2000  }
0x192: {  	[sflag:s20] =	ssyncset.done $0x0  }
0x193: {  	[sflag:s20] =	ssyncadd.s32 $0xFFFFE000  }
0x194: {  	[tilespmem:s19], [sflag:$0x1] =	stream.linear.gather [hbm4b:s11+s22], $0x2000, $0x38;
	[tilespmem:$0x15800] =	vst v63  }
0x195: {  	_ =	swait.ge [sflag:s20], $0x2000  }
0x196: {  	[sflag:s20] =	ssyncset.done $0x0  }
0x197: {  	s29 =	simm.s32 $0x780;
	[sflag:s20] =	ssyncadd.s32 $0xFFFFE000  }
0x198: {  	[spmem:s2] =	stream.indirect.scatter.add.f32 [tilespmem:s19], [sflag:$0x1], $0x40, s29, s21, $0xb8;
	[tilespmem:$0x15800] =	vst v63  }
0x199: {  	_ =	swait.ge [sflag:s20], $0x2000  }
0x19a: {  	[sflag:s20] =	ssyncset.done $0x0  }
0x19b: {  	[sflag:s20] =	ssyncadd.s32 $0xFFFFE000  }
0x19c: {  	s30 =	simm.s32 $0x1800;
	[bflag:$0x0] =	sbarrier.arrive $0xFFFF  }
0x19d: {  	[tilespmem:s30], [sflag:$0x1] =	stream.indirect.gather [spmem:s2], $0x40, s3, s21, $0xb8;
	[tilespmem:$0x15800] =	vst v63  }
0x19e: {  	_ =	swait.ge [sflag:s20], $0x2000  }
0x19f: {  	[sflag:s20] =	ssyncset.done $0x0  }
0x1a0: {  	[sflag:s20] =	ssyncadd.s32 $0xFFFFE000  }
0x1a1: {  	[hbm4b:s10+s22] =	stream.linear.scatter [tilespmem:s30], [sflag:$0x1], $0x2000, $0x38;
	[tilespmem:$0x15800] =	vst v63  }
0x1a2: {  	_ =	swait.ge [sflag:s20], $0x2000  }
0x1a3: {  	[sflag:s20] =	ssyncset.done $0x0  }
0x1a4: {  	[sflag:s20] =	ssyncadd.s32 $0xFFFFE000  }
0x1a5: {  	[tilespmem:s19], [sflag:$0x1] =	stream.indirect.gather [spmem:s2], $0x40, s4, s21, $0xb8;
	[tilespmem:$0x15800] =	vst v63  }
0x1a6: {  	_ =	swait.ge [sflag:s20], $0x2000  }
0x1a7: {  	[sflag:s20] =	ssyncset.done $0x0  }
0x1a8: {  	[sflag:s20] =	ssyncadd.s32 $0xFFFFE000  }
0x1a9: {  	[hbm4b:s9+s22] =	stream.linear.scatter [tilespmem:s19], [sflag:$0x1], $0x2000, $0x38;
	[tilespmem:$0x15800] =	vst v63  }
0x1aa: {  	_ =	swait.ge [sflag:s20], $0x2000  }
0x1ab: {  	[sflag:s20] =	ssyncset.done $0x0  }
0x1ac: {  	[sflag:s20] =	ssyncadd.s32 $0xFFFFE000  }
0x1ad: {  	[tilespmem:s30], [sflag:$0x1] =	stream.indirect.gather [spmem:s2], $0x40, s23, s21, $0xb8;
	[tilespmem:$0x15800] =	vst v63  }
0x1ae: {  	_ =	swait.ge [sflag:s20], $0x2000  }
0x1af: {  	[sflag:s20] =	ssyncset.done $0x0  }
0x1b0: {  	[sflag:s20] =	ssyncadd.s32 $0xFFFFE000  }
0x1b1: {  	[hbm4b:s6+s22] =	stream.linear.scatter [tilespmem:s30], [sflag:$0x1], $0x2000, $0x38;
	[tilespmem:$0x15800] =	vst v63  }
0x1b2: {  	_ =	swait.ge [sflag:s20], $0x2000  }
0x1b3: {  	[sflag:s20] =	ssyncset.done $0x0  }
0x1b4: {  	[sflag:s20] =	ssyncadd.s32 $0xFFFFE000  }
0x1b5: {  	[tilespmem:s19], [sflag:$0x1] =	stream.indirect.gather [spmem:s2], $0x40, s24, s21, $0xb8;
	[tilespmem:$0x15800] =	vst v63  }
0x1b6: {  	_ =	swait.ge [sflag:s20], $0x2000  }
0x1b7: {  	[sflag:s20] =	ssyncset.done $0x0  }
0x1b8: {  	[sflag:s20] =	ssyncadd.s32 $0xFFFFE000  }
0x1b9: {  	[hbm4b:s7+s22] =	stream.linear.scatter [tilespmem:s19], [sflag:$0x1], $0x2000, $0x38;
	[tilespmem:$0x15800] =	vst v63  }
0x1ba: {  	_ =	swait.ge [sflag:s20], $0x2000  }
0x1bb: {  	[sflag:s20] =	ssyncset.done $0x0  }
0x1bc: {  	[sflag:s20] =	ssyncadd.s32 $0xFFFFE000  }
0x1bd: {  	[tilespmem:s30], [sflag:$0x1] =	stream.indirect.gather [spmem:s2], $0x40, s25, s21, $0xb8;
	[tilespmem:$0x15800] =	vst v63  }
0x1be: {  	_ =	swait.ge [sflag:s20], $0x2000  }
0x1bf: {  	[sflag:s20] =	ssyncset.done $0x0  }
0x1c0: {  	s3 =	rddreg [dreg:$0x6];
	[sflag:s20] =	ssyncadd.s32 $0xFFFFE000  }
0x1c1: {  	[hbm4b:s3+s22] =	stream.linear.scatter [tilespmem:s30], [sflag:$0x1], $0x2000, $0x38;
	[tilespmem:$0x15800] =	vst v63  }
0x1c2: {  	_ =	swait.ge [sflag:s20], $0x2000  }
0x1c3: {  	[sflag:s20] =	ssyncset.done $0x0  }
0x1c4: {  	[sflag:s20] =	ssyncadd.s32 $0xFFFFE000  }
0x1c5: {  	[tilespmem:s19], [sflag:$0x1] =	stream.indirect.gather [spmem:s2], $0x40, s26, s21, $0xb8;
	[tilespmem:$0x15800] =	vst v63  }
0x1c6: {  	_ =	swait.ge [sflag:s20], $0x2000  }
0x1c7: {  	[sflag:s20] =	ssyncset.done $0x0  }
0x1c8: {  	[sflag:s20] =	ssyncadd.s32 $0xFFFFE000  }
0x1c9: {  	[hbm4b:s8+s22] =	stream.linear.scatter [tilespmem:s19], [sflag:$0x1], $0x2000, $0x38;
	[tilespmem:$0x15800] =	vst v63  }
0x1ca: {  	_ =	swait.ge [sflag:s20], $0x2000  }
0x1cb: {  	[sflag:s20] =	ssyncset.done $0x0  }
0x1cc: {  	[sflag:s20] =	ssyncadd.s32 $0xFFFFE000  }
0x1cd: {  	[tilespmem:s30], [sflag:$0x1] =	stream.indirect.gather [spmem:s2], $0x40, s28, s21, $0xb8;
	[tilespmem:$0x15800] =	vst v63  }
0x1ce: {  	_ =	swait.ge [sflag:s20], $0x2000  }
0x1cf: {  	[sflag:s20] =	ssyncset.done $0x0  }
0x1d0: {  	[sflag:s20] =	ssyncadd.s32 $0xFFFFE000  }
0x1d1: {  	[hbm4b:s5+s22] =	stream.linear.scatter [tilespmem:s30], [sflag:$0x1], $0x2000, $0x38;
	[tilespmem:$0x15800] =	vst v63  }
0x1d2: {  	_ =	swait.ge [sflag:s20], $0x2000  }
0x1d3: {  	[sflag:s20] =	ssyncset.done $0x0  }
0x1d4: {  	[sflag:s20] =	ssyncadd.s32 $0xFFFFE000  }
0x1d5: {  	[tilespmem:s19], [sflag:$0x1] =	stream.indirect.gather [spmem:s2], $0x40, s29, s21, $0xb8;
	[tilespmem:$0x15800] =	vst v63  }
0x1d6: {  	_ =	swait.ge [sflag:s20], $0x2000  }
0x1d7: {  	[sflag:s20] =	ssyncset.done $0x0  }
0x1d8: {  	s31 =	rddreg [dreg:$0x5];
	[sflag:s20] =	ssyncadd.s32 $0xFFFFE000  }
0x1d9: {  	[hbm4b:s31+s22] =	stream.linear.scatter [tilespmem:s19], [sflag:$0x1], $0x2000, $0x38;
	[tilespmem:$0x15800] =	vst v63  }
0x1da: {  	_ =	swait.ge [sflag:s20], $0x2000  }
0x1db: {  	[sflag:s20] =	ssyncset.done $0x0  }
0x1dc: {  	[sflag:s20] =	ssyncadd.s32 $0xFFFFE000  }
0x1dd: {  	s6 =	rddreg [dreg:$0x4]  }
.LBB2_20:
0x1de: {  	_ =	sfence.sel $0x180000  }
0x1df: {  	[bflag:$0x0] =	sbarrier.arrive $0xFFFF  }
0x1e0: {  	p0 =	sne.s32 s1, $0x0;
	_ =	strace $0x90000047  }
0x1e1: {  	s0 =	sadd.s32 @!p0 $0x100000, s6;
	[bflag:$0x2] =	sbarrier.arrive $0xFFFF  }
0x1e2: {  	[sflag:s0] =	ssyncadd.tile.s32 @!p0 $0x1;
	_ =	shalt  }
.Lfunc_end2:
_tile_overlayer_lowered:
.L_overlay_start_2:
0x1e3: {  	(tag) =	ssettag $0x2  }
0x1e4: {  	s0 =	rddreg [dreg:$0x0];
	s2 =	stileid.u32  }
0x1e5: {  	s1 =	rddreg [dreg:$0x1];
	p0 =	sne.s32 s2, $0x0  }
0x1e6: {  	s3 =	rddreg [dreg:$0x2];
	[bflag:$0x3] =	sbarrier.arrive $0xFFFF;
	s2 =	simm.s32 @!p0 $0x1C01  }
0x1e7: {  	[timem:s3], [sflag:s2] =	dma.local @!p0 [hbm:s0], s1  }
0x1e8: {  	s0 =	simm.s32 @!p0 $0x1  }
0x1e9: {  	_ =	swait.ge @!p0 [sflag:s0], s1  }
0x1ea: {  	s1 =	ssub.s32 @!p0 $0x0, s1;
	[sflag:s0] =	ssyncset.done @!p0 $0x0  }
0x1eb: {  	[sflag:s0] =	ssyncadd.s32 @!p0 s1  }
0x1ec: {  	[bflag:$0x3] =	sbarrier.arrive $0xFFFF  }
0x1ed: {  	_ =	shalt  }

// kernel: _run.7.cloned.1.call-start
scs
__scs_entry_jumppad:
0x0: {  	(pc) =	sbr.rel $0x88, $3  }
0x1: {  	(tag) =	ssettag $0x0;
	lr =	simm.s32 $0x1  }
0x2: {  	[smem:$0x3F9E] =	sst lr;
	_ =	strace $0xD0000000  }
0x3: {  	_ = 	snop  }
0x4: {  	_ = 	snop  }
0x5: {  	_ = 	snop  }
0x6: {  	_ = 	snop  }
0x7: {  	_ = 	snop  }
__scs_overlays_trampoline_lowered:
0x8: {  	[smem:$0x3FAD] =	sst s0  }
0x9: {  	[smem:$0x3FAE] =	sst s1  }
0xa: {  	[smem:$0x3FAF] =	sst s2  }
0xb: {  	[smem:$0x3FB0] =	sst s3  }
0xc: {  	[smem:$0x3FB1] =	sst s4  }
0xd: {  	[smem:$0x3FB2] =	sst s5  }
0xe: {  	[smem:$0x3FB3] =	sst s6  }
0xf: {  	[smem:$0x3FB4] =	sst s7  }
0x10: {  	[smem:$0x3FB5] =	sst s8  }
0x11: {  	[smem:$0x3FB6] =	sst s9;
	s0 =	simm.s32 @!p0 $0x0  }
0x12: {  	s1 =	sld [smem:$0x3F9C];
	s0 =	simm.s32 @p0 $0x1  }
0x13: {  	[smem:$0x3FB7] =	sst s0;
	s0 =	simm.s32 @!p1 $0x0  }
0x14: {  	s2 =	sld [smem:$0x3F9B];
	s0 =	simm.s32 @p1 $0x1  }
0x15: {  	[smem:$0x3FB8] =	sst s0;
	s0 =	simm.s32 @!p2 $0x0  }
0x16: {  	s3 =	sld [smem:$0x3FDB];
	s0 =	simm.s32 @p2 $0x1  }
0x17: {  	s4 =	simm.s32 $0x1BF5;
	[smem:$0x3FBA] =	sst s0  }
0x18: {  	s0 =	sld [smem:$0x3F9D];
	_ =	swait.ge [sflag:s4], $0x0  }
0x19: {  	s7 =	sld [smem:$0x3F9E]  }
0x1a: {  	s8 =	sadd.s32 $0xFFFFE003, lr  }
0x1b: {  	s9 =	sadd.s32 $0xFFFFFEF7, lr;
	s5 =	simm.s32 $0xFFFFFFFF;
	p2 =	slt.u32 s8, $0xFFFFF086  }
0x1c: {  	p1 =	slt.u32 s9, $0xF7A;
	s5 =	simm.s32 @!p2 $0x0  }
0x1d: {  	s5 =	simm.s32 @p1 $0x1;
	p0 =	seq.s32 s7, s2  }
0x1e: {  	s7 =	smul.u32 @!p0 $0xF7A, s2;
	p2 =	seq.s32 @!p0 s5, $0x0  }
0x1f: {  	s9 =	smul.u32 $0xF7A, s1;
	s8 =	simm.s32 @!p0 $0x1BF5;
	p2 =	por !p2, p0  }
0x20: {  	[sflag:s8] =	ssyncset.s32 @!p0 $0xFFFFF086;
	s6 =	sadd.s32 @!p0 s3, s7;
	s7 =	simm.s32 @!p0 $0x108  }
0x21: {  	s3 =	sadd.s32 s3, s9;
	s6 =	sadd.s32 @!p0 $0x88, s6;
	s7 =	simm.s32 @p2 $0x1082  }
0x22: {  	[simem:s7], [sflag:s8] =	dma.local @!p0 [hbm:s6], $0xF7A  }
0x23: {  	s9 =	sor.u32 $0xD0000000, s2;
	s6 =	simm.s32 $0x108;
	_ =	swait.ge @!p0 [sflag:s8], $0x0  }
0x24: {  	s3 =	sadd.s32 $0x88, s3;
	s6 =	simm.s32 @!p1 $0x1082;
	[sflag:s4] =	ssyncset.s32 $0xFFFFF086  }
0x25: {  	[simem:s6], [sflag:s4] =	dma.local [hbm:s3], $0xF7A  }
0x26: {  	[smem:$0x3F9E] =	sst s1;
	(tag) =	ssettag s2;
	_ =	strace s9  }
0x27: {  	s1 =	sld [smem:$0x3FAE]  }
0x28: {  	s2 =	sld [smem:$0x3FAF]  }
0x29: {  	s4 =	sld [smem:$0x3FB1]  }
0x2a: {  	p0 =	seq.s32 s5, $0x0;
	s5 =	sld [smem:$0x3FB2]  }
0x2b: {  	s6 =	sld [smem:$0x3FB3]  }
0x2c: {  	s7 =	sld [smem:$0x3FB4]  }
0x2d: {  	s3 =	simm.s32 $0x108;
	s8 =	sld [smem:$0x3FB5]  }
0x2e: {  	s3 =	simm.s32 @!p0 $0x1082;
	s9 =	sld [smem:$0x3FB6]  }
0x2f: {  	lr =	sadd.s32 s0, s3;
	s0 =	sld [smem:$0x3FAD]  }
0x30: {  	s3 =	sld [smem:$0x3FB0]  }
0x31: {  	[smem:$0x3FB9] =	sst s10  }
0x32: {  	s10 =	sld [smem:$0x3FB7];
	_ =	sdelay $0x3  }
0x33: {  	p0 =	seq.s32 s10, $0x1;
	s10 =	sld [smem:$0x3FB9];
	_ =	sdelay $0x3  }
0x34: {  	[smem:$0x3FB9] =	sst s10  }
0x35: {  	s10 =	sld [smem:$0x3FB8];
	_ =	sdelay $0x3  }
0x36: {  	p1 =	seq.s32 s10, $0x1;
	s10 =	sld [smem:$0x3FB9];
	_ =	sdelay $0x3  }
0x37: {  	[smem:$0x3FB9] =	sst s10  }
0x38: {  	s10 =	sld [smem:$0x3FBA]  }
0x39: {  	_ = 	snop;
	(pc) =	sbr.ind lr, $3  }
0x3a: {  	_ = 	snop  }
0x3b: {  	_ = 	snop  }
0x3c: {  	p2 =	seq.s32 s10, $0x1;
	s10 =	sld [smem:$0x3FB9]  }
0x3d: {  	_ =	shalt  }
0x3e: {  	_ =	shalt  }
0x3f: {  	_ =	shalt  }
0x40: {  	_ =	shalt  }
0x41: {  	_ =	shalt  }
0x42: {  	_ =	shalt  }
0x43: {  	_ =	shalt  }
0x44: {  	_ =	shalt  }
0x45: {  	_ =	shalt  }
0x46: {  	_ =	shalt  }
0x47: {  	_ =	shalt  }
0x48: {  	_ =	shalt  }
0x49: {  	_ =	shalt  }
0x4a: {  	_ =	shalt  }
0x4b: {  	_ =	shalt  }
0x4c: {  	_ =	shalt  }
0x4d: {  	_ =	shalt  }
0x4e: {  	_ =	shalt  }
0x4f: {  	_ =	shalt  }
0x50: {  	_ =	shalt  }
0x51: {  	_ =	shalt  }
0x52: {  	_ =	shalt  }
0x53: {  	_ =	shalt  }
0x54: {  	_ =	shalt  }
0x55: {  	_ =	shalt  }
0x56: {  	_ =	shalt  }
0x57: {  	_ =	shalt  }
0x58: {  	_ =	shalt  }
0x59: {  	_ =	shalt  }
0x5a: {  	_ =	shalt  }
0x5b: {  	_ =	shalt  }
0x5c: {  	_ =	shalt  }
0x5d: {  	_ =	shalt  }
0x5e: {  	_ =	shalt  }
0x5f: {  	_ =	shalt  }
0x60: {  	_ =	shalt  }
0x61: {  	_ =	shalt  }
0x62: {  	_ =	shalt  }
0x63: {  	_ =	shalt  }
0x64: {  	_ =	shalt  }
0x65: {  	_ =	shalt  }
0x66: {  	_ =	shalt  }
0x67: {  	_ =	shalt  }
0x68: {  	_ =	shalt  }
0x69: {  	_ =	shalt  }
0x6a: {  	_ =	shalt  }
0x6b: {  	_ =	shalt  }
0x6c: {  	_ =	shalt  }
0x6d: {  	_ =	shalt  }
0x6e: {  	_ =	shalt  }
0x6f: {  	_ =	shalt  }
0x70: {  	_ =	shalt  }
0x71: {  	_ =	shalt  }
0x72: {  	_ =	shalt  }
0x73: {  	_ =	shalt  }
0x74: {  	_ =	shalt  }
0x75: {  	_ =	shalt  }
0x76: {  	_ =	shalt  }
0x77: {  	_ =	shalt  }
0x78: {  	_ =	shalt  }
0x79: {  	_ =	shalt  }
0x7a: {  	_ =	shalt  }
0x7b: {  	_ =	shalt  }
0x7c: {  	_ =	shalt  }
0x7d: {  	_ =	shalt  }
0x7e: {  	_ =	shalt  }
0x7f: {  	_ =	shalt  }
0x80: {  	_ =	shalt  }
0x81: {  	_ =	shalt  }
0x82: {  	_ =	shalt  }
0x83: {  	_ =	shalt  }
0x84: {  	_ =	shalt  }
0x85: {  	_ =	shalt  }
0x86: {  	_ =	shalt  }
0x87: {  	_ =	shalt  }
.Lfunc_end0:
.L_simem_size_0:
called_computation.1_lowered:
.L_overlay_start_0:
0x88: {  	s2 =	sld [smem:$0x3FD9]  }
0x89: {  	s3 =	sld [smem:$0x3FFE];
	_ =	sdelay $0x1  }
0x8a: {  	s1 =	srdreg.scid  }
0x8b: {  	s0 =	sand.u32 $0x1, s1  }
0x8c: {  	s17 =	sshll.u32 s0, $0xA;
	s2 =	sadd.s32 s3, s2  }
0x8d: {  	s2 =	sadd.s32 s2, s17  }
0x8e: {  	[smem:$0x3FC5] =	sst s2  }
0x8f: {  	_ = 	snop  }
0x90: {  	s2 =	sld [smem:$0x3FC8]  }
0x91: {  	s18 =	sld [smem:$0x3FD0];
	(tm) =	ssettm $0x1  }
0x92: {  	s4 =	sld [smem:$0x3FFB];
	_ =	sdelay $0x3  }
0x93: {  	_ =	strace s4  }
0x94: {  	s4 =	sld [smem:$0x3FFC];
	_ =	sdelay $0x3  }
0x95: {  	_ =	strace s4  }
0x96: {  	s4 =	sld [smem:$0x3FFD];
	_ =	sdelay $0x3  }
0x97: {  	_ =	strace s4  }
0x98: {  	_ =	strace $0x8FFFFFFF  }
0x99: {  	s19 =	sld [smem:$0x3FDB];
	_ =	sdelay $0x1  }
0x9a: {  	s5 =	simm.s32 $_scs_section_size  }
0x9b: {  	s6 =	simm.s32 $_size__tile_overlayer_lowered;
	s7 =	simm.s32 $_tile_overlayer_lowered  }
0x9c: {  	s22 =	simm.s32 $0x1BFF;
	s21 =	sshll.u32 s7, $0x1;
	s4 =	sadd.s32 s5, s19  }
0x9d: {  	s8 =	simm.s32 $0x0;
	s20 =	sshll.u32 s6, $0x1;
	s6 =	sadd.s32 s21, s4  }
0x9e: {  	[timem:s8], [sflag:s22] =	dma.local [hbm:s6], s20  }
0x9f: {  	_ =	swait.ge [sflag:s22], s20  }
0xa0: {  	s5 =	ssub.s32 $0x0, s20;
	[sflag:s22] =	ssyncset.done $0x0  }
0xa1: {  	[sflag:s22] =	ssyncadd.s32 s5;
	_ =	sdelay $0x1  }
0xa2: {  	s23 =	simm.s32 $0x1B8B  }
0xa3: {  	_ =	swait.ge [sflag:s23], $0x1  }
0xa4: {  	[sflag:s23] =	ssyncset.done $0x0  }
0xa5: {  	s25 =	simm.s32 $0x1B8E;
	s24 =	sld [smem:$0x3FFE];
	[sflag:s23] =	ssyncadd.s32 $0xFFFFFFFF  }
0xa6: {  	s26 =	simm.s32 $execute0_lowered;
	[smem:$0x3FD2] =	sst s25  }
0xa7: {  	s6 =	sshll.u32 s26, $0x1;
	_ =	strace $0x80000049;
	[dreg:$0x1] =	wrdreg $0xFFFFFFFF  }
0xa8: {  	s28 =	simm.s32 $_size_execute0_lowered;
	s4 =	sadd.s32 s4, s6;
	[dreg:$0x0] =	wrdreg $0x0  }
0xa9: {  	s6 =	sshll.u32 s28, $0x1;
	[dreg:$0x2] =	wrdreg s4  }
0xaa: {  	[dreg:$0x3] =	wrdreg s6  }
0xab: {  	[dreg:$0x4] =	wrdreg $0xC0  }
0xac: {  	_ =	task [dreg:s8], $0x5FFFF  }
0xad: {  	[dreg:$0x1] =	wrdreg $0xFFFFFFFF  }
0xae: {  	[dreg:$0x0] =	wrdreg $0x60  }
0xaf: {  	[dreg:$0x2] =	wrdreg s24  }
0xb0: {  	[dreg:$0x3] =	wrdreg s2  }
0xb1: {  	[dreg:$0x4] =	wrdreg s18  }
0xb2: {  	[dreg:$0x5] =	wrdreg $0x9  }
0xb3: {  	_ =	task.clear_ibuf [dreg:s8], $0x6FFFF;
	_ =	strace $0x90000049  }
0xb4: {  	s29 =	simm.s32 $0x9;
	_ =	strace $0x8000004B  }
0xb5: {  	_ =	swait.ge [sflag:s29], $0x1  }
0xb6: {  	[sflag:s29] =	ssyncadd.s32 $0xFFFFFFFF  }
0xb7: {  	_ =	strace $0x9000004B  }
0xb8: {  	_ =	sfence  }
0xb9: {  	s30 =	sld [smem:$0x0];
	_ =	sdelay $0x2  }
0xba: {  	s31 =	sshll.u32 s1, $0xD;
	s1 =	sshrl.u32 s1, $0x2  }
0xbb: {  	s3 =	sand.u32 $0x4000, s31;
	s1 =	sadd.s32 s1, s30  }
0xbc: {  	s0 =	sor.u32 s3, s0;
	s1 =	sshll.u32 s1, $0x11  }
0xbd: {  	s0 =	sor.u32 s1, s0  }
0xbe: {  	s0 =	sadd.s32 $0x8F2B, s0  }
0xbf: {  	[sflag:s0] =	ssyncadd.remote.s32 $0x1  }
0xc0: {  	_ =	sfence.sel $0xFFFF  }
0xc1: {  	[dreg:$0x0] =	wrdreg $0xFFFFFFFF;
	(pc) =	sbr.abs _section_cstart, $3  }
0xc2: {  	[dreg:$0x1] =	wrdreg $0xFFFFFFFF  }
0xc3: {  	_ =	task.clear_ibuf [dreg:s8], $0x2FFFF;
	_ =	strace $0x9FFFFFFF  }
0xc4: {  	(tm) =	ssettm $0x7FFFFFFF  }
0xc5: {  	_ =	shalt  }
tec
execute0_lowered:
.L_overlay_start_1:
0x0: {  	(tag) =	ssettag $0x1  }
0x1: {  	s0 =	rddreg [dreg:$0x0]  }
0x2: {  	s7 =	rddreg [dreg:$0x1]  }
0x3: {  	s15 =	rddreg [dreg:$0x2]  }
0x4: {  	s2 =	simm.s32 $0x0;
	s3 =	srdreg.scid;
	s1 =	stileid.u32  }
0x5: {  	s18 =	simm.s32 $0x80;
	s19 =	simm.s32 $0x100;
	s20 =	simm.s32 $0x180  }
0x6: {  	s21 =	simm.s32 $0x200;
	s22 =	simm.s32 $0x4200;
	s28 =	simm.s32 $0x2  }
0x7: {  	s29 =	simm.s32 $0x4;
	s30 =	simm.s32 $0x0;
	[smem:$0x7FF] =	sst s2  }
0x8: {  	s3 =	sand.u32 $0x1, s3;
	s5 =	sshll.u32 s1, $0xA;
	_ =	strace $0x8000004A  }
0x9: {  	s4 =	ssub.s32 $0x2, s3;
	s6 =	sshll.u32 s3, $0x9;
	s3 =	sadd.s32 $0x114B600, s0  }
0xa: {  	s0 =	sadd.s32 $0x1E9200, s0;
	s8 =	sshrl.u32 s4, $0x1;
	s9 =	sor.u32 s6, s5  }
0xb: {  	s16 =	ssub.s32 s4, s8;
	s23 =	sshrl.u32 s9, $0x3;
	s24 =	sor.u32 $0x80, s9  }
0xc: {  	s10 =	sor.u32 $0x100, s9;
	s12 =	sor.u32 $0x180, s9;
	s31 =	sshll.u32 s9, $0x3  }
0xd: {  	s4 =	sadd.s32 s7, s23;
	s25 =	sshrl.u32 s24, $0x3;
	s26 =	sshrl.u32 s10, $0x3  }
0xe: {  	s11 =	sshrl.u32 s12, $0x3;
	s13 =	sshll.u32 s24, $0x3;
	s8 =	sadd.s32 s0, s31  }
0xf: {  	s14 =	sshll.u32 s10, $0x3;
	s10 =	sadd.s32 s15, s31;
	s17 =	sshll.u32 s12, $0x3  }
0x10: {  	s16 =	smax.u32 s16, $0x1;
	s23 =	simm.s32 $0x1;
	s24 =	simm.s32 $0x3  }
0x11: {  	s5 =	sadd.s32 s7, s25;
	s6 =	sadd.s32 s7, s26;
	s7 =	sadd.s32 s7, s11  }
0x12: {  	s9 =	sadd.s32 s0, s13;
	s11 =	sadd.s32 s0, s14;
	s12 =	sadd.s32 s15, s13  }
0x13: {  	s13 =	sadd.s32 s0, s17;
	s14 =	sadd.s32 s15, s14;
	s15 =	sadd.s32 s15, s17  }
0x14: {  	s17 =	simm.s32 $0x5;
	s25 =	simm.s32 $0x2200;
	s26 =	simm.s32 $0x6200  }
.LBB2_1:
0x15: {  	[tilespmem:s2], [sflag:$0x5] =	stream.linear.gather [hbm4b:s4+s2], $0x80, $0x38;
	[tilespmem:$0x8200] =	vst v63  }
0x16: {  	_ =	swait.ge [sflag:s17], $0x80  }
0x17: {  	[sflag:s17] =	ssyncset.done $0x0  }
0x18: {  	[sflag:s17] =	ssyncadd.s32 $0xFFFFFF80  }
0x19: {  	[tilespmem:s18], [sflag:$0x5] =	stream.linear.gather [hbm4b:s5+s2], $0x80, $0x38;
	[tilespmem:$0x8200] =	vst v63  }
0x1a: {  	_ =	swait.ge [sflag:s17], $0x80  }
0x1b: {  	[sflag:s17] =	ssyncset.done $0x0  }
0x1c: {  	[sflag:s17] =	ssyncadd.s32 $0xFFFFFF80  }
0x1d: {  	[tilespmem:s19], [sflag:$0x5] =	stream.linear.gather [hbm4b:s6+s2], $0x80, $0x38;
	[tilespmem:$0x8200] =	vst v63  }
0x1e: {  	_ =	swait.ge [sflag:s17], $0x80  }
0x1f: {  	[sflag:s17] =	ssyncset.done $0x0  }
0x20: {  	[sflag:s17] =	ssyncadd.s32 $0xFFFFFF80  }
0x21: {  	[tilespmem:s20], [sflag:$0x5] =	stream.linear.gather [hbm4b:s7+s2], $0x80, $0x38;
	[tilespmem:$0x8200] =	vst v63  }
0x22: {  	_ =	swait.ge [sflag:s17], $0x80  }
0x23: {  	[sflag:s17] =	ssyncset.done $0x0  }
0x24: {  	[sflag:s17] =	ssyncadd.s32 $0xFFFFFF80  }
0x25: {  	[tilespmem:s21], [sflag:$0x1] =	stream.indirect.gather [hbm4b:s3+s18], $0x40, s2, s18, $0xb8;
	[tilespmem:$0x8200] =	vst v63  }
0x26: {  	_ = 	snop  }
0x27: {  	[tilespmem:s22], [sflag:$0x3] =	stream.linear.gather [hbm4b:s8+s2], $0x2000, $0x38;
	[tilespmem:$0x8200] =	vst v63  }
0x28: {  	_ =	swait.ge [sflag:s23], $0x2000  }
0x29: {  	[sflag:s23] =	ssyncset.done $0x0  }
0x2a: {  	[sflag:s23] =	ssyncadd.s32 $0xFFFFE000  }
0x2b: {  	_ =	swait.ge [sflag:s24], $0x2000  }
0x2c: {  	[sflag:s24] =	ssyncset.done $0x0  }
0x2d: {  	[sflag:s24] =	ssyncadd.s32 $0xFFFFE000  }
0x2e: {  	[tilespmem:s25], [sflag:$0x2] =	stream.indirect.gather [hbm4b:s3+s18], $0x40, s18, s18, $0xb8;
	[tilespmem:$0x8200] =	vst v63  }
0x2f: {  	s31 =	simm.s32 $0x0  }
0x30: {  	[tilespmem:s26], [sflag:$0x4] =	stream.linear.gather [hbm4b:s9+s2], $0x2000, $0x38;
	[tilespmem:$0x8200] =	vst v63  }
0x31: {  	v0 =	vld [tilespmem:s31+$0x4200]  }
0x32: {  	v1 =	vld [tilespmem:s31+$0x4210]  }
0x33: {  	v2 =	vld [tilespmem:s31+$0x4220]  }
0x34: {  	v3 =	vld [tilespmem:s31+$0x4230]  }
0x35: {  	v4 =	vld [tilespmem:s31+$0x200]  }
0x36: {  	v6 =	vld [tilespmem:s31+$0x210]  }
0x37: {  	s0 =	simm.s32 $0x100;
	v5 =	vld [tilespmem:s31+$0x220]  }
.LBB2_2:
0x38: {  	p0 =	sne.s32 s0, $0x7F00;
	v7 =	vld [tilespmem:s31+$0x230];
	_ =	sdelay $0x1  }
0x39: {  	v0 =	vadd.f32 v0, v4  }
0x3a: {  	v1 =	vadd.f32 v1, v6  }
0x3b: {  	v0 =	vadd.f32 v0, v0;
	v2 =	vadd.f32 v2, v5  }
0x3c: {  	v1 =	vadd.f32 v1, v1;
	v3 =	vadd.f32 v3, v7  }
0x3d: {  	v0 =	vmul.f32 $1.442695020e+00, v0;
	v2 =	vadd.f32 v2, v2  }
0x3e: {  	v1 =	vmul.f32 $1.442695020e+00, v1;
	v3 =	vadd.f32 v3, v3  }
0x3f: {  	v2 =	vmul.f32 $1.442695020e+00, v2;
	(erf) = vpow2.f32 v0  }
0x40: {  	v0 =	vmul.f32 $1.442695020e+00, v3;
	(erf) = vpow2.f32 v1  }
0x41: {  	(erf) = vpow2.f32 v2  }
0x42: {  	(erf) = vpow2.f32 v0;
	_ =	sdelay $0x5  }
0x43: {  	v0 =	vpop (erf)  }
0x44: {  	v3 =	vadd.f32 $1.000000000e+00, v0;
	v1 =	vpop (erf)  }
0x45: {  	v1 =	vadd.f32 $1.000000000e+00, v1;
	v2 =	vpop (erf)  }
0x46: {  	v2 =	vadd.f32 $1.000000000e+00, v2;
	(erf) = vrcp.f32 v3;
	v0 =	vpop (erf)  }
0x47: {  	v0 =	vadd.f32 $1.000000000e+00, v0;
	(erf) = vrcp.f32 v1  }
0x48: {  	(erf) = vrcp.f32 v2  }
0x49: {  	(erf) = vrcp.f32 v0;
	_ =	sdelay $0x5  }
0x4a: {  	v0 =	vpop (erf)  }
0x4b: {  	s1 =	sshra.s32 s0, $0x2;
	v2 =	vadd.f32 v0, v0;
	v1 =	vpop (erf)  }
0x4c: {  	v0 =	vld [tilespmem:s1+$0x4200];
	v3 =	vadd.f32 v1, v1;
	v4 =	vpop (erf)  }
0x4d: {  	v1 =	vld [tilespmem:s1+$0x4210];
	v5 =	vsub.f32 $1.000000000e+00, v2;
	v4 =	vadd.f32 v4, v4;
	v6 =	vpop (erf)  }
.Ltmp0:
0x4e: {  	v2 =	vld [tilespmem:s1+$0x4220];
	v7 =	vsub.f32 $1.000000000e+00, v3;
	v6 =	vadd.f32 v6, v6;
	(pc) =	sbr.rel @p0 .LBB2_2-.Ltmp0, $4  }
0x4f: {  	v3 =	vld [tilespmem:s1+$0x4230];
	[tilespmem:s31+$0x200] =	vst v5;
	v5 =	vsub.f32 $1.000000000e+00, v4  }
0x50: {  	v4 =	vld [tilespmem:s1+$0x200];
	[tilespmem:s31+$0x210] =	vst v7;
	v7 =	vsub.f32 $1.000000000e+00, v6  }
0x51: {  	v6 =	vld [tilespmem:s1+$0x210];
	[tilespmem:s31+$0x220] =	vst v5  }
0x52: {  	s0 =	sadd.s32 $0x100, s0;
	v5 =	vld [tilespmem:s1+$0x220];
	[tilespmem:s31+$0x230] =	vst v7;
	s31 =	smov.u32 s1  }
0x53: {  	_ =	sdelay $0x1  }
0x54: {  	v7 =	vld [tilespmem:s31+$0x230];
	v0 =	vadd.f32 v0, v4;
	_ =	sdelay $0x1  }
0x55: {  	v0 =	vadd.f32 v0, v0  }
0x56: {  	v1 =	vadd.f32 v1, v6  }
0x57: {  	v2 =	vadd.f32 v2, v5;
	v0 =	vmul.f32 $1.442695020e+00, v0  }
0x58: {  	v1 =	vadd.f32 v1, v1;
	v3 =	vadd.f32 v3, v7  }
0x59: {  	v2 =	vadd.f32 v2, v2;
	(erf) = vpow2.f32 v0  }
0x5a: {  	v1 =	vmul.f32 $1.442695020e+00, v1;
	v3 =	vadd.f32 v3, v3  }
0x5b: {  	v2 =	vmul.f32 $1.442695020e+00, v2  }
0x5c: {  	v0 =	vmul.f32 $1.442695020e+00, v3;
	(erf) = vpow2.f32 v1  }
0x5d: {  	(erf) = vpow2.f32 v2  }
0x5e: {  	(erf) = vpow2.f32 v0;
	_ =	sdelay $0x3  }
0x5f: {  	v0 =	vpop (erf)  }
0x60: {  	v0 =	vadd.f32 $1.000000000e+00, v0;
	_ =	sdelay $0x1  }
0x61: {  	v1 =	vpop (erf)  }
0x62: {  	v1 =	vadd.f32 $1.000000000e+00, v1;
	v2 =	vpop (erf)  }
0x63: {  	v2 =	vadd.f32 $1.000000000e+00, v2;
	(erf) = vrcp.f32 v0;
	v0 =	vpop (erf)  }
0x64: {  	(erf) = vrcp.f32 v1;
	v0 =	vadd.f32 $1.000000000e+00, v0  }
0x65: {  	(erf) = vrcp.f32 v2  }
0x66: {  	(erf) = vrcp.f32 v0;
	_ =	sdelay $0x5  }
0x67: {  	v0 =	vpop (erf)  }
0x68: {  	v0 =	vadd.f32 v0, v0;
	v1 =	vpop (erf)  }
0x69: {  	v1 =	vadd.f32 v1, v1;
	v2 =	vpop (erf)  }
0x6a: {  	v0 =	vsub.f32 $1.000000000e+00, v0;
	v2 =	vadd.f32 v2, v2;
	v3 =	vpop (erf)  }
0x6b: {  	v1 =	vsub.f32 $1.000000000e+00, v1;
	v3 =	vadd.f32 v3, v3  }
0x6c: {  	[tilespmem:s31+$0x200] =	vst v0;
	v0 =	vsub.f32 $1.000000000e+00, v2  }
0x6d: {  	[tilespmem:s31+$0x210] =	vst v1;
	v1 =	vsub.f32 $1.000000000e+00, v3  }
0x6e: {  	[tilespmem:s31+$0x220] =	vst v0  }
0x6f: {  	s0 =	simm.s32 $0x0;
	[tilespmem:s31+$0x230] =	vst v1  }
0x70: {  	[hbm4b:s10+s0] =	stream.linear.scatter [tilespmem:s21], [sflag:$0x5], $0x2000, $0x38;
	[tilespmem:$0x8200] =	vst v63  }
0x71: {  	_ =	swait.ge [sflag:s17], $0x2000  }
0x72: {  	[sflag:s17] =	ssyncset.done $0x0  }
0x73: {  	[sflag:s17] =	ssyncadd.s32 $0xFFFFE000  }
0x74: {  	_ =	swait.ge [sflag:s28], $0x2000  }
0x75: {  	[sflag:s28] =	ssyncset.done $0x0  }
0x76: {  	[sflag:s28] =	ssyncadd.s32 $0xFFFFE000  }
0x77: {  	_ =	swait.ge [sflag:s29], $0x2000  }
0x78: {  	[sflag:s29] =	ssyncset.done $0x0  }
0x79: {  	[sflag:s29] =	ssyncadd.s32 $0xFFFFE000  }
0x7a: {  	[tilespmem:s21], [sflag:$0x1] =	stream.indirect.gather [hbm4b:s3+s18], $0x40, s19, s18, $0xb8;
	[tilespmem:$0x8200] =	vst v63  }
0x7b: {  	s31 =	simm.s32 $0x0  }
0x7c: {  	[tilespmem:s22], [sflag:$0x3] =	stream.linear.gather [hbm4b:s11+s0], $0x2000, $0x38;
	[tilespmem:$0x8200] =	vst v63  }
0x7d: {  	v0 =	vld [tilespmem:s31+$0x6200]  }
0x7e: {  	v1 =	vld [tilespmem:s31+$0x6210]  }
0x7f: {  	v2 =	vld [tilespmem:s31+$0x6220]  }
0x80: {  	v3 =	vld [tilespmem:s31+$0x6230]  }
0x81: {  	v4 =	vld [tilespmem:s31+$0x2200]  }
0x82: {  	v6 =	vld [tilespmem:s31+$0x2210]  }
0x83: {  	s0 =	simm.s32 $0x100;
	v5 =	vld [tilespmem:s31+$0x2220]  }
.LBB2_4:
0x84: {  	p0 =	sne.s32 s0, $0x7F00;
	v7 =	vld [tilespmem:s31+$0x2230];
	_ =	sdelay $0x1  }
0x85: {  	v0 =	vadd.f32 v0, v4  }
0x86: {  	v1 =	vadd.f32 v1, v6  }
0x87: {  	v0 =	vadd.f32 v0, v0;
	v2 =	vadd.f32 v2, v5  }
0x88: {  	v1 =	vadd.f32 v1, v1;
	v3 =	vadd.f32 v3, v7  }
0x89: {  	v0 =	vmul.f32 $1.442695020e+00, v0;
	v2 =	vadd.f32 v2, v2  }
0x8a: {  	v1 =	vmul.f32 $1.442695020e+00, v1;
	v3 =	vadd.f32 v3, v3  }
0x8b: {  	v2 =	vmul.f32 $1.442695020e+00, v2;
	(erf) = vpow2.f32 v0  }
0x8c: {  	v0 =	vmul.f32 $1.442695020e+00, v3;
	(erf) = vpow2.f32 v1  }
0x8d: {  	(erf) = vpow2.f32 v2  }
0x8e: {  	(erf) = vpow2.f32 v0;
	_ =	sdelay $0x5  }
0x8f: {  	v0 =	vpop (erf)  }
0x90: {  	v3 =	vadd.f32 $1.000000000e+00, v0;
	v1 =	vpop (erf)  }
0x91: {  	v1 =	vadd.f32 $1.000000000e+00, v1;
	v2 =	vpop (erf)  }
0x92: {  	v2 =	vadd.f32 $1.000000000e+00, v2;
	(erf) = vrcp.f32 v3;
	v0 =	vpop (erf)  }
0x93: {  	v0 =	vadd.f32 $1.000000000e+00, v0;
	(erf) = vrcp.f32 v1  }
0x94: {  	(erf) = vrcp.f32 v2  }
0x95: {  	(erf) = vrcp.f32 v0;
	_ =	sdelay $0x5  }
0x96: {  	v0 =	vpop (erf)  }
0x97: {  	s1 =	sshra.s32 s0, $0x2;
	v2 =	vadd.f32 v0, v0;
	v1 =	vpop (erf)  }
0x98: {  	v0 =	vld [tilespmem:s1+$0x6200];
	v3 =	vadd.f32 v1, v1;
	v4 =	vpop (erf)  }
0x99: {  	v1 =	vld [tilespmem:s1+$0x6210];
	v5 =	vsub.f32 $1.000000000e+00, v2;
	v4 =	vadd.f32 v4, v4;
	v6 =	vpop (erf)  }
.Ltmp1:
0x9a: {  	v2 =	vld [tilespmem:s1+$0x6220];
	v7 =	vsub.f32 $1.000000000e+00, v3;
	v6 =	vadd.f32 v6, v6;
	(pc) =	sbr.rel @p0 .LBB2_4-.Ltmp1, $4  }
0x9b: {  	v3 =	vld [tilespmem:s1+$0x6230];
	[tilespmem:s31+$0x2200] =	vst v5;
	v5 =	vsub.f32 $1.000000000e+00, v4  }
0x9c: {  	v4 =	vld [tilespmem:s1+$0x2200];
	[tilespmem:s31+$0x2210] =	vst v7;
	v7 =	vsub.f32 $1.000000000e+00, v6  }
0x9d: {  	v6 =	vld [tilespmem:s1+$0x2210];
	[tilespmem:s31+$0x2220] =	vst v5  }
0x9e: {  	s0 =	sadd.s32 $0x100, s0;
	v5 =	vld [tilespmem:s1+$0x2220];
	[tilespmem:s31+$0x2230] =	vst v7;
	s31 =	smov.u32 s1  }
0x9f: {  	_ =	sdelay $0x1  }
0xa0: {  	v7 =	vld [tilespmem:s31+$0x2230];
	v0 =	vadd.f32 v0, v4;
	_ =	sdelay $0x1  }
0xa1: {  	v0 =	vadd.f32 v0, v0  }
0xa2: {  	v1 =	vadd.f32 v1, v6  }
0xa3: {  	v2 =	vadd.f32 v2, v5;
	v0 =	vmul.f32 $1.442695020e+00, v0  }
0xa4: {  	v1 =	vadd.f32 v1, v1;
	v3 =	vadd.f32 v3, v7  }
0xa5: {  	v2 =	vadd.f32 v2, v2;
	(erf) = vpow2.f32 v0  }
0xa6: {  	v1 =	vmul.f32 $1.442695020e+00, v1;
	v3 =	vadd.f32 v3, v3  }
0xa7: {  	v2 =	vmul.f32 $1.442695020e+00, v2  }
0xa8: {  	v0 =	vmul.f32 $1.442695020e+00, v3;
	(erf) = vpow2.f32 v1  }
0xa9: {  	(erf) = vpow2.f32 v2  }
0xaa: {  	(erf) = vpow2.f32 v0;
	_ =	sdelay $0x3  }
0xab: {  	v0 =	vpop (erf)  }
0xac: {  	v0 =	vadd.f32 $1.000000000e+00, v0;
	_ =	sdelay $0x1  }
0xad: {  	v1 =	vpop (erf)  }
0xae: {  	v1 =	vadd.f32 $1.000000000e+00, v1;
	v2 =	vpop (erf)  }
0xaf: {  	v2 =	vadd.f32 $1.000000000e+00, v2;
	(erf) = vrcp.f32 v0;
	v0 =	vpop (erf)  }
0xb0: {  	(erf) = vrcp.f32 v1;
	v0 =	vadd.f32 $1.000000000e+00, v0  }
0xb1: {  	(erf) = vrcp.f32 v2  }
0xb2: {  	(erf) = vrcp.f32 v0;
	_ =	sdelay $0x5  }
0xb3: {  	v0 =	vpop (erf)  }
0xb4: {  	v0 =	vadd.f32 v0, v0;
	v1 =	vpop (erf)  }
0xb5: {  	v1 =	vadd.f32 v1, v1;
	v2 =	vpop (erf)  }
0xb6: {  	v0 =	vsub.f32 $1.000000000e+00, v0;
	v2 =	vadd.f32 v2, v2;
	v3 =	vpop (erf)  }
0xb7: {  	v1 =	vsub.f32 $1.000000000e+00, v1;
	v3 =	vadd.f32 v3, v3  }
0xb8: {  	[tilespmem:s31+$0x2200] =	vst v0;
	v0 =	vsub.f32 $1.000000000e+00, v2  }
0xb9: {  	[tilespmem:s31+$0x2210] =	vst v1;
	v1 =	vsub.f32 $1.000000000e+00, v3  }
0xba: {  	[tilespmem:s31+$0x2220] =	vst v0  }
0xbb: {  	s0 =	simm.s32 $0x0;
	[tilespmem:s31+$0x2230] =	vst v1  }
0xbc: {  	[hbm4b:s12+s0] =	stream.linear.scatter [tilespmem:s25], [sflag:$0x5], $0x2000, $0x38;
	[tilespmem:$0x8200] =	vst v63  }
0xbd: {  	_ =	swait.ge [sflag:s17], $0x2000  }
0xbe: {  	[sflag:s17] =	ssyncset.done $0x0  }
0xbf: {  	[sflag:s17] =	ssyncadd.s32 $0xFFFFE000  }
0xc0: {  	_ =	swait.ge [sflag:s23], $0x2000  }
0xc1: {  	[sflag:s23] =	ssyncset.done $0x0  }
0xc2: {  	[sflag:s23] =	ssyncadd.s32 $0xFFFFE000  }
0xc3: {  	_ =	swait.ge [sflag:s24], $0x2000  }
0xc4: {  	[sflag:s24] =	ssyncset.done $0x0  }
0xc5: {  	[sflag:s24] =	ssyncadd.s32 $0xFFFFE000  }
0xc6: {  	[tilespmem:s25], [sflag:$0x2] =	stream.indirect.gather [hbm4b:s3+s18], $0x40, s20, s18, $0xb8;
	[tilespmem:$0x8200] =	vst v63  }
0xc7: {  	s31 =	simm.s32 $0x0  }
0xc8: {  	[tilespmem:s26], [sflag:$0x4] =	stream.linear.gather [hbm4b:s13+s0], $0x2000, $0x38;
	[tilespmem:$0x8200] =	vst v63  }
0xc9: {  	v0 =	vld [tilespmem:s31+$0x4200]  }
0xca: {  	v1 =	vld [tilespmem:s31+$0x4210]  }
0xcb: {  	v2 =	vld [tilespmem:s31+$0x4220]  }
0xcc: {  	v3 =	vld [tilespmem:s31+$0x4230]  }
0xcd: {  	v4 =	vld [tilespmem:s31+$0x200]  }
0xce: {  	v6 =	vld [tilespmem:s31+$0x210]  }
0xcf: {  	s0 =	simm.s32 $0x100;
	v5 =	vld [tilespmem:s31+$0x220]  }
.LBB2_6:
0xd0: {  	p0 =	sne.s32 s0, $0x7F00;
	v7 =	vld [tilespmem:s31+$0x230];
	_ =	sdelay $0x1  }
0xd1: {  	v0 =	vadd.f32 v0, v4  }
0xd2: {  	v1 =	vadd.f32 v1, v6  }
0xd3: {  	v0 =	vadd.f32 v0, v0;
	v2 =	vadd.f32 v2, v5  }
0xd4: {  	v1 =	vadd.f32 v1, v1;
	v3 =	vadd.f32 v3, v7  }
0xd5: {  	v0 =	vmul.f32 $1.442695020e+00, v0;
	v2 =	vadd.f32 v2, v2  }
0xd6: {  	v1 =	vmul.f32 $1.442695020e+00, v1;
	v3 =	vadd.f32 v3, v3  }
0xd7: {  	v2 =	vmul.f32 $1.442695020e+00, v2;
	(erf) = vpow2.f32 v0  }
0xd8: {  	v0 =	vmul.f32 $1.442695020e+00, v3;
	(erf) = vpow2.f32 v1  }
0xd9: {  	(erf) = vpow2.f32 v2  }
0xda: {  	(erf) = vpow2.f32 v0;
	_ =	sdelay $0x5  }
0xdb: {  	v0 =	vpop (erf)  }
0xdc: {  	v3 =	vadd.f32 $1.000000000e+00, v0;
	v1 =	vpop (erf)  }
0xdd: {  	v1 =	vadd.f32 $1.000000000e+00, v1;
	v2 =	vpop (erf)  }
0xde: {  	v2 =	vadd.f32 $1.000000000e+00, v2;
	(erf) = vrcp.f32 v3;
	v0 =	vpop (erf)  }
0xdf: {  	v0 =	vadd.f32 $1.000000000e+00, v0;
	(erf) = vrcp.f32 v1  }
0xe0: {  	(erf) = vrcp.f32 v2  }
0xe1: {  	(erf) = vrcp.f32 v0;
	_ =	sdelay $0x5  }
0xe2: {  	v0 =	vpop (erf)  }
0xe3: {  	s1 =	sshra.s32 s0, $0x2;
	v2 =	vadd.f32 v0, v0;
	v1 =	vpop (erf)  }
0xe4: {  	v0 =	vld [tilespmem:s1+$0x4200];
	v3 =	vadd.f32 v1, v1;
	v4 =	vpop (erf)  }
0xe5: {  	v1 =	vld [tilespmem:s1+$0x4210];
	v5 =	vsub.f32 $1.000000000e+00, v2;
	v4 =	vadd.f32 v4, v4;
	v6 =	vpop (erf)  }
.Ltmp2:
0xe6: {  	v2 =	vld [tilespmem:s1+$0x4220];
	v7 =	vsub.f32 $1.000000000e+00, v3;
	v6 =	vadd.f32 v6, v6;
	(pc) =	sbr.rel @p0 .LBB2_6-.Ltmp2, $4  }
0xe7: {  	v3 =	vld [tilespmem:s1+$0x4230];
	[tilespmem:s31+$0x200] =	vst v5;
	v5 =	vsub.f32 $1.000000000e+00, v4  }
0xe8: {  	v4 =	vld [tilespmem:s1+$0x200];
	[tilespmem:s31+$0x210] =	vst v7;
	v7 =	vsub.f32 $1.000000000e+00, v6  }
0xe9: {  	v6 =	vld [tilespmem:s1+$0x210];
	[tilespmem:s31+$0x220] =	vst v5  }
0xea: {  	s0 =	sadd.s32 $0x100, s0;
	v5 =	vld [tilespmem:s1+$0x220];
	[tilespmem:s31+$0x230] =	vst v7;
	s31 =	smov.u32 s1  }
0xeb: {  	_ =	sdelay $0x1  }
0xec: {  	v7 =	vld [tilespmem:s31+$0x230];
	v0 =	vadd.f32 v0, v4;
	_ =	sdelay $0x1  }
0xed: {  	v0 =	vadd.f32 v0, v0  }
0xee: {  	v1 =	vadd.f32 v1, v6  }
0xef: {  	v2 =	vadd.f32 v2, v5;
	v0 =	vmul.f32 $1.442695020e+00, v0  }
0xf0: {  	v1 =	vadd.f32 v1, v1;
	v3 =	vadd.f32 v3, v7  }
0xf1: {  	v2 =	vadd.f32 v2, v2;
	(erf) = vpow2.f32 v0  }
0xf2: {  	v1 =	vmul.f32 $1.442695020e+00, v1;
	v3 =	vadd.f32 v3, v3  }
0xf3: {  	v2 =	vmul.f32 $1.442695020e+00, v2  }
0xf4: {  	v0 =	vmul.f32 $1.442695020e+00, v3;
	(erf) = vpow2.f32 v1  }
0xf5: {  	(erf) = vpow2.f32 v2  }
0xf6: {  	(erf) = vpow2.f32 v0;
	_ =	sdelay $0x3  }
0xf7: {  	v0 =	vpop (erf)  }
0xf8: {  	v0 =	vadd.f32 $1.000000000e+00, v0;
	_ =	sdelay $0x1  }
0xf9: {  	v1 =	vpop (erf)  }
0xfa: {  	v1 =	vadd.f32 $1.000000000e+00, v1;
	v2 =	vpop (erf)  }
0xfb: {  	v2 =	vadd.f32 $1.000000000e+00, v2;
	(erf) = vrcp.f32 v0;
	v0 =	vpop (erf)  }
0xfc: {  	(erf) = vrcp.f32 v1;
	v0 =	vadd.f32 $1.000000000e+00, v0  }
0xfd: {  	(erf) = vrcp.f32 v2  }
0xfe: {  	(erf) = vrcp.f32 v0;
	_ =	sdelay $0x5  }
0xff: {  	v0 =	vpop (erf)  }
0x100: {  	v0 =	vadd.f32 v0, v0;
	v1 =	vpop (erf)  }
0x101: {  	v1 =	vadd.f32 v1, v1;
	v2 =	vpop (erf)  }
0x102: {  	v0 =	vsub.f32 $1.000000000e+00, v0;
	v2 =	vadd.f32 v2, v2;
	v3 =	vpop (erf)  }
0x103: {  	v1 =	vsub.f32 $1.000000000e+00, v1;
	v3 =	vadd.f32 v3, v3  }
0x104: {  	[tilespmem:s31+$0x200] =	vst v0;
	v0 =	vsub.f32 $1.000000000e+00, v2  }
0x105: {  	[tilespmem:s31+$0x210] =	vst v1;
	v1 =	vsub.f32 $1.000000000e+00, v3  }
0x106: {  	[tilespmem:s31+$0x220] =	vst v0  }
0x107: {  	s0 =	simm.s32 $0x0;
	[tilespmem:s31+$0x230] =	vst v1  }
0x108: {  	[hbm4b:s14+s0] =	stream.linear.scatter [tilespmem:s21], [sflag:$0x5], $0x2000, $0x38;
	[tilespmem:$0x8200] =	vst v63  }
0x109: {  	_ =	swait.ge [sflag:s17], $0x2000  }
0x10a: {  	[sflag:s17] =	ssyncset.done $0x0  }
0x10b: {  	[sflag:s17] =	ssyncadd.s32 $0xFFFFE000  }
0x10c: {  	_ =	swait.ge [sflag:s28], $0x2000  }
0x10d: {  	[sflag:s28] =	ssyncset.done $0x0  }
0x10e: {  	[sflag:s28] =	ssyncadd.s32 $0xFFFFE000  }
0x10f: {  	_ =	swait.ge [sflag:s29], $0x2000  }
0x110: {  	[sflag:s29] =	ssyncset.done $0x0  }
0x111: {  	s31 =	simm.s32 $0x0;
	[sflag:s29] =	ssyncadd.s32 $0xFFFFE000  }
0x112: {  	v0 =	vld [tilespmem:s31+$0x6200]  }
0x113: {  	v1 =	vld [tilespmem:s31+$0x6210]  }
0x114: {  	v2 =	vld [tilespmem:s31+$0x6220]  }
0x115: {  	v3 =	vld [tilespmem:s31+$0x6230]  }
0x116: {  	v4 =	vld [tilespmem:s31+$0x2200]  }
0x117: {  	v6 =	vld [tilespmem:s31+$0x2210]  }
0x118: {  	s0 =	simm.s32 $0x100;
	v5 =	vld [tilespmem:s31+$0x2220]  }
.LBB2_8:
0x119: {  	p0 =	sne.s32 s0, $0x7F00;
	v7 =	vld [tilespmem:s31+$0x2230];
	_ =	sdelay $0x1  }
0x11a: {  	v0 =	vadd.f32 v0, v4  }
0x11b: {  	v1 =	vadd.f32 v1, v6  }
0x11c: {  	v0 =	vadd.f32 v0, v0;
	v2 =	vadd.f32 v2, v5  }
0x11d: {  	v1 =	vadd.f32 v1, v1;
	v3 =	vadd.f32 v3, v7  }
0x11e: {  	v0 =	vmul.f32 $1.442695020e+00, v0;
	v2 =	vadd.f32 v2, v2  }
0x11f: {  	v1 =	vmul.f32 $1.442695020e+00, v1;
	v3 =	vadd.f32 v3, v3  }
0x120: {  	v2 =	vmul.f32 $1.442695020e+00, v2;
	(erf) = vpow2.f32 v0  }
0x121: {  	v0 =	vmul.f32 $1.442695020e+00, v3;
	(erf) = vpow2.f32 v1  }
0x122: {  	(erf) = vpow2.f32 v2  }
0x123: {  	(erf) = vpow2.f32 v0;
	_ =	sdelay $0x5  }
0x124: {  	v0 =	vpop (erf)  }
0x125: {  	v3 =	vadd.f32 $1.000000000e+00, v0;
	v1 =	vpop (erf)  }
0x126: {  	v1 =	vadd.f32 $1.000000000e+00, v1;
	v2 =	vpop (erf)  }
0x127: {  	v2 =	vadd.f32 $1.000000000e+00, v2;
	(erf) = vrcp.f32 v3;
	v0 =	vpop (erf)  }
0x128: {  	v0 =	vadd.f32 $1.000000000e+00, v0;
	(erf) = vrcp.f32 v1  }
0x129: {  	(erf) = vrcp.f32 v2  }
0x12a: {  	(erf) = vrcp.f32 v0;
	_ =	sdelay $0x5  }
0x12b: {  	v0 =	vpop (erf)  }
0x12c: {  	s1 =	sshra.s32 s0, $0x2;
	v2 =	vadd.f32 v0, v0;
	v1 =	vpop (erf)  }
0x12d: {  	v0 =	vld [tilespmem:s1+$0x6200];
	v3 =	vadd.f32 v1, v1;
	v4 =	vpop (erf)  }
0x12e: {  	v1 =	vld [tilespmem:s1+$0x6210];
	v5 =	vsub.f32 $1.000000000e+00, v2;
	v4 =	vadd.f32 v4, v4;
	v6 =	vpop (erf)  }
.Ltmp3:
0x12f: {  	v2 =	vld [tilespmem:s1+$0x6220];
	v7 =	vsub.f32 $1.000000000e+00, v3;
	v6 =	vadd.f32 v6, v6;
	(pc) =	sbr.rel @p0 .LBB2_8-.Ltmp3, $4  }
0x130: {  	v3 =	vld [tilespmem:s1+$0x6230];
	[tilespmem:s31+$0x2200] =	vst v5;
	v5 =	vsub.f32 $1.000000000e+00, v4  }
0x131: {  	v4 =	vld [tilespmem:s1+$0x2200];
	[tilespmem:s31+$0x2210] =	vst v7;
	v7 =	vsub.f32 $1.000000000e+00, v6  }
0x132: {  	v6 =	vld [tilespmem:s1+$0x2210];
	[tilespmem:s31+$0x2220] =	vst v5  }
0x133: {  	s0 =	sadd.s32 $0x100, s0;
	v5 =	vld [tilespmem:s1+$0x2220];
	[tilespmem:s31+$0x2230] =	vst v7;
	s31 =	smov.u32 s1  }
0x134: {  	v7 =	vld [tilespmem:s31+$0x2230];
	_ =	sdelay $0x1  }
0x135: {  	v0 =	vadd.f32 v0, v4  }
0x136: {  	v1 =	vadd.f32 v1, v6  }
0x137: {  	v0 =	vadd.f32 v0, v0;
	v2 =	vadd.f32 v2, v5  }
0x138: {  	v1 =	vadd.f32 v1, v1;
	v3 =	vadd.f32 v3, v7  }
0x139: {  	v0 =	vmul.f32 $1.442695020e+00, v0;
	v2 =	vadd.f32 v2, v2  }
0x13a: {  	v1 =	vmul.f32 $1.442695020e+00, v1;
	v3 =	vadd.f32 v3, v3  }
0x13b: {  	v2 =	vmul.f32 $1.442695020e+00, v2;
	(erf) = vpow2.f32 v0  }
0x13c: {  	v57 =	vmul.f32 $1.442695020e+00, v3;
	(erf) = vpow2.f32 v1  }
0x13d: {  	(erf) = vpow2.f32 v2  }
0x13e: {  	(erf) = vpow2.f32 v57;
	_ =	sdelay $0x5  }
0x13f: {  	v58 =	vpop (erf)  }
0x140: {  	v0 =	vadd.f32 $1.000000000e+00, v58;
	v1 =	vpop (erf)  }
0x141: {  	v1 =	vadd.f32 $1.000000000e+00, v1;
	v2 =	vpop (erf)  }
0x142: {  	v2 =	vadd.f32 $1.000000000e+00, v2;
	(erf) = vrcp.f32 v0;
	v59 =	vpop (erf)  }
0x143: {  	v0 =	vadd.f32 $1.000000000e+00, v59;
	(erf) = vrcp.f32 v1  }
0x144: {  	(erf) = vrcp.f32 v2  }
0x145: {  	(erf) = vrcp.f32 v0;
	_ =	sdelay $0x5  }
0x146: {  	v60 =	vpop (erf)  }
0x147: {  	v0 =	vadd.f32 v60, v60;
	v1 =	vpop (erf)  }
0x148: {  	v1 =	vadd.f32 v1, v1;
	v2 =	vpop (erf)  }
0x149: {  	v0 =	vsub.f32 $1.000000000e+00, v0;
	v2 =	vadd.f32 v2, v2;
	v61 =	vpop (erf)  }
0x14a: {  	v1 =	vsub.f32 $1.000000000e+00, v1;
	v3 =	vadd.f32 v61, v61  }
0x14b: {  	[tilespmem:s31+$0x2200] =	vst v0;
	v62 =	vsub.f32 $1.000000000e+00, v2  }
0x14c: {  	s30 =	sadd.s32 $0x1, s30;
	[tilespmem:s31+$0x2210] =	vst v1;
	v63 =	vsub.f32 $1.000000000e+00, v3  }
0x14d: {  	p0 =	sne.s32 s30, s16;
	[tilespmem:s31+$0x2220] =	vst v62  }
.Ltmp4:
0x14e: {  	[tilespmem:s31+$0x2230] =	vst v63;
	(pc) =	sbr.rel @p0 .LBB2_1-.Ltmp4, $4  }
0x14f: {  	[hbm4b:s15+s2] =	stream.linear.scatter [tilespmem:s25], [sflag:$0x5], $0x2000, $0x38;
	[tilespmem:$0x8200] =	vst v63  }
0x150: {  	_ =	swait.ge [sflag:s17], $0x2000  }
0x151: {  	[sflag:s17] =	ssyncset.done $0x0  }
0x152: {  	[sflag:s17] =	ssyncadd.s32 $0xFFFFE000  }
0x153: {  	_ =	sfence.sel $0x180000  }
0x154: {  	[bflag:$0x0] =	sbarrier.arrive $0xFFFF  }
0x155: {  	_ =	strace $0x9000004A  }
0x156: {  	s0 =	stileid.u32;
	[bflag:$0x2] =	sbarrier.arrive $0xFFFF  }
0x157: {  	p0 =	sne.s32 s0, $0x0;
	s0 =	rddreg [dreg:$0x3]  }
0x158: {  	s0 =	sadd.s32 @!p0 $0x100000, s0  }
0x159: {  	[sflag:s0] =	ssyncadd.tile.s32 @!p0 $0x1;
	_ =	shalt  }
.Lfunc_end2:
_tile_overlayer_lowered:
.L_overlay_start_2:
0x15a: {  	(tag) =	ssettag $0x2  }
0x15b: {  	s0 =	rddreg [dreg:$0x0];
	s2 =	stileid.u32  }
0x15c: {  	s1 =	rddreg [dreg:$0x1];
	p0 =	sne.s32 s2, $0x0  }
0x15d: {  	s3 =	rddreg [dreg:$0x2];
	[bflag:$0x3] =	sbarrier.arrive $0xFFFF;
	s2 =	simm.s32 @!p0 $0x1C05  }
0x15e: {  	[timem:s3], [sflag:s2] =	dma.local @!p0 [hbm:s0], s1  }
0x15f: {  	s0 =	simm.s32 @!p0 $0x5  }
0x160: {  	_ =	swait.ge @!p0 [sflag:s0], s1  }
0x161: {  	s1 =	ssub.s32 @!p0 $0x0, s1;
	[sflag:s0] =	ssyncset.done @!p0 $0x0  }
0x162: {  	[sflag:s0] =	ssyncadd.s32 @!p0 s1  }
0x163: {  	[bflag:$0x3] =	sbarrier.arrive $0xFFFF  }
0x164: {  	_ =	shalt  }

</sc_bundles>
